<compile_context>
chip_gen: v7x
topology: tpu7x:2x2x1
jax: 0.10.2.dev20260603
libtpu: 0.0.44.dev20260713+nightly
codegen_flags: <defaults>
</compile_context>

<pallas_src>
import functools

import jax
import jax.numpy as jnp
from jax import lax
from jax.experimental import pallas as pl
from jax.experimental.pallas import tpu as pltpu
from jax.experimental.pallas import tpu_sc as plsc

N = 10000
NPAD = 10240
E = 320000
NC, NS = 2, 16
NW = NC * NS
CHUNK = 128
CWA = 140
CWB = 20
CWM = max(CWA, CWB)
DCW = 80
EPAD = NS * (CWA + CWB) * CHUNK
RPT = NPAD // NS
RB = 1024

_mesh = plsc.VectorSubcoreMesh(core_axis_name="c", subcore_axis_name="s")



def _deg_body(dst_hbm, z1_hbm, deg_out, didx, ones_ref, acc):
    c = lax.axis_index("c")
    s = lax.axis_index("s")
    wid = c * NS + s
    pltpu.sync_copy(z1_hbm.at[pl.ds(s * RPT, RPT)], acc.at[pl.ds(s * RPT, RPT)])
    for i in range(CHUNK // 16):
        ones_ref[pl.ds(i * 16, 16)] = jnp.full((16,), 1.0, jnp.float32)
    pltpu.sync_copy(dst_hbm.at[wid], didx)
    plsc.subcore_barrier()

    def step(j, carry):
        pltpu.sync_copy(ones_ref, acc.at[didx.at[j]], add=True)
        return carry

    lax.fori_loop(0, DCW, step, 0, unroll=False)
    plsc.subcore_barrier()
    pltpu.sync_copy(acc.at[pl.ds(s * RPT, RPT)],
                    deg_out.at[c, pl.ds(s * RPT, RPT)])


_deg_kernel = functools.partial(
    pl.kernel,
    out_type=jax.ShapeDtypeStruct((NC, NPAD), jnp.float32),
    mesh=_mesh,
    scratch_types=[
        pltpu.VMEM((DCW, CHUNK), jnp.int32),
        pltpu.VMEM((CHUNK,), jnp.float32),
        pltpu.VMEM_SHARED((NPAD,), jnp.float32),
    ],
)(_deg_body)


def _make_spmm(C):
    def body(pidx_hbm, g_hbm, outf_hbm, outb_hbm,
             pidx, sring, dring, rows, acc):
        c = lax.axis_index("c")
        s = lax.axis_index("s")
        wid = c * NS + s

        def zrow(r, carry):
            for u in range(C // 16):
                rows[r, pl.ds(u * 16, 16)] = jnp.zeros((16,), jnp.float32)
            return carry

        lax.fori_loop(0, CHUNK, zrow, 0, unroll=False)
        for q in range(RPT // CHUNK):
            pltpu.sync_copy(
                rows, acc.at[pl.ds(s * RPT + q * CHUNK, CHUNK)])
        pltpu.sync_copy(pidx_hbm.at[wid], pidx)
        plsc.subcore_barrier()

        def step(j, carry):
            for v in range(CHUNK // 16):
                pk = pidx[j, pl.ds(v * 16, 16)]
                sring[pl.ds(v * 16, 16)] = pk & 0x3FFF
                dring[pl.ds(v * 16, 16)] = pk >> 14
            pltpu.sync_copy(g_hbm.at[sring], rows)
            pltpu.sync_copy(rows, acc.at[dring], add=True)
            return carry

        nch = jnp.where(c == 0, CWA, CWB)
        lax.fori_loop(0, nch, step, 0, unroll=False)
        plsc.subcore_barrier()

        @pl.when(c == 0)
        def _wf():
            pltpu.sync_copy(acc.at[pl.ds(s * RPT, RPT)],
                            outf_hbm.at[pl.ds(s * RPT, RPT)])

        @pl.when(c == 1)
        def _wb():
            pltpu.sync_copy(acc.at[pl.ds(s * RPT, RPT)],
                            outb_hbm.at[pl.ds(s * RPT, RPT)])

    return pl.kernel(
        body,
        out_type=[
            jax.ShapeDtypeStruct((NPAD, C), jnp.float32),
            jax.ShapeDtypeStruct((NPAD, C), jnp.float32),
        ],
        mesh=_mesh,
        compiler_params=pltpu.CompilerParams(use_tc_tiling_on_sc=(C == 128)),
        scratch_types=[
            pltpu.VMEM((CWM, CHUNK), jnp.int32),
            pltpu.VMEM((CHUNK,), jnp.int32),
            pltpu.VMEM((CHUNK,), jnp.int32),
            pltpu.VMEM((CHUNK, C), jnp.float32),
            pltpu.VMEM_SHARED((NPAD, C), jnp.float32),
        ],
    )


_spmm128 = _make_spmm(128)
_spmm64 = _make_spmm(64)



def _tc1_body(degp_ref, x_ref, w_ref, g_ref, dis_ref):
    deg = degp_ref[0] + degp_ref[1] + 1.0
    dis = lax.rsqrt(deg)
    dis_ref[...] = dis
    g_ref[...] = jnp.dot(x_ref[...] * dis, w_ref[...],
                         preferred_element_type=jnp.float32)


def _tc_first(degp, x, w):
    grid = NPAD // RB
    return pl.pallas_call(
        _tc1_body,
        grid=(grid,),
        in_specs=[
            pl.BlockSpec((2, RB, 1), lambda i: (0, i, 0)),
            pl.BlockSpec((RB, 128), lambda i: (i, 0)),
            pl.BlockSpec((128, 128), lambda i: (0, 0)),
        ],
        out_specs=[
            pl.BlockSpec((RB, 128), lambda i: (i, 0)),
            pl.BlockSpec((RB, 1), lambda i: (i, 0)),
        ],
        out_shape=[
            jax.ShapeDtypeStruct((NPAD, 128), jnp.float32),
            jax.ShapeDtypeStruct((NPAD, 1), jnp.float32),
        ],
    )(degp, x, w)


def _tc_mid_body(pf_ref, pb_ref, g_ref, dis_ref, b_ref, w_ref, o_ref):
    dis = dis_ref[...]
    p = pf_ref[...] + pb_ref[...]
    pre = (p + g_ref[...]) * dis + b_ref[...]
    h = jnp.maximum(pre, 0.0)
    o_ref[...] = jnp.dot(h * dis, w_ref[...],
                         preferred_element_type=jnp.float32)


def _tc_mid(pf, pb, g, dis, b, w, cin, cout):
    grid = NPAD // RB
    return pl.pallas_call(
        _tc_mid_body,
        grid=(grid,),
        in_specs=[
            pl.BlockSpec((RB, cin), lambda i: (i, 0)),
            pl.BlockSpec((RB, cin), lambda i: (i, 0)),
            pl.BlockSpec((RB, cin), lambda i: (i, 0)),
            pl.BlockSpec((RB, 1), lambda i: (i, 0)),
            pl.BlockSpec((1, cin), lambda i: (0, 0)),
            pl.BlockSpec((cin, cout), lambda i: (0, 0)),
        ],
        out_specs=pl.BlockSpec((RB, cout), lambda i: (i, 0)),
        out_shape=jax.ShapeDtypeStruct((NPAD, cout), jnp.float32),
    )(pf, pb, g, dis, b, w)


def _tc_last_body(pf_ref, pb_ref, g_ref, dis_ref, b_ref, o_ref):
    p = pf_ref[...] + pb_ref[...]
    z = (p + g_ref[...]) * dis_ref[...] + b_ref[...]
    m = jnp.max(z, axis=1, keepdims=True)
    e = jnp.exp(z - m)
    lse = jnp.log(jnp.sum(e, axis=1, keepdims=True))
    o_ref[...] = z - m - lse


def _tc_last(pf, pb, g, dis, b):
    grid = NPAD // RB
    return pl.pallas_call(
        _tc_last_body,
        grid=(grid,),
        in_specs=[
            pl.BlockSpec((RB, 64), lambda i: (i, 0)),
            pl.BlockSpec((RB, 64), lambda i: (i, 0)),
            pl.BlockSpec((RB, 64), lambda i: (i, 0)),
            pl.BlockSpec((RB, 1), lambda i: (i, 0)),
            pl.BlockSpec((1, 64), lambda i: (0, 0)),
        ],
        out_specs=pl.BlockSpec((RB, 64), lambda i: (i, 0)),
        out_shape=jax.ShapeDtypeStruct((NPAD, 64), jnp.float32),
    )(pf, pb, g, dis, b)



def kernel(x, edge_index, omega, partition, W1, b1, W2, b2, W3, b3):
    src = edge_index[0]
    dst = edge_index[1]
    pad = EPAD - E
    pad_dst = (N + 16 + (jnp.arange(pad, dtype=jnp.int32) % (NPAD - N - 16)))
    src_f = jnp.concatenate([src, jnp.zeros((pad,), jnp.int32)])
    dst_f = jnp.concatenate([dst, pad_dst])
    pk_f = src_f | (dst_f << 14)
    cut = NS * CWA * CHUNK
    fill = (N + 16) << 14
    pa = jnp.pad(pk_f[:cut].reshape(NS, CWA, CHUNK),
                 ((0, 0), (0, CWM - CWA), (0, 0)), constant_values=fill)
    pb = jnp.pad(pk_f[cut:].reshape(NS, CWB, CHUNK),
                 ((0, 0), (0, CWM - CWB), (0, 0)), constant_values=fill)
    packed = jnp.concatenate([pa, pb], axis=0)
    dst_g = dst_f.reshape(NW, DCW, CHUNK)
    xp = jnp.pad(x, ((0, NPAD - N), (0, 0)))
    z1 = jnp.zeros((NPAD,), jnp.float32)

    degp = _deg_kernel(dst_g, z1)
    degp3 = degp.reshape(NC, NPAD, 1)

    g1, dis = _tc_first(degp3, xp, W1)
    p1f, p1b = _spmm128(packed, g1)
    g2 = _tc_mid(p1f, p1b, g1, dis, b1.reshape(1, 128), W2, 128, 128)
    p2f, p2b = _spmm128(packed, g2)
    g3 = _tc_mid(p2f, p2b, g2, dis, b2.reshape(1, 128), W3, 128, 64)
    p3f, p3b = _spmm64(packed, g3)
    out = _tc_last(p3f, p3b, g3, dis, b3.reshape(1, 64))
    return out[:N]

# --- scband reference (transcript-rebuilt; emitter-appended) ---
"""Pipeline reference for scband-training-gcn-20220706029993 (READ-ONLY COPY).

The authoritative reference and input builder live on the scoring server;
editing this copy changes nothing except your own understanding.
"""

import jax, jax.numpy as jnp
import numpy as np

N = 10000
E = 320000
IN_C = 128
HID = 128
OUT_C = 64


def setup_inputs(seed: int = 0) -> dict:
    key = jax.random.key(seed)
    ks = jax.random.split(key, 12)
    x = jax.random.normal(ks[0], (N, IN_C), dtype=jnp.float32)
    edge_index = jax.random.randint(ks[1], (2, E), 0, N, dtype=jnp.int32)
    omega = jax.random.normal(ks[2], (N, IN_C), dtype=jnp.float32)
    partition = jax.random.uniform(ks[3], (1000, N), dtype=jnp.float32)
    # GCN parameters (3 GCNConv layers)
    W1 = jax.random.normal(ks[4], (IN_C, HID), dtype=jnp.float32) * 0.05
    b1 = jnp.zeros((HID,), dtype=jnp.float32)
    W2 = jax.random.normal(ks[5], (HID, HID), dtype=jnp.float32) * 0.05
    b2 = jnp.zeros((HID,), dtype=jnp.float32)
    W3 = jax.random.normal(ks[6], (HID, OUT_C), dtype=jnp.float32) * 0.05
    b3 = jnp.zeros((OUT_C,), dtype=jnp.float32)
    return {"x": x, "edge_index": edge_index, "omega": omega, "partition": partition,
            "W1": W1, "b1": b1, "W2": W2, "b2": b2, "W3": W3, "b3": b3}


def gcn_conv(h, src, dst, W, b):
    # PyG-style GCNConv: add self-loops, symmetric normalization, scatter-add aggregation
    n = h.shape[0]
    loop = jnp.arange(n, dtype=src.dtype)
    s = jnp.concatenate([src, loop])
    d = jnp.concatenate([dst, loop])
    deg = jnp.zeros((n,), dtype=h.dtype).at[d].add(1.0)
    dis = jnp.where(deg > 0, jax.lax.rsqrt(jnp.maximum(deg, 1e-12)), 0.0)
    norm = dis[s] * dis[d]
    hw = h @ W
    msg = hw[s] * norm[:, None]
    out = jax.ops.segment_sum(msg, d, num_segments=n)
    return out + b


def reference(x, edge_index, omega, partition, W1, b1, W2, b2, W3, b3):
    # Eval-mode path of training_GCN (the only runnable branch of the original
    # torch code): 3-layer GCN (no dropout) followed by log_softmax.
    # omega and partition are accepted but unused in eval mode.
    src = edge_index[0]
    dst = edge_index[1]
    h = jax.nn.relu(gcn_conv(x, src, dst, W1, b1))
    h = jax.nn.relu(gcn_conv(h, src, dst, W2, b2))
    h = gcn_conv(h, src, dst, W3, b3)
    return jax.nn.log_softmax(h, axis=1)

if __name__ == "__main__":
    import jax
    _d = setup_inputs()
    print(jax.jit(kernel)(*tuple(_d.values())))

</pallas_src>

<mosaic_0001>
#map = affine_map<(d0, d1) -> (0, 0, 0)>
#map1 = affine_map<(d0, d1) -> (0, 0)>
module attributes {stable_mosaic.version = 14 : i64} {
  func.func @body(%arg0: i32, %arg1: i32, %arg2: memref<32x140x128xi32, #tpu.memory_space<hbm>>, %arg3: memref<10240x64xf32, #tpu.memory_space<hbm>>, %arg4: memref<10240x64xf32, #tpu.memory_space<hbm>>, %arg5: memref<10240x64xf32, #tpu.memory_space<hbm>>, %arg6: memref<140x128xi32, #tpu.memory_space<vmem>>, %arg7: memref<128xi32, #tpu.memory_space<vmem>>, %arg8: memref<128xi32, #tpu.memory_space<vmem>>, %arg9: memref<128x64xf32, #tpu.memory_space<vmem>>, %arg10: memref<10240x64xf32, #tpu.memory_space<vmem_shared>>) attributes {dimension_semantics = [#tpu.dimension_semantics<core_parallel>, #tpu.dimension_semantics<subcore_parallel>], iteration_bounds = array<i64: 2, 16>, scalar_prefetch = 0 : i64, scratch_operands = 5 : i64, tpu.core_type = #tpu.core_type<sc_vector_subcore>, window_params = [{transform_indices = #map}, {transform_indices = #map1}, {transform_indices = #map1}, {transform_indices = #map1}]} {
    %mul3A = arith.constant 16 : i32
    %mul3A_0 = arith.muli %arg0, %mul3A : i32
    %add3A = arith.addi %mul3A_0, %arg1 : i32
    %scan3A = arith.constant 0 : i32
    %scan3A_1 = arith.constant 0 : i32
    %scan3A_2 = arith.constant 128 : i32
    %scan3A_3 = arith.addi %scan3A_1, %scan3A_2 : i32
    %scan3A_4 = arith.constant 1 : i32
    scf.for %scan3A_46 = %scan3A_1 to %scan3A_3 step %scan3A_4  : i32 {
      %broadcast_in_dim3A = arith.constant 0.000000e+00 : f32
      %broadcast_in_dim3A_47 = vector.broadcast %broadcast_in_dim3A : f32 to vector<16xf32>
      %swap3A = arith.index_cast %scan3A_46 : i32 to index
      %swap3A_48 = arith.constant 0 : index
      %swap3A_49 = tpu.vector_load %arg9[%swap3A, %swap3A_48] {strides = array<i32>} : memref<128x64xf32, #tpu.memory_space<vmem>>, vector<1x16xf32>,
      %swap3A_50 = vector.shape_cast %swap3A_49 : vector<1x16xf32> to vector<16xf32>
      %swap3A_51 = vector.shape_cast %broadcast_in_dim3A_47 : vector<16xf32> to vector<1x16xf32>
      tpu.vector_store %arg9[%swap3A, %swap3A_48], %swap3A_51 {strides = array<i32>} : memref<128x64xf32, #tpu.memory_space<vmem>>, vector<1x16xf32>,
      %broadcast_in_dim3A_52 = arith.constant 0.000000e+00 : f32
      %broadcast_in_dim3A_53 = vector.broadcast %broadcast_in_dim3A_52 : f32 to vector<16xf32>
      %swap3A_54 = arith.index_cast %scan3A_46 : i32 to index
      %swap3A_55 = arith.constant 16 : index
      %swap3A_56 = tpu.vector_load %arg9[%swap3A_54, %swap3A_55] {strides = array<i32>} : memref<128x64xf32, #tpu.memory_space<vmem>>, vector<1x16xf32>,
      %swap3A_57 = vector.shape_cast %swap3A_56 : vector<1x16xf32> to vector<16xf32>
      %swap3A_58 = vector.shape_cast %broadcast_in_dim3A_53 : vector<16xf32> to vector<1x16xf32>
      tpu.vector_store %arg9[%swap3A_54, %swap3A_55], %swap3A_58 {strides = array<i32>} : memref<128x64xf32, #tpu.memory_space<vmem>>, vector<1x16xf32>,
      %broadcast_in_dim3A_59 = arith.constant 0.000000e+00 : f32
      %broadcast_in_dim3A_60 = vector.broadcast %broadcast_in_dim3A_59 : f32 to vector<16xf32>
      %swap3A_61 = arith.index_cast %scan3A_46 : i32 to index
      %swap3A_62 = arith.constant 32 : index
      %swap3A_63 = tpu.vector_load %arg9[%swap3A_61, %swap3A_62] {strides = array<i32>} : memref<128x64xf32, #tpu.memory_space<vmem>>, vector<1x16xf32>,
      %swap3A_64 = vector.shape_cast %swap3A_63 : vector<1x16xf32> to vector<16xf32>
      %swap3A_65 = vector.shape_cast %broadcast_in_dim3A_60 : vector<16xf32> to vector<1x16xf32>
      tpu.vector_store %arg9[%swap3A_61, %swap3A_62], %swap3A_65 {strides = array<i32>} : memref<128x64xf32, #tpu.memory_space<vmem>>, vector<1x16xf32>,
      %broadcast_in_dim3A_66 = arith.constant 0.000000e+00 : f32
      %broadcast_in_dim3A_67 = vector.broadcast %broadcast_in_dim3A_66 : f32 to vector<16xf32>
      %swap3A_68 = arith.index_cast %scan3A_46 : i32 to index
      %swap3A_69 = arith.constant 48 : index
      %swap3A_70 = tpu.vector_load %arg9[%swap3A_68, %swap3A_69] {strides = array<i32>} : memref<128x64xf32, #tpu.memory_space<vmem>>, vector<1x16xf32>,
      %swap3A_71 = vector.shape_cast %swap3A_70 : vector<1x16xf32> to vector<16xf32>
      %swap3A_72 = vector.shape_cast %broadcast_in_dim3A_67 : vector<16xf32> to vector<1x16xf32>
      tpu.vector_store %arg9[%swap3A_68, %swap3A_69], %swap3A_72 {strides = array<i32>} : memref<128x64xf32, #tpu.memory_space<vmem>>, vector<1x16xf32>,
    }
    %scan3A_5 = arith.constant 128 : i32
    %mul3A_6 = arith.constant 640 : i32
    %mul3A_7 = arith.muli %arg1, %mul3A_6 : i32
    %add3A_8 = arith.constant 0 : i32
    %add3A_9 = arith.addi %mul3A_7, %add3A_8 : i32
    "tpu.region"() ({
      %run_scoped3A = tpu.sem_alloc : memref<!tpu.dma_semaphore, #tpu.memory_space<semaphore_mem>>
      %dma_start3A = arith.constant 0 : i32
      %dma_start3A_46 = tpu.memref_slice %arg10[%add3A_9, %dma_start3A] : memref<10240x64xf32, #tpu.memory_space<vmem_shared>> -> memref<128x64xf32, #tpu.memory_space<vmem_shared>>
      %dma_start3A_47 = arith.constant 0 : i32
      %dma_start3A_48 = tpu.memref_slice %arg10[%add3A_9, %dma_start3A_47] : memref<10240x64xf32, #tpu.memory_space<vmem_shared>> -> memref<128x64xf32, #tpu.memory_space<vmem_shared>>
      tpu.enqueue_dma source(%arg9 : memref<128x64xf32, #tpu.memory_space<vmem>>) target(%dma_start3A_48 : memref<128x64xf32, #tpu.memory_space<vmem_shared>>) target_semaphore(%run_scoped3A : memref<!tpu.dma_semaphore, #tpu.memory_space<semaphore_mem>>)
      %dma_wait3A = arith.constant 0 : i32
      %dma_wait3A_49 = tpu.memref_slice %arg10[%add3A_9, %dma_wait3A] : memref<10240x64xf32, #tpu.memory_space<vmem_shared>> -> memref<128x64xf32, #tpu.memory_space<vmem_shared>>
      %dma_wait3A_50 = arith.constant 0 : i32
      %dma_wait3A_51 = tpu.memref_slice %arg10[%add3A_9, %dma_wait3A_50] : memref<10240x64xf32, #tpu.memory_space<vmem_shared>> -> memref<128x64xf32, #tpu.memory_space<vmem_shared>>
      tpu.wait_dma2 semaphore(%run_scoped3A : memref<!tpu.dma_semaphore, #tpu.memory_space<semaphore_mem>>) src(%arg9 : memref<128x64xf32, #tpu.memory_space<vmem>>) dst(%dma_wait3A_51 : memref<128x64xf32, #tpu.memory_space<vmem_shared>>)
      tpu.yield
    }) : () -> ()
    %mul3A_10 = arith.constant 640 : i32
    %mul3A_11 = arith.muli %arg1, %mul3A_10 : i32
    %add3A_12 = arith.constant 128 : i32
    %add3A_13 = arith.addi %mul3A_11, %add3A_12 : i32
    "tpu.region"() ({
      %run_scoped3A = tpu.sem_alloc : memref<!tpu.dma_semaphore, #tpu.memory_space<semaphore_mem>>
      %dma_start3A = arith.constant 0 : i32
      %dma_start3A_46 = tpu.memref_slice %arg10[%add3A_13, %dma_start3A] : memref<10240x64xf32, #tpu.memory_space<vmem_shared>> -> memref<128x64xf32, #tpu.memory_space<vmem_shared>>
      %dma_start3A_47 = arith.constant 0 : i32
      %dma_start3A_48 = tpu.memref_slice %arg10[%add3A_13, %dma_start3A_47] : memref<10240x64xf32, #tpu.memory_space<vmem_shared>> -> memref<128x64xf32, #tpu.memory_space<vmem_shared>>
      tpu.enqueue_dma source(%arg9 : memref<128x64xf32, #tpu.memory_space<vmem>>) target(%dma_start3A_48 : memref<128x64xf32, #tpu.memory_space<vmem_shared>>) target_semaphore(%run_scoped3A : memref<!tpu.dma_semaphore, #tpu.memory_space<semaphore_mem>>)
      %dma_wait3A = arith.constant 0 : i32
      %dma_wait3A_49 = tpu.memref_slice %arg10[%add3A_13, %dma_wait3A] : memref<10240x64xf32, #tpu.memory_space<vmem_shared>> -> memref<128x64xf32, #tpu.memory_space<vmem_shared>>
      %dma_wait3A_50 = arith.constant 0 : i32
      %dma_wait3A_51 = tpu.memref_slice %arg10[%add3A_13, %dma_wait3A_50] : memref<10240x64xf32, #tpu.memory_space<vmem_shared>> -> memref<128x64xf32, #tpu.memory_space<vmem_shared>>
      tpu.wait_dma2 semaphore(%run_scoped3A : memref<!tpu.dma_semaphore, #tpu.memory_space<semaphore_mem>>) src(%arg9 : memref<128x64xf32, #tpu.memory_space<vmem>>) dst(%dma_wait3A_51 : memref<128x64xf32, #tpu.memory_space<vmem_shared>>)
      tpu.yield
    }) : () -> ()
    %mul3A_14 = arith.constant 640 : i32
    %mul3A_15 = arith.muli %arg1, %mul3A_14 : i32
    %add3A_16 = arith.constant 256 : i32
    %add3A_17 = arith.addi %mul3A_15, %add3A_16 : i32
    "tpu.region"() ({
      %run_scoped3A = tpu.sem_alloc : memref<!tpu.dma_semaphore, #tpu.memory_space<semaphore_mem>>
      %dma_start3A = arith.constant 0 : i32
      %dma_start3A_46 = tpu.memref_slice %arg10[%add3A_17, %dma_start3A] : memref<10240x64xf32, #tpu.memory_space<vmem_shared>> -> memref<128x64xf32, #tpu.memory_space<vmem_shared>>
      %dma_start3A_47 = arith.constant 0 : i32
      %dma_start3A_48 = tpu.memref_slice %arg10[%add3A_17, %dma_start3A_47] : memref<10240x64xf32, #tpu.memory_space<vmem_shared>> -> memref<128x64xf32, #tpu.memory_space<vmem_shared>>
      tpu.enqueue_dma source(%arg9 : memref<128x64xf32, #tpu.memory_space<vmem>>) target(%dma_start3A_48 : memref<128x64xf32, #tpu.memory_space<vmem_shared>>) target_semaphore(%run_scoped3A : memref<!tpu.dma_semaphore, #tpu.memory_space<semaphore_mem>>)
      %dma_wait3A = arith.constant 0 : i32
      %dma_wait3A_49 = tpu.memref_slice %arg10[%add3A_17, %dma_wait3A] : memref<10240x64xf32, #tpu.memory_space<vmem_shared>> -> memref<128x64xf32, #tpu.memory_space<vmem_shared>>
      %dma_wait3A_50 = arith.constant 0 : i32
      %dma_wait3A_51 = tpu.memref_slice %arg10[%add3A_17, %dma_wait3A_50] : memref<10240x64xf32, #tpu.memory_space<vmem_shared>> -> memref<128x64xf32, #tpu.memory_space<vmem_shared>>
      tpu.wait_dma2 semaphore(%run_scoped3A : memref<!tpu.dma_semaphore, #tpu.memory_space<semaphore_mem>>) src(%arg9 : memref<128x64xf32, #tpu.memory_space<vmem>>) dst(%dma_wait3A_51 : memref<128x64xf32, #tpu.memory_space<vmem_shared>>)
      tpu.yield
    }) : () -> ()
    %mul3A_18 = arith.constant 640 : i32
    %mul3A_19 = arith.muli %arg1, %mul3A_18 : i32
    %add3A_20 = arith.constant 384 : i32
    %add3A_21 = arith.addi %mul3A_19, %add3A_20 : i32
    "tpu.region"() ({
      %run_scoped3A = tpu.sem_alloc : memref<!tpu.dma_semaphore, #tpu.memory_space<semaphore_mem>>
      %dma_start3A = arith.constant 0 : i32
      %dma_start3A_46 = tpu.memref_slice %arg10[%add3A_21, %dma_start3A] : memref<10240x64xf32, #tpu.memory_space<vmem_shared>> -> memref<128x64xf32, #tpu.memory_space<vmem_shared>>
      %dma_start3A_47 = arith.constant 0 : i32
      %dma_start3A_48 = tpu.memref_slice %arg10[%add3A_21, %dma_start3A_47] : memref<10240x64xf32, #tpu.memory_space<vmem_shared>> -> memref<128x64xf32, #tpu.memory_space<vmem_shared>>
      tpu.enqueue_dma source(%arg9 : memref<128x64xf32, #tpu.memory_space<vmem>>) target(%dma_start3A_48 : memref<128x64xf32, #tpu.memory_space<vmem_shared>>) target_semaphore(%run_scoped3A : memref<!tpu.dma_semaphore, #tpu.memory_space<semaphore_mem>>)
      %dma_wait3A = arith.constant 0 : i32
      %dma_wait3A_49 = tpu.memref_slice %arg10[%add3A_21, %dma_wait3A] : memref<10240x64xf32, #tpu.memory_space<vmem_shared>> -> memref<128x64xf32, #tpu.memory_space<vmem_shared>>
      %dma_wait3A_50 = arith.constant 0 : i32
      %dma_wait3A_51 = tpu.memref_slice %arg10[%add3A_21, %dma_wait3A_50] : memref<10240x64xf32, #tpu.memory_space<vmem_shared>> -> memref<128x64xf32, #tpu.memory_space<vmem_shared>>
      tpu.wait_dma2 semaphore(%run_scoped3A : memref<!tpu.dma_semaphore, #tpu.memory_space<semaphore_mem>>) src(%arg9 : memref<128x64xf32, #tpu.memory_space<vmem>>) dst(%dma_wait3A_51 : memref<128x64xf32, #tpu.memory_space<vmem_shared>>)
      tpu.yield
    }) : () -> ()
    %mul3A_22 = arith.constant 640 : i32
    %mul3A_23 = arith.muli %arg1, %mul3A_22 : i32
    %add3A_24 = arith.constant 512 : i32
    %add3A_25 = arith.addi %mul3A_23, %add3A_24 : i32
    "tpu.region"() ({
      %run_scoped3A = tpu.sem_alloc : memref<!tpu.dma_semaphore, #tpu.memory_space<semaphore_mem>>
      %dma_start3A = arith.constant 0 : i32
      %dma_start3A_46 = tpu.memref_slice %arg10[%add3A_25, %dma_start3A] : memref<10240x64xf32, #tpu.memory_space<vmem_shared>> -> memref<128x64xf32, #tpu.memory_space<vmem_shared>>
      %dma_start3A_47 = arith.constant 0 : i32
      %dma_start3A_48 = tpu.memref_slice %arg10[%add3A_25, %dma_start3A_47] : memref<10240x64xf32, #tpu.memory_space<vmem_shared>> -> memref<128x64xf32, #tpu.memory_space<vmem_shared>>
      tpu.enqueue_dma source(%arg9 : memref<128x64xf32, #tpu.memory_space<vmem>>) target(%dma_start3A_48 : memref<128x64xf32, #tpu.memory_space<vmem_shared>>) target_semaphore(%run_scoped3A : memref<!tpu.dma_semaphore, #tpu.memory_space<semaphore_mem>>)
      %dma_wait3A = arith.constant 0 : i32
      %dma_wait3A_49 = tpu.memref_slice %arg10[%add3A_25, %dma_wait3A] : memref<10240x64xf32, #tpu.memory_space<vmem_shared>> -> memref<128x64xf32, #tpu.memory_space<vmem_shared>>
      %dma_wait3A_50 = arith.constant 0 : i32
      %dma_wait3A_51 = tpu.memref_slice %arg10[%add3A_25, %dma_wait3A_50] : memref<10240x64xf32, #tpu.memory_space<vmem_shared>> -> memref<128x64xf32, #tpu.memory_space<vmem_shared>>
      tpu.wait_dma2 semaphore(%run_scoped3A : memref<!tpu.dma_semaphore, #tpu.memory_space<semaphore_mem>>) src(%arg9 : memref<128x64xf32, #tpu.memory_space<vmem>>) dst(%dma_wait3A_51 : memref<128x64xf32, #tpu.memory_space<vmem_shared>>)
      tpu.yield
    }) : () -> ()
    "tpu.region"() ({
      %run_scoped3A = tpu.sem_alloc : memref<!tpu.dma_semaphore, #tpu.memory_space<semaphore_mem>>
      %dma_start3A = arith.constant 0 : i32
      %dma_start3A_46 = arith.constant 0 : i32
      %dma_start3A_47 = tpu.memref_slice %arg2[%add3A, %dma_start3A, %dma_start3A_46] : memref<32x140x128xi32, #tpu.memory_space<hbm>> -> memref<1x140x128xi32, #tpu.memory_space<hbm>>
      %dma_start3A_48 = tpu.memref_squeeze %dma_start3A_47 : memref<1x140x128xi32, #tpu.memory_space<hbm>> -> memref<140x128xi32, #tpu.memory_space<hbm>>
      %dma_start3A_49 = arith.constant 0 : i32
      %dma_start3A_50 = arith.constant 0 : i32
      %dma_start3A_51 = tpu.memref_slice %arg2[%add3A, %dma_start3A_49, %dma_start3A_50] : memref<32x140x128xi32, #tpu.memory_space<hbm>> -> memref<1x140x128xi32, #tpu.memory_space<hbm>>
      %dma_start3A_52 = tpu.memref_squeeze %dma_start3A_51 : memref<1x140x128xi32, #tpu.memory_space<hbm>> -> memref<140x128xi32, #tpu.memory_space<hbm>>
      tpu.enqueue_dma source(%dma_start3A_52 : memref<140x128xi32, #tpu.memory_space<hbm>>) target(%arg6 : memref<140x128xi32, #tpu.memory_space<vmem>>) target_semaphore(%run_scoped3A : memref<!tpu.dma_semaphore, #tpu.memory_space<semaphore_mem>>)
      %dma_wait3A = arith.constant 0 : i32
      %dma_wait3A_53 = arith.constant 0 : i32
      %dma_wait3A_54 = tpu.memref_slice %arg2[%add3A, %dma_wait3A, %dma_wait3A_53] : memref<32x140x128xi32, #tpu.memory_space<hbm>> -> memref<1x140x128xi32, #tpu.memory_space<hbm>>
      %dma_wait3A_55 = tpu.memref_squeeze %dma_wait3A_54 : memref<1x140x128xi32, #tpu.memory_space<hbm>> -> memref<140x128xi32, #tpu.memory_space<hbm>>
      %dma_wait3A_56 = arith.constant 0 : i32
      %dma_wait3A_57 = arith.constant 0 : i32
      %dma_wait3A_58 = tpu.memref_slice %arg2[%add3A, %dma_wait3A_56, %dma_wait3A_57] : memref<32x140x128xi32, #tpu.memory_space<hbm>> -> memref<1x140x128xi32, #tpu.memory_space<hbm>>
      %dma_wait3A_59 = tpu.memref_squeeze %dma_wait3A_58 : memref<1x140x128xi32, #tpu.memory_space<hbm>> -> memref<140x128xi32, #tpu.memory_space<hbm>>
      tpu.wait_dma2 semaphore(%run_scoped3A : memref<!tpu.dma_semaphore, #tpu.memory_space<semaphore_mem>>) src(%dma_wait3A_59 : memref<140x128xi32, #tpu.memory_space<hbm>>) dst(%arg6 : memref<140x128xi32, #tpu.memory_space<vmem>>)
      tpu.yield
    }) : () -> ()
    %barrier3A = arith.constant 0 : index
    tpu.barrier barrier_id(%barrier3A)
    %eq3A = arith.constant 0 : i32
    %eq3A_26 = arith.cmpi eq, %arg0, %eq3A : i32
    %jit3A = arith.constant 140 : i32
    %jit3A_27 = arith.constant 20 : i32
    %select_n3A = arith.select %eq3A_26, %jit3A, %jit3A_27 : i32
    %while3A = arith.constant 0 : i32
    %while3A_28 = arith.constant 0 : i32
    %while3A_29 = arith.subi %select_n3A, %while3A_28 : i32
    %while3A_30 = arith.addi %while3A_28, %while3A_29 : i32
    %while3A_31 = arith.constant 1 : i32
    %while3A_32 = arith.divsi %while3A_29, %while3A_31 : i32
    %while3A_33 = arith.muli %while3A_32, %while3A_31 : i32
    %while3A_34 = arith.addi %while3A_28, %while3A_33 : i32
    %while3A_35 = arith.constant 1 : i32
    scf.for %while3A_46 = %while3A_28 to %while3A_34 step %while3A_35  : i32 {
      %get3A = arith.index_cast %while3A_46 : i32 to index
      %get3A_47 = arith.constant 0 : index
      %get3A_48 = tpu.vector_load %arg6[%get3A, %get3A_47] {strides = array<i32>} : memref<140x128xi32, #tpu.memory_space<vmem>>, vector<1x16xi32>,
      %get3A_49 = vector.shape_cast %get3A_48 : vector<1x16xi32> to vector<16xi32>
      %and3A = arith.constant 16383 : i32
      %and3A_50 = vector.broadcast %and3A : i32 to vector<16xi32>
      %and3A_51 = arith.andi %get3A_49, %and3A_50 : vector<16xi32>
      %swap3A = arith.constant 0 : index
      %swap3A_52 = tpu.vector_load %arg7[%swap3A] {strides = array<i32>} : memref<128xi32, #tpu.memory_space<vmem>>, vector<16xi32>,
      %swap3A_53 = vector.shape_cast %swap3A_52 : vector<16xi32> to vector<16xi32>
      %swap3A_54 = vector.shape_cast %and3A_51 : vector<16xi32> to vector<16xi32>
      tpu.vector_store %arg7[%swap3A], %swap3A_54 {strides = array<i32>} : memref<128xi32, #tpu.memory_space<vmem>>, vector<16xi32>,
      %shift_right_arithmetic3A = arith.constant 14 : i32
      %shift_right_arithmetic3A_55 = vector.broadcast %shift_right_arithmetic3A : i32 to vector<16xi32>
      %shift_right_arithmetic3A_56 = arith.shrsi %get3A_49, %shift_right_arithmetic3A_55 : vector<16xi32>
      %swap3A_57 = arith.constant 0 : index
      %swap3A_58 = tpu.vector_load %arg8[%swap3A_57] {strides = array<i32>} : memref<128xi32, #tpu.memory_space<vmem>>, vector<16xi32>,
      %swap3A_59 = vector.shape_cast %swap3A_58 : vector<16xi32> to vector<16xi32>
      %swap3A_60 = vector.shape_cast %shift_right_arithmetic3A_56 : vector<16xi32> to vector<16xi32>
      tpu.vector_store %arg8[%swap3A_57], %swap3A_60 {strides = array<i32>} : memref<128xi32, #tpu.memory_space<vmem>>, vector<16xi32>,
      %get3A_61 = arith.index_cast %while3A_46 : i32 to index
      %get3A_62 = arith.constant 16 : index
      %get3A_63 = tpu.vector_load %arg6[%get3A_61, %get3A_62] {strides = array<i32>} : memref<140x128xi32, #tpu.memory_space<vmem>>, vector<1x16xi32>,
      %get3A_64 = vector.shape_cast %get3A_63 : vector<1x16xi32> to vector<16xi32>
      %and3A_65 = arith.constant 16383 : i32
      %and3A_66 = vector.broadcast %and3A_65 : i32 to vector<16xi32>
      %and3A_67 = arith.andi %get3A_64, %and3A_66 : vector<16xi32>
      %swap3A_68 = arith.constant 16 : index
      %swap3A_69 = tpu.vector_load %arg7[%swap3A_68] {strides = array<i32>} : memref<128xi32, #tpu.memory_space<vmem>>, vector<16xi32>,
      %swap3A_70 = vector.shape_cast %swap3A_69 : vector<16xi32> to vector<16xi32>
      %swap3A_71 = vector.shape_cast %and3A_67 : vector<16xi32> to vector<16xi32>
      tpu.vector_store %arg7[%swap3A_68], %swap3A_71 {strides = array<i32>} : memref<128xi32, #tpu.memory_space<vmem>>, vector<16xi32>,
      %shift_right_arithmetic3A_72 = arith.constant 14 : i32
      %shift_right_arithmetic3A_73 = vector.broadcast %shift_right_arithmetic3A_72 : i32 to vector<16xi32>
      %shift_right_arithmetic3A_74 = arith.shrsi %get3A_64, %shift_right_arithmetic3A_73 : vector<16xi32>
      %swap3A_75 = arith.constant 16 : index
      %swap3A_76 = tpu.vector_load %arg8[%swap3A_75] {strides = array<i32>} : memref<128xi32, #tpu.memory_space<vmem>>, vector<16xi32>,
      %swap3A_77 = vector.shape_cast %swap3A_76 : vector<16xi32> to vector<16xi32>
      %swap3A_78 = vector.shape_cast %shift_right_arithmetic3A_74 : vector<16xi32> to vector<16xi32>
      tpu.vector_store %arg8[%swap3A_75], %swap3A_78 {strides = array<i32>} : memref<128xi32, #tpu.memory_space<vmem>>, vector<16xi32>,
      %get3A_79 = arith.index_cast %while3A_46 : i32 to index
      %get3A_80 = arith.constant 32 : index
      %get3A_81 = tpu.vector_load %arg6[%get3A_79, %get3A_80] {strides = array<i32>} : memref<140x128xi32, #tpu.memory_space<vmem>>, vector<1x16xi32>,
      %get3A_82 = vector.shape_cast %get3A_81 : vector<1x16xi32> to vector<16xi32>
      %and3A_83 = arith.constant 16383 : i32
      %and3A_84 = vector.broadcast %and3A_83 : i32 to vector<16xi32>
      %and3A_85 = arith.andi %get3A_82, %and3A_84 : vector<16xi32>
      %swap3A_86 = arith.constant 32 : index
      %swap3A_87 = tpu.vector_load %arg7[%swap3A_86] {strides = array<i32>} : memref<128xi32, #tpu.memory_space<vmem>>, vector<16xi32>,
      %swap3A_88 = vector.shape_cast %swap3A_87 : vector<16xi32> to vector<16xi32>
      %swap3A_89 = vector.shape_cast %and3A_85 : vector<16xi32> to vector<16xi32>
      tpu.vector_store %arg7[%swap3A_86], %swap3A_89 {strides = array<i32>} : memref<128xi32, #tpu.memory_space<vmem>>, vector<16xi32>,
      %shift_right_arithmetic3A_90 = arith.constant 14 : i32
      %shift_right_arithmetic3A_91 = vector.broadcast %shift_right_arithmetic3A_90 : i32 to vector<16xi32>
      %shift_right_arithmetic3A_92 = arith.shrsi %get3A_82, %shift_right_arithmetic3A_91 : vector<16xi32>
      %swap3A_93 = arith.constant 32 : index
      %swap3A_94 = tpu.vector_load %arg8[%swap3A_93] {strides = array<i32>} : memref<128xi32, #tpu.memory_space<vmem>>, vector<16xi32>,
      %swap3A_95 = vector.shape_cast %swap3A_94 : vector<16xi32> to vector<16xi32>
      %swap3A_96 = vector.shape_cast %shift_right_arithmetic3A_92 : vector<16xi32> to vector<16xi32>
      tpu.vector_store %arg8[%swap3A_93], %swap3A_96 {strides = array<i32>} : memref<128xi32, #tpu.memory_space<vmem>>, vector<16xi32>,
      %get3A_97 = arith.index_cast %while3A_46 : i32 to index
      %get3A_98 = arith.constant 48 : index
      %get3A_99 = tpu.vector_load %arg6[%get3A_97, %get3A_98] {strides = array<i32>} : memref<140x128xi32, #tpu.memory_space<vmem>>, vector<1x16xi32>,
      %get3A_100 = vector.shape_cast %get3A_99 : vector<1x16xi32> to vector<16xi32>
      %and3A_101 = arith.constant 16383 : i32
      %and3A_102 = vector.broadcast %and3A_101 : i32 to vector<16xi32>
      %and3A_103 = arith.andi %get3A_100, %and3A_102 : vector<16xi32>
      %swap3A_104 = arith.constant 48 : index
      %swap3A_105 = tpu.vector_load %arg7[%swap3A_104] {strides = array<i32>} : memref<128xi32, #tpu.memory_space<vmem>>, vector<16xi32>,
      %swap3A_106 = vector.shape_cast %swap3A_105 : vector<16xi32> to vector<16xi32>
      %swap3A_107 = vector.shape_cast %and3A_103 : vector<16xi32> to vector<16xi32>
      tpu.vector_store %arg7[%swap3A_104], %swap3A_107 {strides = array<i32>} : memref<128xi32, #tpu.memory_space<vmem>>, vector<16xi32>,
      %shift_right_arithmetic3A_108 = arith.constant 14 : i32
      %shift_right_arithmetic3A_109 = vector.broadcast %shift_right_arithmetic3A_108 : i32 to vector<16xi32>
      %shift_right_arithmetic3A_110 = arith.shrsi %get3A_100, %shift_right_arithmetic3A_109 : vector<16xi32>
      %swap3A_111 = arith.constant 48 : index
      %swap3A_112 = tpu.vector_load %arg8[%swap3A_111] {strides = array<i32>} : memref<128xi32, #tpu.memory_space<vmem>>, vector<16xi32>,
      %swap3A_113 = vector.shape_cast %swap3A_112 : vector<16xi32> to vector<16xi32>
      %swap3A_114 = vector.shape_cast %shift_right_arithmetic3A_110 : vector<16xi32> to vector<16xi32>
      tpu.vector_store %arg8[%swap3A_111], %swap3A_114 {strides = array<i32>} : memref<128xi32, #tpu.memory_space<vmem>>, vector<16xi32>,
      %get3A_115 = arith.index_cast %while3A_46 : i32 to index
      %get3A_116 = arith.constant 64 : index
      %get3A_117 = tpu.vector_load %arg6[%get3A_115, %get3A_116] {strides = array<i32>} : memref<140x128xi32, #tpu.memory_space<vmem>>, vector<1x16xi32>,
      %get3A_118 = vector.shape_cast %get3A_117 : vector<1x16xi32> to vector<16xi32>
      %and3A_119 = arith.constant 16383 : i32
      %and3A_120 = vector.broadcast %and3A_119 : i32 to vector<16xi32>
      %and3A_121 = arith.andi %get3A_118, %and3A_120 : vector<16xi32>
      %swap3A_122 = arith.constant 64 : index
      %swap3A_123 = tpu.vector_load %arg7[%swap3A_122] {strides = array<i32>} : memref<128xi32, #tpu.memory_space<vmem>>, vector<16xi32>,
      %swap3A_124 = vector.shape_cast %swap3A_123 : vector<16xi32> to vector<16xi32>
      %swap3A_125 = vector.shape_cast %and3A_121 : vector<16xi32> to vector<16xi32>
      tpu.vector_store %arg7[%swap3A_122], %swap3A_125 {strides = array<i32>} : memref<128xi32, #tpu.memory_space<vmem>>, vector<16xi32>,
      %shift_right_arithmetic3A_126 = arith.constant 14 : i32
      %shift_right_arithmetic3A_127 = vector.broadcast %shift_right_arithmetic3A_126 : i32 to vector<16xi32>
      %shift_right_arithmetic3A_128 = arith.shrsi %get3A_118, %shift_right_arithmetic3A_127 : vector<16xi32>
      %swap3A_129 = arith.constant 64 : index
      %swap3A_130 = tpu.vector_load %arg8[%swap3A_129] {strides = array<i32>} : memref<128xi32, #tpu.memory_space<vmem>>, vector<16xi32>,
      %swap3A_131 = vector.shape_cast %swap3A_130 : vector<16xi32> to vector<16xi32>
      %swap3A_132 = vector.shape_cast %shift_right_arithmetic3A_128 : vector<16xi32> to vector<16xi32>
      tpu.vector_store %arg8[%swap3A_129], %swap3A_132 {strides = array<i32>} : memref<128xi32, #tpu.memory_space<vmem>>, vector<16xi32>,
      %get3A_133 = arith.index_cast %while3A_46 : i32 to index
      %get3A_134 = arith.constant 80 : index
      %get3A_135 = tpu.vector_load %arg6[%get3A_133, %get3A_134] {strides = array<i32>} : memref<140x128xi32, #tpu.memory_space<vmem>>, vector<1x16xi32>,
      %get3A_136 = vector.shape_cast %get3A_135 : vector<1x16xi32> to vector<16xi32>
      %and3A_137 = arith.constant 16383 : i32
      %and3A_138 = vector.broadcast %and3A_137 : i32 to vector<16xi32>
      %and3A_139 = arith.andi %get3A_136, %and3A_138 : vector<16xi32>
      %swap3A_140 = arith.constant 80 : index
      %swap3A_141 = tpu.vector_load %arg7[%swap3A_140] {strides = array<i32>} : memref<128xi32, #tpu.memory_space<vmem>>, vector<16xi32>,
      %swap3A_142 = vector.shape_cast %swap3A_141 : vector<16xi32> to vector<16xi32>
      %swap3A_143 = vector.shape_cast %and3A_139 : vector<16xi32> to vector<16xi32>
      tpu.vector_store %arg7[%swap3A_140], %swap3A_143 {strides = array<i32>} : memref<128xi32, #tpu.memory_space<vmem>>, vector<16xi32>,
      %shift_right_arithmetic3A_144 = arith.constant 14 : i32
      %shift_right_arithmetic3A_145 = vector.broadcast %shift_right_arithmetic3A_144 : i32 to vector<16xi32>
      %shift_right_arithmetic3A_146 = arith.shrsi %get3A_136, %shift_right_arithmetic3A_145 : vector<16xi32>
      %swap3A_147 = arith.constant 80 : index
      %swap3A_148 = tpu.vector_load %arg8[%swap3A_147] {strides = array<i32>} : memref<128xi32, #tpu.memory_space<vmem>>, vector<16xi32>,
      %swap3A_149 = vector.shape_cast %swap3A_148 : vector<16xi32> to vector<16xi32>
      %swap3A_150 = vector.shape_cast %shift_right_arithmetic3A_146 : vector<16xi32> to vector<16xi32>
      tpu.vector_store %arg8[%swap3A_147], %swap3A_150 {strides = array<i32>} : memref<128xi32, #tpu.memory_space<vmem>>, vector<16xi32>,
      %get3A_151 = arith.index_cast %while3A_46 : i32 to index
      %get3A_152 = arith.constant 96 : index
      %get3A_153 = tpu.vector_load %arg6[%get3A_151, %get3A_152] {strides = array<i32>} : memref<140x128xi32, #tpu.memory_space<vmem>>, vector<1x16xi32>,
      %get3A_154 = vector.shape_cast %get3A_153 : vector<1x16xi32> to vector<16xi32>
      %and3A_155 = arith.constant 16383 : i32
      %and3A_156 = vector.broadcast %and3A_155 : i32 to vector<16xi32>
      %and3A_157 = arith.andi %get3A_154, %and3A_156 : vector<16xi32>
      %swap3A_158 = arith.constant 96 : index
      %swap3A_159 = tpu.vector_load %arg7[%swap3A_158] {strides = array<i32>} : memref<128xi32, #tpu.memory_space<vmem>>, vector<16xi32>,
      %swap3A_160 = vector.shape_cast %swap3A_159 : vector<16xi32> to vector<16xi32>
      %swap3A_161 = vector.shape_cast %and3A_157 : vector<16xi32> to vector<16xi32>
      tpu.vector_store %arg7[%swap3A_158], %swap3A_161 {strides = array<i32>} : memref<128xi32, #tpu.memory_space<vmem>>, vector<16xi32>,
      %shift_right_arithmetic3A_162 = arith.constant 14 : i32
      %shift_right_arithmetic3A_163 = vector.broadcast %shift_right_arithmetic3A_162 : i32 to vector<16xi32>
      %shift_right_arithmetic3A_164 = arith.shrsi %get3A_154, %shift_right_arithmetic3A_163 : vector<16xi32>
      %swap3A_165 = arith.constant 96 : index
      %swap3A_166 = tpu.vector_load %arg8[%swap3A_165] {strides = array<i32>} : memref<128xi32, #tpu.memory_space<vmem>>, vector<16xi32>,
      %swap3A_167 = vector.shape_cast %swap3A_166 : vector<16xi32> to vector<16xi32>
      %swap3A_168 = vector.shape_cast %shift_right_arithmetic3A_164 : vector<16xi32> to vector<16xi32>
      tpu.vector_store %arg8[%swap3A_165], %swap3A_168 {strides = array<i32>} : memref<128xi32, #tpu.memory_space<vmem>>, vector<16xi32>,
      %get3A_169 = arith.index_cast %while3A_46 : i32 to index
      %get3A_170 = arith.constant 112 : index
      %get3A_171 = tpu.vector_load %arg6[%get3A_169, %get3A_170] {strides = array<i32>} : memref<140x128xi32, #tpu.memory_space<vmem>>, vector<1x16xi32>,
      %get3A_172 = vector.shape_cast %get3A_171 : vector<1x16xi32> to vector<16xi32>
      %and3A_173 = arith.constant 16383 : i32
      %and3A_174 = vector.broadcast %and3A_173 : i32 to vector<16xi32>
      %and3A_175 = arith.andi %get3A_172, %and3A_174 : vector<16xi32>
      %swap3A_176 = arith.constant 112 : index
      %swap3A_177 = tpu.vector_load %arg7[%swap3A_176] {strides = array<i32>} : memref<128xi32, #tpu.memory_space<vmem>>, vector<16xi32>,
      %swap3A_178 = vector.shape_cast %swap3A_177 : vector<16xi32> to vector<16xi32>
      %swap3A_179 = vector.shape_cast %and3A_175 : vector<16xi32> to vector<16xi32>
      tpu.vector_store %arg7[%swap3A_176], %swap3A_179 {strides = array<i32>} : memref<128xi32, #tpu.memory_space<vmem>>, vector<16xi32>,
      %shift_right_arithmetic3A_180 = arith.constant 14 : i32
      %shift_right_arithmetic3A_181 = vector.broadcast %shift_right_arithmetic3A_180 : i32 to vector<16xi32>
      %shift_right_arithmetic3A_182 = arith.shrsi %get3A_172, %shift_right_arithmetic3A_181 : vector<16xi32>
      %swap3A_183 = arith.constant 112 : index
      %swap3A_184 = tpu.vector_load %arg8[%swap3A_183] {strides = array<i32>} : memref<128xi32, #tpu.memory_space<vmem>>, vector<16xi32>,
      %swap3A_185 = vector.shape_cast %swap3A_184 : vector<16xi32> to vector<16xi32>
      %swap3A_186 = vector.shape_cast %shift_right_arithmetic3A_182 : vector<16xi32> to vector<16xi32>
      tpu.vector_store %arg8[%swap3A_183], %swap3A_186 {strides = array<i32>} : memref<128xi32, #tpu.memory_space<vmem>>, vector<16xi32>,
      "tpu.region"() ({
        %run_scoped3A = tpu.sem_alloc : memref<!tpu.dma_semaphore, #tpu.memory_space<semaphore_mem>>
        %dma_start3A = arith.constant 0 : i32
        %dma_start3A_187 = arith.constant 0 : i32
        %dma_start3A_188 = tpu.memref_slice %arg3[%dma_start3A, %dma_start3A_187] : memref<10240x64xf32, #tpu.memory_space<hbm>> -> memref<10240x64xf32, #tpu.memory_space<hbm>>
        tpu.enqueue_indirect_dma source(%dma_start3A_188 : memref<10240x64xf32, #tpu.memory_space<hbm>>) target(%arg9 : memref<128x64xf32, #tpu.memory_space<vmem>>) offsets(%arg7 : memref<128xi32, #tpu.memory_space<vmem>>) semaphore(%run_scoped3A : memref<!tpu.dma_semaphore, #tpu.memory_space<semaphore_mem>>)
        %dma_wait3A = arith.constant 0 : i32
        %dma_wait3A_189 = arith.constant 0 : i32
        %dma_wait3A_190 = tpu.memref_slice %arg3[%dma_wait3A, %dma_wait3A_189] : memref<10240x64xf32, #tpu.memory_space<hbm>> -> memref<10240x64xf32, #tpu.memory_space<hbm>>
        tpu.wait_indirect_dma semaphore(%run_scoped3A : memref<!tpu.dma_semaphore, #tpu.memory_space<semaphore_mem>>) src(%dma_wait3A_190 : memref<10240x64xf32, #tpu.memory_space<hbm>>) dst(%arg9 : memref<128x64xf32, #tpu.memory_space<vmem>>)
        tpu.yield
      }) : () -> ()
      "tpu.region"() ({
        %run_scoped3A = tpu.sem_alloc : memref<!tpu.dma_semaphore, #tpu.memory_space<semaphore_mem>>
        %dma_start3A = arith.constant 0 : i32
        %dma_start3A_187 = arith.constant 0 : i32
        %dma_start3A_188 = tpu.memref_slice %arg10[%dma_start3A, %dma_start3A_187] : memref<10240x64xf32, #tpu.memory_space<vmem_shared>> -> memref<10240x64xf32, #tpu.memory_space<vmem_shared>>
        tpu.enqueue_indirect_dma source(%arg9 : memref<128x64xf32, #tpu.memory_space<vmem>>) target(%dma_start3A_188 : memref<10240x64xf32, #tpu.memory_space<vmem_shared>>) offsets(%arg8 : memref<128xi32, #tpu.memory_space<vmem>>) semaphore(%run_scoped3A : memref<!tpu.dma_semaphore, #tpu.memory_space<semaphore_mem>>) {add = true}
        %dma_wait3A = arith.constant 0 : i32
        %dma_wait3A_189 = arith.constant 0 : i32
        %dma_wait3A_190 = tpu.memref_slice %arg10[%dma_wait3A, %dma_wait3A_189] : memref<10240x64xf32, #tpu.memory_space<vmem_shared>> -> memref<10240x64xf32, #tpu.memory_space<vmem_shared>>
        tpu.wait_indirect_dma semaphore(%run_scoped3A : memref<!tpu.dma_semaphore, #tpu.memory_space<semaphore_mem>>) src(%arg9 : memref<128x64xf32, #tpu.memory_space<vmem>>) dst(%dma_wait3A_190 : memref<10240x64xf32, #tpu.memory_space<vmem_shared>>)
        tpu.yield
      }) : () -> ()
    }
    %while3A_36 = arith.constant 1 : i32
    scf.for %while3A_46 = %while3A_34 to %while3A_30 step %while3A_36  : i32 {
      %get3A = arith.index_cast %while3A_46 : i32 to index
      %get3A_47 = arith.constant 0 : index
      %get3A_48 = tpu.vector_load %arg6[%get3A, %get3A_47] {strides = array<i32>} : memref<140x128xi32, #tpu.memory_space<vmem>>, vector<1x16xi32>,
      %get3A_49 = vector.shape_cast %get3A_48 : vector<1x16xi32> to vector<16xi32>
      %and3A = arith.constant 16383 : i32
      %and3A_50 = vector.broadcast %and3A : i32 to vector<16xi32>
      %and3A_51 = arith.andi %get3A_49, %and3A_50 : vector<16xi32>
      %swap3A = arith.constant 0 : index
      %swap3A_52 = tpu.vector_load %arg7[%swap3A] {strides = array<i32>} : memref<128xi32, #tpu.memory_space<vmem>>, vector<16xi32>,
      %swap3A_53 = vector.shape_cast %swap3A_52 : vector<16xi32> to vector<16xi32>
      %swap3A_54 = vector.shape_cast %and3A_51 : vector<16xi32> to vector<16xi32>
      tpu.vector_store %arg7[%swap3A], %swap3A_54 {strides = array<i32>} : memref<128xi32, #tpu.memory_space<vmem>>, vector<16xi32>,
      %shift_right_arithmetic3A = arith.constant 14 : i32
      %shift_right_arithmetic3A_55 = vector.broadcast %shift_right_arithmetic3A : i32 to vector<16xi32>
      %shift_right_arithmetic3A_56 = arith.shrsi %get3A_49, %shift_right_arithmetic3A_55 : vector<16xi32>
      %swap3A_57 = arith.constant 0 : index
      %swap3A_58 = tpu.vector_load %arg8[%swap3A_57] {strides = array<i32>} : memref<128xi32, #tpu.memory_space<vmem>>, vector<16xi32>,
      %swap3A_59 = vector.shape_cast %swap3A_58 : vector<16xi32> to vector<16xi32>
      %swap3A_60 = vector.shape_cast %shift_right_arithmetic3A_56 : vector<16xi32> to vector<16xi32>
      tpu.vector_store %arg8[%swap3A_57], %swap3A_60 {strides = array<i32>} : memref<128xi32, #tpu.memory_space<vmem>>, vector<16xi32>,
      %get3A_61 = arith.index_cast %while3A_46 : i32 to index
      %get3A_62 = arith.constant 16 : index
      %get3A_63 = tpu.vector_load %arg6[%get3A_61, %get3A_62] {strides = array<i32>} : memref<140x128xi32, #tpu.memory_space<vmem>>, vector<1x16xi32>,
      %get3A_64 = vector.shape_cast %get3A_63 : vector<1x16xi32> to vector<16xi32>
      %and3A_65 = arith.constant 16383 : i32
      %and3A_66 = vector.broadcast %and3A_65 : i32 to vector<16xi32>
      %and3A_67 = arith.andi %get3A_64, %and3A_66 : vector<16xi32>
      %swap3A_68 = arith.constant 16 : index
      %swap3A_69 = tpu.vector_load %arg7[%swap3A_68] {strides = array<i32>} : memref<128xi32, #tpu.memory_space<vmem>>, vector<16xi32>,
      %swap3A_70 = vector.shape_cast %swap3A_69 : vector<16xi32> to vector<16xi32>
      %swap3A_71 = vector.shape_cast %and3A_67 : vector<16xi32> to vector<16xi32>
      tpu.vector_store %arg7[%swap3A_68], %swap3A_71 {strides = array<i32>} : memref<128xi32, #tpu.memory_space<vmem>>, vector<16xi32>,
      %shift_right_arithmetic3A_72 = arith.constant 14 : i32
      %shift_right_arithmetic3A_73 = vector.broadcast %shift_right_arithmetic3A_72 : i32 to vector<16xi32>
      %shift_right_arithmetic3A_74 = arith.shrsi %get3A_64, %shift_right_arithmetic3A_73 : vector<16xi32>
      %swap3A_75 = arith.constant 16 : index
      %swap3A_76 = tpu.vector_load %arg8[%swap3A_75] {strides = array<i32>} : memref<128xi32, #tpu.memory_space<vmem>>, vector<16xi32>,
      %swap3A_77 = vector.shape_cast %swap3A_76 : vector<16xi32> to vector<16xi32>
      %swap3A_78 = vector.shape_cast %shift_right_arithmetic3A_74 : vector<16xi32> to vector<16xi32>
      tpu.vector_store %arg8[%swap3A_75], %swap3A_78 {strides = array<i32>} : memref<128xi32, #tpu.memory_space<vmem>>, vector<16xi32>,
      %get3A_79 = arith.index_cast %while3A_46 : i32 to index
      %get3A_80 = arith.constant 32 : index
      %get3A_81 = tpu.vector_load %arg6[%get3A_79, %get3A_80] {strides = array<i32>} : memref<140x128xi32, #tpu.memory_space<vmem>>, vector<1x16xi32>,
      %get3A_82 = vector.shape_cast %get3A_81 : vector<1x16xi32> to vector<16xi32>
      %and3A_83 = arith.constant 16383 : i32
      %and3A_84 = vector.broadcast %and3A_83 : i32 to vector<16xi32>
      %and3A_85 = arith.andi %get3A_82, %and3A_84 : vector<16xi32>
      %swap3A_86 = arith.constant 32 : index
      %swap3A_87 = tpu.vector_load %arg7[%swap3A_86] {strides = array<i32>} : memref<128xi32, #tpu.memory_space<vmem>>, vector<16xi32>,
      %swap3A_88 = vector.shape_cast %swap3A_87 : vector<16xi32> to vector<16xi32>
      %swap3A_89 = vector.shape_cast %and3A_85 : vector<16xi32> to vector<16xi32>
      tpu.vector_store %arg7[%swap3A_86], %swap3A_89 {strides = array<i32>} : memref<128xi32, #tpu.memory_space<vmem>>, vector<16xi32>,
      %shift_right_arithmetic3A_90 = arith.constant 14 : i32
      %shift_right_arithmetic3A_91 = vector.broadcast %shift_right_arithmetic3A_90 : i32 to vector<16xi32>
      %shift_right_arithmetic3A_92 = arith.shrsi %get3A_82, %shift_right_arithmetic3A_91 : vector<16xi32>
      %swap3A_93 = arith.constant 32 : index
      %swap3A_94 = tpu.vector_load %arg8[%swap3A_93] {strides = array<i32>} : memref<128xi32, #tpu.memory_space<vmem>>, vector<16xi32>,
      %swap3A_95 = vector.shape_cast %swap3A_94 : vector<16xi32> to vector<16xi32>
      %swap3A_96 = vector.shape_cast %shift_right_arithmetic3A_92 : vector<16xi32> to vector<16xi32>
      tpu.vector_store %arg8[%swap3A_93], %swap3A_96 {strides = array<i32>} : memref<128xi32, #tpu.memory_space<vmem>>, vector<16xi32>,
      %get3A_97 = arith.index_cast %while3A_46 : i32 to index
      %get3A_98 = arith.constant 48 : index
      %get3A_99 = tpu.vector_load %arg6[%get3A_97, %get3A_98] {strides = array<i32>} : memref<140x128xi32, #tpu.memory_space<vmem>>, vector<1x16xi32>,
      %get3A_100 = vector.shape_cast %get3A_99 : vector<1x16xi32> to vector<16xi32>
      %and3A_101 = arith.constant 16383 : i32
      %and3A_102 = vector.broadcast %and3A_101 : i32 to vector<16xi32>
      %and3A_103 = arith.andi %get3A_100, %and3A_102 : vector<16xi32>
      %swap3A_104 = arith.constant 48 : index
      %swap3A_105 = tpu.vector_load %arg7[%swap3A_104] {strides = array<i32>} : memref<128xi32, #tpu.memory_space<vmem>>, vector<16xi32>,
      %swap3A_106 = vector.shape_cast %swap3A_105 : vector<16xi32> to vector<16xi32>
      %swap3A_107 = vector.shape_cast %and3A_103 : vector<16xi32> to vector<16xi32>
      tpu.vector_store %arg7[%swap3A_104], %swap3A_107 {strides = array<i32>} : memref<128xi32, #tpu.memory_space<vmem>>, vector<16xi32>,
      %shift_right_arithmetic3A_108 = arith.constant 14 : i32
      %shift_right_arithmetic3A_109 = vector.broadcast %shift_right_arithmetic3A_108 : i32 to vector<16xi32>
      %shift_right_arithmetic3A_110 = arith.shrsi %get3A_100, %shift_right_arithmetic3A_109 : vector<16xi32>
      %swap3A_111 = arith.constant 48 : index
      %swap3A_112 = tpu.vector_load %arg8[%swap3A_111] {strides = array<i32>} : memref<128xi32, #tpu.memory_space<vmem>>, vector<16xi32>,
      %swap3A_113 = vector.shape_cast %swap3A_112 : vector<16xi32> to vector<16xi32>
      %swap3A_114 = vector.shape_cast %shift_right_arithmetic3A_110 : vector<16xi32> to vector<16xi32>
      tpu.vector_store %arg8[%swap3A_111], %swap3A_114 {strides = array<i32>} : memref<128xi32, #tpu.memory_space<vmem>>, vector<16xi32>,
      %get3A_115 = arith.index_cast %while3A_46 : i32 to index
      %get3A_116 = arith.constant 64 : index
      %get3A_117 = tpu.vector_load %arg6[%get3A_115, %get3A_116] {strides = array<i32>} : memref<140x128xi32, #tpu.memory_space<vmem>>, vector<1x16xi32>,
      %get3A_118 = vector.shape_cast %get3A_117 : vector<1x16xi32> to vector<16xi32>
      %and3A_119 = arith.constant 16383 : i32
      %and3A_120 = vector.broadcast %and3A_119 : i32 to vector<16xi32>
      %and3A_121 = arith.andi %get3A_118, %and3A_120 : vector<16xi32>
      %swap3A_122 = arith.constant 64 : index
      %swap3A_123 = tpu.vector_load %arg7[%swap3A_122] {strides = array<i32>} : memref<128xi32, #tpu.memory_space<vmem>>, vector<16xi32>,
      %swap3A_124 = vector.shape_cast %swap3A_123 : vector<16xi32> to vector<16xi32>
      %swap3A_125 = vector.shape_cast %and3A_121 : vector<16xi32> to vector<16xi32>
      tpu.vector_store %arg7[%swap3A_122], %swap3A_125 {strides = array<i32>} : memref<128xi32, #tpu.memory_space<vmem>>, vector<16xi32>,
      %shift_right_arithmetic3A_126 = arith.constant 14 : i32
      %shift_right_arithmetic3A_127 = vector.broadcast %shift_right_arithmetic3A_126 : i32 to vector<16xi32>
      %shift_right_arithmetic3A_128 = arith.shrsi %get3A_118, %shift_right_arithmetic3A_127 : vector<16xi32>
      %swap3A_129 = arith.constant 64 : index
      %swap3A_130 = tpu.vector_load %arg8[%swap3A_129] {strides = array<i32>} : memref<128xi32, #tpu.memory_space<vmem>>, vector<16xi32>,
      %swap3A_131 = vector.shape_cast %swap3A_130 : vector<16xi32> to vector<16xi32>
      %swap3A_132 = vector.shape_cast %shift_right_arithmetic3A_128 : vector<16xi32> to vector<16xi32>
      tpu.vector_store %arg8[%swap3A_129], %swap3A_132 {strides = array<i32>} : memref<128xi32, #tpu.memory_space<vmem>>, vector<16xi32>,
      %get3A_133 = arith.index_cast %while3A_46 : i32 to index
      %get3A_134 = arith.constant 80 : index
      %get3A_135 = tpu.vector_load %arg6[%get3A_133, %get3A_134] {strides = array<i32>} : memref<140x128xi32, #tpu.memory_space<vmem>>, vector<1x16xi32>,
      %get3A_136 = vector.shape_cast %get3A_135 : vector<1x16xi32> to vector<16xi32>
      %and3A_137 = arith.constant 16383 : i32
      %and3A_138 = vector.broadcast %and3A_137 : i32 to vector<16xi32>
      %and3A_139 = arith.andi %get3A_136, %and3A_138 : vector<16xi32>
      %swap3A_140 = arith.constant 80 : index
      %swap3A_141 = tpu.vector_load %arg7[%swap3A_140] {strides = array<i32>} : memref<128xi32, #tpu.memory_space<vmem>>, vector<16xi32>,
      %swap3A_142 = vector.shape_cast %swap3A_141 : vector<16xi32> to vector<16xi32>
      %swap3A_143 = vector.shape_cast %and3A_139 : vector<16xi32> to vector<16xi32>
      tpu.vector_store %arg7[%swap3A_140], %swap3A_143 {strides = array<i32>} : memref<128xi32, #tpu.memory_space<vmem>>, vector<16xi32>,
      %shift_right_arithmetic3A_144 = arith.constant 14 : i32
      %shift_right_arithmetic3A_145 = vector.broadcast %shift_right_arithmetic3A_144 : i32 to vector<16xi32>
      %shift_right_arithmetic3A_146 = arith.shrsi %get3A_136, %shift_right_arithmetic3A_145 : vector<16xi32>
      %swap3A_147 = arith.constant 80 : index
      %swap3A_148 = tpu.vector_load %arg8[%swap3A_147] {strides = array<i32>} : memref<128xi32, #tpu.memory_space<vmem>>, vector<16xi32>,
      %swap3A_149 = vector.shape_cast %swap3A_148 : vector<16xi32> to vector<16xi32>
      %swap3A_150 = vector.shape_cast %shift_right_arithmetic3A_146 : vector<16xi32> to vector<16xi32>
      tpu.vector_store %arg8[%swap3A_147], %swap3A_150 {strides = array<i32>} : memref<128xi32, #tpu.memory_space<vmem>>, vector<16xi32>,
      %get3A_151 = arith.index_cast %while3A_46 : i32 to index
      %get3A_152 = arith.constant 96 : index
      %get3A_153 = tpu.vector_load %arg6[%get3A_151, %get3A_152] {strides = array<i32>} : memref<140x128xi32, #tpu.memory_space<vmem>>, vector<1x16xi32>,
      %get3A_154 = vector.shape_cast %get3A_153 : vector<1x16xi32> to vector<16xi32>
      %and3A_155 = arith.constant 16383 : i32
      %and3A_156 = vector.broadcast %and3A_155 : i32 to vector<16xi32>
      %and3A_157 = arith.andi %get3A_154, %and3A_156 : vector<16xi32>
      %swap3A_158 = arith.constant 96 : index
      %swap3A_159 = tpu.vector_load %arg7[%swap3A_158] {strides = array<i32>} : memref<128xi32, #tpu.memory_space<vmem>>, vector<16xi32>,
      %swap3A_160 = vector.shape_cast %swap3A_159 : vector<16xi32> to vector<16xi32>
      %swap3A_161 = vector.shape_cast %and3A_157 : vector<16xi32> to vector<16xi32>
      tpu.vector_store %arg7[%swap3A_158], %swap3A_161 {strides = array<i32>} : memref<128xi32, #tpu.memory_space<vmem>>, vector<16xi32>,
      %shift_right_arithmetic3A_162 = arith.constant 14 : i32
      %shift_right_arithmetic3A_163 = vector.broadcast %shift_right_arithmetic3A_162 : i32 to vector<16xi32>
      %shift_right_arithmetic3A_164 = arith.shrsi %get3A_154, %shift_right_arithmetic3A_163 : vector<16xi32>
      %swap3A_165 = arith.constant 96 : index
      %swap3A_166 = tpu.vector_load %arg8[%swap3A_165] {strides = array<i32>} : memref<128xi32, #tpu.memory_space<vmem>>, vector<16xi32>,
      %swap3A_167 = vector.shape_cast %swap3A_166 : vector<16xi32> to vector<16xi32>
      %swap3A_168 = vector.shape_cast %shift_right_arithmetic3A_164 : vector<16xi32> to vector<16xi32>
      tpu.vector_store %arg8[%swap3A_165], %swap3A_168 {strides = array<i32>} : memref<128xi32, #tpu.memory_space<vmem>>, vector<16xi32>,
      %get3A_169 = arith.index_cast %while3A_46 : i32 to index
      %get3A_170 = arith.constant 112 : index
      %get3A_171 = tpu.vector_load %arg6[%get3A_169, %get3A_170] {strides = array<i32>} : memref<140x128xi32, #tpu.memory_space<vmem>>, vector<1x16xi32>,
      %get3A_172 = vector.shape_cast %get3A_171 : vector<1x16xi32> to vector<16xi32>
      %and3A_173 = arith.constant 16383 : i32
      %and3A_174 = vector.broadcast %and3A_173 : i32 to vector<16xi32>
      %and3A_175 = arith.andi %get3A_172, %and3A_174 : vector<16xi32>
      %swap3A_176 = arith.constant 112 : index
      %swap3A_177 = tpu.vector_load %arg7[%swap3A_176] {strides = array<i32>} : memref<128xi32, #tpu.memory_space<vmem>>, vector<16xi32>,
      %swap3A_178 = vector.shape_cast %swap3A_177 : vector<16xi32> to vector<16xi32>
      %swap3A_179 = vector.shape_cast %and3A_175 : vector<16xi32> to vector<16xi32>
      tpu.vector_store %arg7[%swap3A_176], %swap3A_179 {strides = array<i32>} : memref<128xi32, #tpu.memory_space<vmem>>, vector<16xi32>,
      %shift_right_arithmetic3A_180 = arith.constant 14 : i32
      %shift_right_arithmetic3A_181 = vector.broadcast %shift_right_arithmetic3A_180 : i32 to vector<16xi32>
      %shift_right_arithmetic3A_182 = arith.shrsi %get3A_172, %shift_right_arithmetic3A_181 : vector<16xi32>
      %swap3A_183 = arith.constant 112 : index
      %swap3A_184 = tpu.vector_load %arg8[%swap3A_183] {strides = array<i32>} : memref<128xi32, #tpu.memory_space<vmem>>, vector<16xi32>,
      %swap3A_185 = vector.shape_cast %swap3A_184 : vector<16xi32> to vector<16xi32>
      %swap3A_186 = vector.shape_cast %shift_right_arithmetic3A_182 : vector<16xi32> to vector<16xi32>
      tpu.vector_store %arg8[%swap3A_183], %swap3A_186 {strides = array<i32>} : memref<128xi32, #tpu.memory_space<vmem>>, vector<16xi32>,
      "tpu.region"() ({
        %run_scoped3A = tpu.sem_alloc : memref<!tpu.dma_semaphore, #tpu.memory_space<semaphore_mem>>
        %dma_start3A = arith.constant 0 : i32
        %dma_start3A_187 = arith.constant 0 : i32
        %dma_start3A_188 = tpu.memref_slice %arg3[%dma_start3A, %dma_start3A_187] : memref<10240x64xf32, #tpu.memory_space<hbm>> -> memref<10240x64xf32, #tpu.memory_space<hbm>>
        tpu.enqueue_indirect_dma source(%dma_start3A_188 : memref<10240x64xf32, #tpu.memory_space<hbm>>) target(%arg9 : memref<128x64xf32, #tpu.memory_space<vmem>>) offsets(%arg7 : memref<128xi32, #tpu.memory_space<vmem>>) semaphore(%run_scoped3A : memref<!tpu.dma_semaphore, #tpu.memory_space<semaphore_mem>>)
        %dma_wait3A = arith.constant 0 : i32
        %dma_wait3A_189 = arith.constant 0 : i32
        %dma_wait3A_190 = tpu.memref_slice %arg3[%dma_wait3A, %dma_wait3A_189] : memref<10240x64xf32, #tpu.memory_space<hbm>> -> memref<10240x64xf32, #tpu.memory_space<hbm>>
        tpu.wait_indirect_dma semaphore(%run_scoped3A : memref<!tpu.dma_semaphore, #tpu.memory_space<semaphore_mem>>) src(%dma_wait3A_190 : memref<10240x64xf32, #tpu.memory_space<hbm>>) dst(%arg9 : memref<128x64xf32, #tpu.memory_space<vmem>>)
        tpu.yield
      }) : () -> ()
      "tpu.region"() ({
        %run_scoped3A = tpu.sem_alloc : memref<!tpu.dma_semaphore, #tpu.memory_space<semaphore_mem>>
        %dma_start3A = arith.constant 0 : i32
        %dma_start3A_187 = arith.constant 0 : i32
        %dma_start3A_188 = tpu.memref_slice %arg10[%dma_start3A, %dma_start3A_187] : memref<10240x64xf32, #tpu.memory_space<vmem_shared>> -> memref<10240x64xf32, #tpu.memory_space<vmem_shared>>
        tpu.enqueue_indirect_dma source(%arg9 : memref<128x64xf32, #tpu.memory_space<vmem>>) target(%dma_start3A_188 : memref<10240x64xf32, #tpu.memory_space<vmem_shared>>) offsets(%arg8 : memref<128xi32, #tpu.memory_space<vmem>>) semaphore(%run_scoped3A : memref<!tpu.dma_semaphore, #tpu.memory_space<semaphore_mem>>) {add = true}
        %dma_wait3A = arith.constant 0 : i32
        %dma_wait3A_189 = arith.constant 0 : i32
        %dma_wait3A_190 = tpu.memref_slice %arg10[%dma_wait3A, %dma_wait3A_189] : memref<10240x64xf32, #tpu.memory_space<vmem_shared>> -> memref<10240x64xf32, #tpu.memory_space<vmem_shared>>
        tpu.wait_indirect_dma semaphore(%run_scoped3A : memref<!tpu.dma_semaphore, #tpu.memory_space<semaphore_mem>>) src(%arg9 : memref<128x64xf32, #tpu.memory_space<vmem>>) dst(%dma_wait3A_190 : memref<10240x64xf32, #tpu.memory_space<vmem_shared>>)
        tpu.yield
      }) : () -> ()
    }
    %barrier3A_37 = arith.constant 0 : index
    tpu.barrier barrier_id(%barrier3A_37)
    %eq3A_38 = arith.constant 0 : i32
    %eq3A_39 = arith.cmpi eq, %arg0, %eq3A_38 : i32
    %convert_element_type3A = arith.extui %eq3A_39 : i1 to i32
    %cond3A = arith.constant 0 : i32
    %cond3A_40 = arith.cmpi ne, %convert_element_type3A, %cond3A : i32
    scf.if %cond3A_40 {
      %mul3A_46 = arith.constant 640 : i32
      %mul3A_47 = arith.muli %arg1, %mul3A_46 : i32
      %mul3A_48 = arith.constant 640 : i32
      %mul3A_49 = arith.muli %arg1, %mul3A_48 : i32
      "tpu.region"() ({
        %run_scoped3A = tpu.sem_alloc : memref<!tpu.dma_semaphore, #tpu.memory_space<semaphore_mem>>
        %dma_start3A = arith.constant 0 : i32
        %dma_start3A_50 = tpu.memref_slice %arg4[%mul3A_49, %dma_start3A] : memref<10240x64xf32, #tpu.memory_space<hbm>> -> memref<640x64xf32, #tpu.memory_space<hbm>>
        %dma_start3A_51 = arith.constant 0 : i32
        %dma_start3A_52 = tpu.memref_slice %arg10[%mul3A_47, %dma_start3A_51] : memref<10240x64xf32, #tpu.memory_space<vmem_shared>> -> memref<640x64xf32, #tpu.memory_space<vmem_shared>>
        tpu.enqueue_dma source(%dma_start3A_52 : memref<640x64xf32, #tpu.memory_space<vmem_shared>>) target(%dma_start3A_50 : memref<640x64xf32, #tpu.memory_space<hbm>>) target_semaphore(%run_scoped3A : memref<!tpu.dma_semaphore, #tpu.memory_space<semaphore_mem>>)
        %dma_wait3A = arith.constant 0 : i32
        %dma_wait3A_53 = tpu.memref_slice %arg4[%mul3A_49, %dma_wait3A] : memref<10240x64xf32, #tpu.memory_space<hbm>> -> memref<640x64xf32, #tpu.memory_space<hbm>>
        %dma_wait3A_54 = arith.constant 0 : i32
        %dma_wait3A_55 = tpu.memref_slice %arg10[%mul3A_47, %dma_wait3A_54] : memref<10240x64xf32, #tpu.memory_space<vmem_shared>> -> memref<640x64xf32, #tpu.memory_space<vmem_shared>>
        tpu.wait_dma2 semaphore(%run_scoped3A : memref<!tpu.dma_semaphore, #tpu.memory_space<semaphore_mem>>) src(%dma_wait3A_55 : memref<640x64xf32, #tpu.memory_space<vmem_shared>>) dst(%dma_wait3A_53 : memref<640x64xf32, #tpu.memory_space<hbm>>)
        tpu.yield
      }) : () -> ()
    } else {
    }
    %eq3A_41 = arith.constant 1 : i32
    %eq3A_42 = arith.cmpi eq, %arg0, %eq3A_41 : i32
    %convert_element_type3A_43 = arith.extui %eq3A_42 : i1 to i32
    %cond3A_44 = arith.constant 0 : i32
    %cond3A_45 = arith.cmpi ne, %convert_element_type3A_43, %cond3A_44 : i32
    scf.if %cond3A_45 {
      %mul3A_46 = arith.constant 640 : i32
      %mul3A_47 = arith.muli %arg1, %mul3A_46 : i32
      %mul3A_48 = arith.constant 640 : i32
      %mul3A_49 = arith.muli %arg1, %mul3A_48 : i32
      "tpu.region"() ({
        %run_scoped3A = tpu.sem_alloc : memref<!tpu.dma_semaphore, #tpu.memory_space<semaphore_mem>>
        %dma_start3A = arith.constant 0 : i32
        %dma_start3A_50 = tpu.memref_slice %arg5[%mul3A_49, %dma_start3A] : memref<10240x64xf32, #tpu.memory_space<hbm>> -> memref<640x64xf32, #tpu.memory_space<hbm>>
        %dma_start3A_51 = arith.constant 0 : i32
        %dma_start3A_52 = tpu.memref_slice %arg10[%mul3A_47, %dma_start3A_51] : memref<10240x64xf32, #tpu.memory_space<vmem_shared>> -> memref<640x64xf32, #tpu.memory_space<vmem_shared>>
        tpu.enqueue_dma source(%dma_start3A_52 : memref<640x64xf32, #tpu.memory_space<vmem_shared>>) target(%dma_start3A_50 : memref<640x64xf32, #tpu.memory_space<hbm>>) target_semaphore(%run_scoped3A : memref<!tpu.dma_semaphore, #tpu.memory_space<semaphore_mem>>)
        %dma_wait3A = arith.constant 0 : i32
        %dma_wait3A_53 = tpu.memref_slice %arg5[%mul3A_49, %dma_wait3A] : memref<10240x64xf32, #tpu.memory_space<hbm>> -> memref<640x64xf32, #tpu.memory_space<hbm>>
        %dma_wait3A_54 = arith.constant 0 : i32
        %dma_wait3A_55 = tpu.memref_slice %arg10[%mul3A_47, %dma_wait3A_54] : memref<10240x64xf32, #tpu.memory_space<vmem_shared>> -> memref<640x64xf32, #tpu.memory_space<vmem_shared>>
        tpu.wait_dma2 semaphore(%run_scoped3A : memref<!tpu.dma_semaphore, #tpu.memory_space<semaphore_mem>>) src(%dma_wait3A_55 : memref<640x64xf32, #tpu.memory_space<vmem_shared>>) dst(%dma_wait3A_53 : memref<640x64xf32, #tpu.memory_space<hbm>>)
        tpu.yield
      }) : () -> ()
    } else {
    }
    return
  }
}

#map = affine_map<(d0, d1) -> (0, 0, 0)>
#map1 = affine_map<(d0, d1) -> (0)>
#map2 = affine_map<(d0, d1) -> (0, 0)>
module attributes {stable_mosaic.version = 14 : i64} {
  func.func @_deg_body(%arg0: i32, %arg1: i32, %arg2: memref<32x80x128xi32, #tpu.memory_space<hbm>>, %arg3: memref<10240xf32, #tpu.memory_space<hbm>>, %arg4: memref<2x10240xf32, #tpu.memory_space<hbm>>, %arg5: memref<80x128xi32, #tpu.memory_space<vmem>>, %arg6: memref<128xf32, #tpu.memory_space<vmem>>, %arg7: memref<10240xf32, #tpu.memory_space<vmem_shared>>) attributes {dimension_semantics = [#tpu.dimension_semantics<core_parallel>, #tpu.dimension_semantics<subcore_parallel>], iteration_bounds = array<i64: 2, 16>, scalar_prefetch = 0 : i64, scratch_operands = 3 : i64, tpu.core_type = #tpu.core_type<sc_vector_subcore>, window_params = [{transform_indices = #map}, {transform_indices = #map1}, {transform_indices = #map2}]} {
    %mul3A = arith.constant 16 : i32
    %mul3A_0 = arith.muli %arg0, %mul3A : i32
    %add3A = arith.addi %mul3A_0, %arg1 : i32
    %mul3A_1 = arith.constant 640 : i32
    %mul3A_2 = arith.muli %arg1, %mul3A_1 : i32
    %mul3A_3 = arith.constant 640 : i32
    %mul3A_4 = arith.muli %arg1, %mul3A_3 : i32
    "tpu.region"() ({
      %run_scoped3A = tpu.sem_alloc : memref<!tpu.dma_semaphore, #tpu.memory_space<semaphore_mem>>
      %dma_start3A = tpu.memref_slice %arg7[%mul3A_4] : memref<10240xf32, #tpu.memory_space<vmem_shared>> -> memref<640xf32, #tpu.memory_space<vmem_shared>>
      %dma_start3A_61 = tpu.memref_slice %arg3[%mul3A_2] : memref<10240xf32, #tpu.memory_space<hbm>> -> memref<640xf32, #tpu.memory_space<hbm>>
      tpu.enqueue_dma source(%dma_start3A_61 : memref<640xf32, #tpu.memory_space<hbm>>) target(%dma_start3A : memref<640xf32, #tpu.memory_space<vmem_shared>>) target_semaphore(%run_scoped3A : memref<!tpu.dma_semaphore, #tpu.memory_space<semaphore_mem>>)
      %dma_wait3A = tpu.memref_slice %arg7[%mul3A_4] : memref<10240xf32, #tpu.memory_space<vmem_shared>> -> memref<640xf32, #tpu.memory_space<vmem_shared>>
      %dma_wait3A_62 = tpu.memref_slice %arg3[%mul3A_2] : memref<10240xf32, #tpu.memory_space<hbm>> -> memref<640xf32, #tpu.memory_space<hbm>>
      tpu.wait_dma2 semaphore(%run_scoped3A : memref<!tpu.dma_semaphore, #tpu.memory_space<semaphore_mem>>) src(%dma_wait3A_62 : memref<640xf32, #tpu.memory_space<hbm>>) dst(%dma_wait3A : memref<640xf32, #tpu.memory_space<vmem_shared>>)
      tpu.yield
    }) : () -> ()
    %broadcast_in_dim3A = arith.constant 1.000000e+00 : f32
    %broadcast_in_dim3A_5 = vector.broadcast %broadcast_in_dim3A : f32 to vector<16xf32>
    %swap3A = arith.constant 0 : index
    %swap3A_6 = tpu.vector_load %arg6[%swap3A] {strides = array<i32>} : memref<128xf32, #tpu.memory_space<vmem>>, vector<16xf32>,
    %swap3A_7 = vector.shape_cast %swap3A_6 : vector<16xf32> to vector<16xf32>
    %swap3A_8 = vector.shape_cast %broadcast_in_dim3A_5 : vector<16xf32> to vector<16xf32>
    tpu.vector_store %arg6[%swap3A], %swap3A_8 {strides = array<i32>} : memref<128xf32, #tpu.memory_space<vmem>>, vector<16xf32>,
    %broadcast_in_dim3A_9 = arith.constant 1.000000e+00 : f32
    %broadcast_in_dim3A_10 = vector.broadcast %broadcast_in_dim3A_9 : f32 to vector<16xf32>
    %swap3A_11 = arith.constant 16 : index
    %swap3A_12 = tpu.vector_load %arg6[%swap3A_11] {strides = array<i32>} : memref<128xf32, #tpu.memory_space<vmem>>, vector<16xf32>,
    %swap3A_13 = vector.shape_cast %swap3A_12 : vector<16xf32> to vector<16xf32>
    %swap3A_14 = vector.shape_cast %broadcast_in_dim3A_10 : vector<16xf32> to vector<16xf32>
    tpu.vector_store %arg6[%swap3A_11], %swap3A_14 {strides = array<i32>} : memref<128xf32, #tpu.memory_space<vmem>>, vector<16xf32>,
    %broadcast_in_dim3A_15 = arith.constant 1.000000e+00 : f32
    %broadcast_in_dim3A_16 = vector.broadcast %broadcast_in_dim3A_15 : f32 to vector<16xf32>
    %swap3A_17 = arith.constant 32 : index
    %swap3A_18 = tpu.vector_load %arg6[%swap3A_17] {strides = array<i32>} : memref<128xf32, #tpu.memory_space<vmem>>, vector<16xf32>,
    %swap3A_19 = vector.shape_cast %swap3A_18 : vector<16xf32> to vector<16xf32>
    %swap3A_20 = vector.shape_cast %broadcast_in_dim3A_16 : vector<16xf32> to vector<16xf32>
    tpu.vector_store %arg6[%swap3A_17], %swap3A_20 {strides = array<i32>} : memref<128xf32, #tpu.memory_space<vmem>>, vector<16xf32>,
    %broadcast_in_dim3A_21 = arith.constant 1.000000e+00 : f32
    %broadcast_in_dim3A_22 = vector.broadcast %broadcast_in_dim3A_21 : f32 to vector<16xf32>
    %swap3A_23 = arith.constant 48 : index
    %swap3A_24 = tpu.vector_load %arg6[%swap3A_23] {strides = array<i32>} : memref<128xf32, #tpu.memory_space<vmem>>, vector<16xf32>,
    %swap3A_25 = vector.shape_cast %swap3A_24 : vector<16xf32> to vector<16xf32>
    %swap3A_26 = vector.shape_cast %broadcast_in_dim3A_22 : vector<16xf32> to vector<16xf32>
    tpu.vector_store %arg6[%swap3A_23], %swap3A_26 {strides = array<i32>} : memref<128xf32, #tpu.memory_space<vmem>>, vector<16xf32>,
    %broadcast_in_dim3A_27 = arith.constant 1.000000e+00 : f32
    %broadcast_in_dim3A_28 = vector.broadcast %broadcast_in_dim3A_27 : f32 to vector<16xf32>
    %swap3A_29 = arith.constant 64 : index
    %swap3A_30 = tpu.vector_load %arg6[%swap3A_29] {strides = array<i32>} : memref<128xf32, #tpu.memory_space<vmem>>, vector<16xf32>,
    %swap3A_31 = vector.shape_cast %swap3A_30 : vector<16xf32> to vector<16xf32>
    %swap3A_32 = vector.shape_cast %broadcast_in_dim3A_28 : vector<16xf32> to vector<16xf32>
    tpu.vector_store %arg6[%swap3A_29], %swap3A_32 {strides = array<i32>} : memref<128xf32, #tpu.memory_space<vmem>>, vector<16xf32>,
    %broadcast_in_dim3A_33 = arith.constant 1.000000e+00 : f32
    %broadcast_in_dim3A_34 = vector.broadcast %broadcast_in_dim3A_33 : f32 to vector<16xf32>
    %swap3A_35 = arith.constant 80 : index
    %swap3A_36 = tpu.vector_load %arg6[%swap3A_35] {strides = array<i32>} : memref<128xf32, #tpu.memory_space<vmem>>, vector<16xf32>,
    %swap3A_37 = vector.shape_cast %swap3A_36 : vector<16xf32> to vector<16xf32>
    %swap3A_38 = vector.shape_cast %broadcast_in_dim3A_34 : vector<16xf32> to vector<16xf32>
    tpu.vector_store %arg6[%swap3A_35], %swap3A_38 {strides = array<i32>} : memref<128xf32, #tpu.memory_space<vmem>>, vector<16xf32>,
    %broadcast_in_dim3A_39 = arith.constant 1.000000e+00 : f32
    %broadcast_in_dim3A_40 = vector.broadcast %broadcast_in_dim3A_39 : f32 to vector<16xf32>
    %swap3A_41 = arith.constant 96 : index
    %swap3A_42 = tpu.vector_load %arg6[%swap3A_41] {strides = array<i32>} : memref<128xf32, #tpu.memory_space<vmem>>, vector<16xf32>,
    %swap3A_43 = vector.shape_cast %swap3A_42 : vector<16xf32> to vector<16xf32>
    %swap3A_44 = vector.shape_cast %broadcast_in_dim3A_40 : vector<16xf32> to vector<16xf32>
    tpu.vector_store %arg6[%swap3A_41], %swap3A_44 {strides = array<i32>} : memref<128xf32, #tpu.memory_space<vmem>>, vector<16xf32>,
    %broadcast_in_dim3A_45 = arith.constant 1.000000e+00 : f32
    %broadcast_in_dim3A_46 = vector.broadcast %broadcast_in_dim3A_45 : f32 to vector<16xf32>
    %swap3A_47 = arith.constant 112 : index
    %swap3A_48 = tpu.vector_load %arg6[%swap3A_47] {strides = array<i32>} : memref<128xf32, #tpu.memory_space<vmem>>, vector<16xf32>,
    %swap3A_49 = vector.shape_cast %swap3A_48 : vector<16xf32> to vector<16xf32>
    %swap3A_50 = vector.shape_cast %broadcast_in_dim3A_46 : vector<16xf32> to vector<16xf32>
    tpu.vector_store %arg6[%swap3A_47], %swap3A_50 {strides = array<i32>} : memref<128xf32, #tpu.memory_space<vmem>>, vector<16xf32>,
    "tpu.region"() ({
      %run_scoped3A = tpu.sem_alloc : memref<!tpu.dma_semaphore, #tpu.memory_space<semaphore_mem>>
      %dma_start3A = arith.constant 0 : i32
      %dma_start3A_61 = arith.constant 0 : i32
      %dma_start3A_62 = tpu.memref_slice %arg2[%add3A, %dma_start3A, %dma_start3A_61] : memref<32x80x128xi32, #tpu.memory_space<hbm>> -> memref<1x80x128xi32, #tpu.memory_space<hbm>>
      %dma_start3A_63 = tpu.memref_squeeze %dma_start3A_62 : memref<1x80x128xi32, #tpu.memory_space<hbm>> -> memref<80x128xi32, #tpu.memory_space<hbm>>
      %dma_start3A_64 = arith.constant 0 : i32
      %dma_start3A_65 = arith.constant 0 : i32
      %dma_start3A_66 = tpu.memref_slice %arg2[%add3A, %dma_start3A_64, %dma_start3A_65] : memref<32x80x128xi32, #tpu.memory_space<hbm>> -> memref<1x80x128xi32, #tpu.memory_space<hbm>>
      %dma_start3A_67 = tpu.memref_squeeze %dma_start3A_66 : memref<1x80x128xi32, #tpu.memory_space<hbm>> -> memref<80x128xi32, #tpu.memory_space<hbm>>
      tpu.enqueue_dma source(%dma_start3A_67 : memref<80x128xi32, #tpu.memory_space<hbm>>) target(%arg5 : memref<80x128xi32, #tpu.memory_space<vmem>>) target_semaphore(%run_scoped3A : memref<!tpu.dma_semaphore, #tpu.memory_space<semaphore_mem>>)
      %dma_wait3A = arith.constant 0 : i32
      %dma_wait3A_68 = arith.constant 0 : i32
      %dma_wait3A_69 = tpu.memref_slice %arg2[%add3A, %dma_wait3A, %dma_wait3A_68] : memref<32x80x128xi32, #tpu.memory_space<hbm>> -> memref<1x80x128xi32, #tpu.memory_space<hbm>>
      %dma_wait3A_70 = tpu.memref_squeeze %dma_wait3A_69 : memref<1x80x128xi32, #tpu.memory_space<hbm>> -> memref<80x128xi32, #tpu.memory_space<hbm>>
      %dma_wait3A_71 = arith.constant 0 : i32
      %dma_wait3A_72 = arith.constant 0 : i32
      %dma_wait3A_73 = tpu.memref_slice %arg2[%add3A, %dma_wait3A_71, %dma_wait3A_72] : memref<32x80x128xi32, #tpu.memory_space<hbm>> -> memref<1x80x128xi32, #tpu.memory_space<hbm>>
      %dma_wait3A_74 = tpu.memref_squeeze %dma_wait3A_73 : memref<1x80x128xi32, #tpu.memory_space<hbm>> -> memref<80x128xi32, #tpu.memory_space<hbm>>
      tpu.wait_dma2 semaphore(%run_scoped3A : memref<!tpu.dma_semaphore, #tpu.memory_space<semaphore_mem>>) src(%dma_wait3A_74 : memref<80x128xi32, #tpu.memory_space<hbm>>) dst(%arg5 : memref<80x128xi32, #tpu.memory_space<vmem>>)
      tpu.yield
    }) : () -> ()
    %barrier3A = arith.constant 0 : index
    tpu.barrier barrier_id(%barrier3A)
    %scan3A = arith.constant 0 : i32
    %scan3A_51 = arith.constant 0 : i32
    %scan3A_52 = arith.constant 80 : i32
    %scan3A_53 = arith.addi %scan3A_51, %scan3A_52 : i32
    %scan3A_54 = arith.constant 1 : i32
    scf.for %scan3A_61 = %scan3A_51 to %scan3A_53 step %scan3A_54  : i32 {
      "tpu.region"() ({
        %run_scoped3A = tpu.sem_alloc : memref<!tpu.dma_semaphore, #tpu.memory_space<semaphore_mem>>
        %dma_start3A = arith.constant 0 : i32
        %dma_start3A_62 = tpu.memref_slice %arg5[%scan3A_61, %dma_start3A] : memref<80x128xi32, #tpu.memory_space<vmem>> -> memref<1x128xi32, #tpu.memory_space<vmem>>
        %dma_start3A_63 = tpu.memref_squeeze %dma_start3A_62 : memref<1x128xi32, #tpu.memory_space<vmem>> -> memref<128xi32, #tpu.memory_space<vmem>>
        %dma_start3A_64 = arith.constant 0 : i32
        %dma_start3A_65 = tpu.memref_slice %arg7[%dma_start3A_64] : memref<10240xf32, #tpu.memory_space<vmem_shared>> -> memref<10240xf32, #tpu.memory_space<vmem_shared>>
        tpu.enqueue_indirect_dma source(%arg6 : memref<128xf32, #tpu.memory_space<vmem>>) target(%dma_start3A_65 : memref<10240xf32, #tpu.memory_space<vmem_shared>>) offsets(%dma_start3A_63 : memref<128xi32, #tpu.memory_space<vmem>>) semaphore(%run_scoped3A : memref<!tpu.dma_semaphore, #tpu.memory_space<semaphore_mem>>) {add = true}
        %dma_wait3A = arith.constant 0 : i32
        %dma_wait3A_66 = tpu.memref_slice %arg5[%scan3A_61, %dma_wait3A] : memref<80x128xi32, #tpu.memory_space<vmem>> -> memref<1x128xi32, #tpu.memory_space<vmem>>
        %dma_wait3A_67 = tpu.memref_squeeze %dma_wait3A_66 : memref<1x128xi32, #tpu.memory_space<vmem>> -> memref<128xi32, #tpu.memory_space<vmem>>
        %dma_wait3A_68 = arith.constant 0 : i32
        %dma_wait3A_69 = tpu.memref_slice %arg7[%dma_wait3A_68] : memref<10240xf32, #tpu.memory_space<vmem_shared>> -> memref<10240xf32, #tpu.memory_space<vmem_shared>>
        tpu.wait_indirect_dma semaphore(%run_scoped3A : memref<!tpu.dma_semaphore, #tpu.memory_space<semaphore_mem>>) src(%arg6 : memref<128xf32, #tpu.memory_space<vmem>>) dst(%dma_wait3A_69 : memref<10240xf32, #tpu.memory_space<vmem_shared>>)
        tpu.yield
      }) : () -> ()
    }
    %scan3A_55 = arith.constant 80 : i32
    %barrier3A_56 = arith.constant 0 : index
    tpu.barrier barrier_id(%barrier3A_56)
    %mul3A_57 = arith.constant 640 : i32
    %mul3A_58 = arith.muli %arg1, %mul3A_57 : i32
    %mul3A_59 = arith.constant 640 : i32
    %mul3A_60 = arith.muli %arg1, %mul3A_59 : i32
    "tpu.region"() ({
      %run_scoped3A = tpu.sem_alloc : memref<!tpu.dma_semaphore, #tpu.memory_space<semaphore_mem>>
      %dma_start3A = tpu.memref_slice %arg4[%arg0, %mul3A_60] : memref<2x10240xf32, #tpu.memory_space<hbm>> -> memref<1x640xf32, #tpu.memory_space<hbm>>
      %dma_start3A_61 = tpu.memref_squeeze %dma_start3A : memref<1x640xf32, #tpu.memory_space<hbm>> -> memref<640xf32, #tpu.memory_space<hbm>>
      %dma_start3A_62 = tpu.memref_slice %arg7[%mul3A_58] : memref<10240xf32, #tpu.memory_space<vmem_shared>> -> memref<640xf32, #tpu.memory_space<vmem_shared>>
      tpu.enqueue_dma source(%dma_start3A_62 : memref<640xf32, #tpu.memory_space<vmem_shared>>) target(%dma_start3A_61 : memref<640xf32, #tpu.memory_space<hbm>>) target_semaphore(%run_scoped3A : memref<!tpu.dma_semaphore, #tpu.memory_space<semaphore_mem>>)
      %dma_wait3A = tpu.memref_slice %arg4[%arg0, %mul3A_60] : memref<2x10240xf32, #tpu.memory_space<hbm>> -> memref<1x640xf32, #tpu.memory_space<hbm>>
      %dma_wait3A_63 = tpu.memref_squeeze %dma_wait3A : memref<1x640xf32, #tpu.memory_space<hbm>> -> memref<640xf32, #tpu.memory_space<hbm>>
      %dma_wait3A_64 = tpu.memref_slice %arg7[%mul3A_58] : memref<10240xf32, #tpu.memory_space<vmem_shared>> -> memref<640xf32, #tpu.memory_space<vmem_shared>>
      tpu.wait_dma2 semaphore(%run_scoped3A : memref<!tpu.dma_semaphore, #tpu.memory_space<semaphore_mem>>) src(%dma_wait3A_64 : memref<640xf32, #tpu.memory_space<vmem_shared>>) dst(%dma_wait3A_63 : memref<640xf32, #tpu.memory_space<hbm>>)
      tpu.yield
    }) : () -> ()
    return
  }
}

#map = affine_map<(d0, d1) -> (0, 0, 0)>
#map1 = affine_map<(d0, d1) -> (0, 0)>
module attributes {stable_mosaic.version = 14 : i64} {
  func.func @body(%arg0: i32, %arg1: i32, %arg2: memref<32x140x128xi32, #tpu.memory_space<hbm>>, %arg3: memref<10240x128xf32, #tpu.memory_space<hbm>>, %arg4: memref<10240x128xf32, #tpu.memory_space<hbm>>, %arg5: memref<10240x128xf32, #tpu.memory_space<hbm>>, %arg6: memref<140x128xi32, #tpu.memory_space<vmem>>, %arg7: memref<128xi32, #tpu.memory_space<vmem>>, %arg8: memref<128xi32, #tpu.memory_space<vmem>>, %arg9: memref<128x128xf32, #tpu.memory_space<vmem>>, %arg10: memref<10240x128xf32, #tpu.memory_space<vmem_shared>>) attributes {dimension_semantics = [#tpu.dimension_semantics<core_parallel>, #tpu.dimension_semantics<subcore_parallel>], iteration_bounds = array<i64: 2, 16>, scalar_prefetch = 0 : i64, scratch_operands = 5 : i64, tpu.core_type = #tpu.core_type<sc_vector_subcore>, window_params = [{transform_indices = #map}, {transform_indices = #map1}, {transform_indices = #map1}, {transform_indices = #map1}]} {
    %mul3A = arith.constant 16 : i32
    %mul3A_0 = arith.muli %arg0, %mul3A : i32
    %add3A = arith.addi %mul3A_0, %arg1 : i32
    %scan3A = arith.constant 0 : i32
    %scan3A_1 = arith.constant 0 : i32
    %scan3A_2 = arith.constant 128 : i32
    %scan3A_3 = arith.addi %scan3A_1, %scan3A_2 : i32
    %scan3A_4 = arith.constant 1 : i32
    scf.for %scan3A_46 = %scan3A_1 to %scan3A_3 step %scan3A_4  : i32 {
      %broadcast_in_dim3A = arith.constant 0.000000e+00 : f32
      %broadcast_in_dim3A_47 = vector.broadcast %broadcast_in_dim3A : f32 to vector<16xf32>
      %swap3A = arith.index_cast %scan3A_46 : i32 to index
      %swap3A_48 = arith.constant 0 : index
      %swap3A_49 = tpu.vector_load %arg9[%swap3A, %swap3A_48] {strides = array<i32>} : memref<128x128xf32, #tpu.memory_space<vmem>>, vector<1x16xf32>,
      %swap3A_50 = vector.shape_cast %swap3A_49 : vector<1x16xf32> to vector<16xf32>
      %swap3A_51 = vector.shape_cast %broadcast_in_dim3A_47 : vector<16xf32> to vector<1x16xf32>
      tpu.vector_store %arg9[%swap3A, %swap3A_48], %swap3A_51 {strides = array<i32>} : memref<128x128xf32, #tpu.memory_space<vmem>>, vector<1x16xf32>,
      %broadcast_in_dim3A_52 = arith.constant 0.000000e+00 : f32
      %broadcast_in_dim3A_53 = vector.broadcast %broadcast_in_dim3A_52 : f32 to vector<16xf32>
      %swap3A_54 = arith.index_cast %scan3A_46 : i32 to index
      %swap3A_55 = arith.constant 16 : index
      %swap3A_56 = tpu.vector_load %arg9[%swap3A_54, %swap3A_55] {strides = array<i32>} : memref<128x128xf32, #tpu.memory_space<vmem>>, vector<1x16xf32>,
      %swap3A_57 = vector.shape_cast %swap3A_56 : vector<1x16xf32> to vector<16xf32>
      %swap3A_58 = vector.shape_cast %broadcast_in_dim3A_53 : vector<16xf32> to vector<1x16xf32>
      tpu.vector_store %arg9[%swap3A_54, %swap3A_55], %swap3A_58 {strides = array<i32>} : memref<128x128xf32, #tpu.memory_space<vmem>>, vector<1x16xf32>,
      %broadcast_in_dim3A_59 = arith.constant 0.000000e+00 : f32
      %broadcast_in_dim3A_60 = vector.broadcast %broadcast_in_dim3A_59 : f32 to vector<16xf32>
      %swap3A_61 = arith.index_cast %scan3A_46 : i32 to index
      %swap3A_62 = arith.constant 32 : index
      %swap3A_63 = tpu.vector_load %arg9[%swap3A_61, %swap3A_62] {strides = array<i32>} : memref<128x128xf32, #tpu.memory_space<vmem>>, vector<1x16xf32>,
      %swap3A_64 = vector.shape_cast %swap3A_63 : vector<1x16xf32> to vector<16xf32>
      %swap3A_65 = vector.shape_cast %broadcast_in_dim3A_60 : vector<16xf32> to vector<1x16xf32>
      tpu.vector_store %arg9[%swap3A_61, %swap3A_62], %swap3A_65 {strides = array<i32>} : memref<128x128xf32, #tpu.memory_space<vmem>>, vector<1x16xf32>,
      %broadcast_in_dim3A_66 = arith.constant 0.000000e+00 : f32
      %broadcast_in_dim3A_67 = vector.broadcast %broadcast_in_dim3A_66 : f32 to vector<16xf32>
      %swap3A_68 = arith.index_cast %scan3A_46 : i32 to index
      %swap3A_69 = arith.constant 48 : index
      %swap3A_70 = tpu.vector_load %arg9[%swap3A_68, %swap3A_69] {strides = array<i32>} : memref<128x128xf32, #tpu.memory_space<vmem>>, vector<1x16xf32>,
      %swap3A_71 = vector.shape_cast %swap3A_70 : vector<1x16xf32> to vector<16xf32>
      %swap3A_72 = vector.shape_cast %broadcast_in_dim3A_67 : vector<16xf32> to vector<1x16xf32>
      tpu.vector_store %arg9[%swap3A_68, %swap3A_69], %swap3A_72 {strides = array<i32>} : memref<128x128xf32, #tpu.memory_space<vmem>>, vector<1x16xf32>,
      %broadcast_in_dim3A_73 = arith.constant 0.000000e+00 : f32
      %broadcast_in_dim3A_74 = vector.broadcast %broadcast_in_dim3A_73 : f32 to vector<16xf32>
      %swap3A_75 = arith.index_cast %scan3A_46 : i32 to index
      %swap3A_76 = arith.constant 64 : index
      %swap3A_77 = tpu.vector_load %arg9[%swap3A_75, %swap3A_76] {strides = array<i32>} : memref<128x128xf32, #tpu.memory_space<vmem>>, vector<1x16xf32>,
      %swap3A_78 = vector.shape_cast %swap3A_77 : vector<1x16xf32> to vector<16xf32>
      %swap3A_79 = vector.shape_cast %broadcast_in_dim3A_74 : vector<16xf32> to vector<1x16xf32>
      tpu.vector_store %arg9[%swap3A_75, %swap3A_76], %swap3A_79 {strides = array<i32>} : memref<128x128xf32, #tpu.memory_space<vmem>>, vector<1x16xf32>,
      %broadcast_in_dim3A_80 = arith.constant 0.000000e+00 : f32
      %broadcast_in_dim3A_81 = vector.broadcast %broadcast_in_dim3A_80 : f32 to vector<16xf32>
      %swap3A_82 = arith.index_cast %scan3A_46 : i32 to index
      %swap3A_83 = arith.constant 80 : index
      %swap3A_84 = tpu.vector_load %arg9[%swap3A_82, %swap3A_83] {strides = array<i32>} : memref<128x128xf32, #tpu.memory_space<vmem>>, vector<1x16xf32>,
      %swap3A_85 = vector.shape_cast %swap3A_84 : vector<1x16xf32> to vector<16xf32>
      %swap3A_86 = vector.shape_cast %broadcast_in_dim3A_81 : vector<16xf32> to vector<1x16xf32>
      tpu.vector_store %arg9[%swap3A_82, %swap3A_83], %swap3A_86 {strides = array<i32>} : memref<128x128xf32, #tpu.memory_space<vmem>>, vector<1x16xf32>,
      %broadcast_in_dim3A_87 = arith.constant 0.000000e+00 : f32
      %broadcast_in_dim3A_88 = vector.broadcast %broadcast_in_dim3A_87 : f32 to vector<16xf32>
      %swap3A_89 = arith.index_cast %scan3A_46 : i32 to index
      %swap3A_90 = arith.constant 96 : index
      %swap3A_91 = tpu.vector_load %arg9[%swap3A_89, %swap3A_90] {strides = array<i32>} : memref<128x128xf32, #tpu.memory_space<vmem>>, vector<1x16xf32>,
      %swap3A_92 = vector.shape_cast %swap3A_91 : vector<1x16xf32> to vector<16xf32>
      %swap3A_93 = vector.shape_cast %broadcast_in_dim3A_88 : vector<16xf32> to vector<1x16xf32>
      tpu.vector_store %arg9[%swap3A_89, %swap3A_90], %swap3A_93 {strides = array<i32>} : memref<128x128xf32, #tpu.memory_space<vmem>>, vector<1x16xf32>,
      %broadcast_in_dim3A_94 = arith.constant 0.000000e+00 : f32
      %broadcast_in_dim3A_95 = vector.broadcast %broadcast_in_dim3A_94 : f32 to vector<16xf32>
      %swap3A_96 = arith.index_cast %scan3A_46 : i32 to index
      %swap3A_97 = arith.constant 112 : index
      %swap3A_98 = tpu.vector_load %arg9[%swap3A_96, %swap3A_97] {strides = array<i32>} : memref<128x128xf32, #tpu.memory_space<vmem>>, vector<1x16xf32>,
      %swap3A_99 = vector.shape_cast %swap3A_98 : vector<1x16xf32> to vector<16xf32>
      %swap3A_100 = vector.shape_cast %broadcast_in_dim3A_95 : vector<16xf32> to vector<1x16xf32>
      tpu.vector_store %arg9[%swap3A_96, %swap3A_97], %swap3A_100 {strides = array<i32>} : memref<128x128xf32, #tpu.memory_space<vmem>>, vector<1x16xf32>,
    }
    %scan3A_5 = arith.constant 128 : i32
    %mul3A_6 = arith.constant 640 : i32
    %mul3A_7 = arith.muli %arg1, %mul3A_6 : i32
    %add3A_8 = arith.constant 0 : i32
    %add3A_9 = arith.addi %mul3A_7, %add3A_8 : i32
    "tpu.region"() ({
      %run_scoped3A = tpu.sem_alloc : memref<!tpu.dma_semaphore, #tpu.memory_space<semaphore_mem>>
      %dma_start3A = arith.constant 0 : i32
      %dma_start3A_46 = tpu.memref_slice %arg10[%add3A_9, %dma_start3A] : memref<10240x128xf32, #tpu.memory_space<vmem_shared>> -> memref<128x128xf32, #tpu.memory_space<vmem_shared>>
      %dma_start3A_47 = arith.constant 0 : i32
      %dma_start3A_48 = tpu.memref_slice %arg10[%add3A_9, %dma_start3A_47] : memref<10240x128xf32, #tpu.memory_space<vmem_shared>> -> memref<128x128xf32, #tpu.memory_space<vmem_shared>>
      tpu.enqueue_dma source(%arg9 : memref<128x128xf32, #tpu.memory_space<vmem>>) target(%dma_start3A_48 : memref<128x128xf32, #tpu.memory_space<vmem_shared>>) target_semaphore(%run_scoped3A : memref<!tpu.dma_semaphore, #tpu.memory_space<semaphore_mem>>)
      %dma_wait3A = arith.constant 0 : i32
      %dma_wait3A_49 = tpu.memref_slice %arg10[%add3A_9, %dma_wait3A] : memref<10240x128xf32, #tpu.memory_space<vmem_shared>> -> memref<128x128xf32, #tpu.memory_space<vmem_shared>>
      %dma_wait3A_50 = arith.constant 0 : i32
      %dma_wait3A_51 = tpu.memref_slice %arg10[%add3A_9, %dma_wait3A_50] : memref<10240x128xf32, #tpu.memory_space<vmem_shared>> -> memref<128x128xf32, #tpu.memory_space<vmem_shared>>
      tpu.wait_dma2 semaphore(%run_scoped3A : memref<!tpu.dma_semaphore, #tpu.memory_space<semaphore_mem>>) src(%arg9 : memref<128x128xf32, #tpu.memory_space<vmem>>) dst(%dma_wait3A_51 : memref<128x128xf32, #tpu.memory_space<vmem_shared>>)
      tpu.yield
    }) : () -> ()
    %mul3A_10 = arith.constant 640 : i32
    %mul3A_11 = arith.muli %arg1, %mul3A_10 : i32
    %add3A_12 = arith.constant 128 : i32
    %add3A_13 = arith.addi %mul3A_11, %add3A_12 : i32
    "tpu.region"() ({
      %run_scoped3A = tpu.sem_alloc : memref<!tpu.dma_semaphore, #tpu.memory_space<semaphore_mem>>
      %dma_start3A = arith.constant 0 : i32
      %dma_start3A_46 = tpu.memref_slice %arg10[%add3A_13, %dma_start3A] : memref<10240x128xf32, #tpu.memory_space<vmem_shared>> -> memref<128x128xf32, #tpu.memory_space<vmem_shared>>
      %dma_start3A_47 = arith.constant 0 : i32
      %dma_start3A_48 = tpu.memref_slice %arg10[%add3A_13, %dma_start3A_47] : memref<10240x128xf32, #tpu.memory_space<vmem_shared>> -> memref<128x128xf32, #tpu.memory_space<vmem_shared>>
      tpu.enqueue_dma source(%arg9 : memref<128x128xf32, #tpu.memory_space<vmem>>) target(%dma_start3A_48 : memref<128x128xf32, #tpu.memory_space<vmem_shared>>) target_semaphore(%run_scoped3A : memref<!tpu.dma_semaphore, #tpu.memory_space<semaphore_mem>>)
      %dma_wait3A = arith.constant 0 : i32
      %dma_wait3A_49 = tpu.memref_slice %arg10[%add3A_13, %dma_wait3A] : memref<10240x128xf32, #tpu.memory_space<vmem_shared>> -> memref<128x128xf32, #tpu.memory_space<vmem_shared>>
      %dma_wait3A_50 = arith.constant 0 : i32
      %dma_wait3A_51 = tpu.memref_slice %arg10[%add3A_13, %dma_wait3A_50] : memref<10240x128xf32, #tpu.memory_space<vmem_shared>> -> memref<128x128xf32, #tpu.memory_space<vmem_shared>>
      tpu.wait_dma2 semaphore(%run_scoped3A : memref<!tpu.dma_semaphore, #tpu.memory_space<semaphore_mem>>) src(%arg9 : memref<128x128xf32, #tpu.memory_space<vmem>>) dst(%dma_wait3A_51 : memref<128x128xf32, #tpu.memory_space<vmem_shared>>)
      tpu.yield
    }) : () -> ()
    %mul3A_14 = arith.constant 640 : i32
    %mul3A_15 = arith.muli %arg1, %mul3A_14 : i32
    %add3A_16 = arith.constant 256 : i32
    %add3A_17 = arith.addi %mul3A_15, %add3A_16 : i32
    "tpu.region"() ({
      %run_scoped3A = tpu.sem_alloc : memref<!tpu.dma_semaphore, #tpu.memory_space<semaphore_mem>>
      %dma_start3A = arith.constant 0 : i32
      %dma_start3A_46 = tpu.memref_slice %arg10[%add3A_17, %dma_start3A] : memref<10240x128xf32, #tpu.memory_space<vmem_shared>> -> memref<128x128xf32, #tpu.memory_space<vmem_shared>>
      %dma_start3A_47 = arith.constant 0 : i32
      %dma_start3A_48 = tpu.memref_slice %arg10[%add3A_17, %dma_start3A_47] : memref<10240x128xf32, #tpu.memory_space<vmem_shared>> -> memref<128x128xf32, #tpu.memory_space<vmem_shared>>
      tpu.enqueue_dma source(%arg9 : memref<128x128xf32, #tpu.memory_space<vmem>>) target(%dma_start3A_48 : memref<128x128xf32, #tpu.memory_space<vmem_shared>>) target_semaphore(%run_scoped3A : memref<!tpu.dma_semaphore, #tpu.memory_space<semaphore_mem>>)
      %dma_wait3A = arith.constant 0 : i32
      %dma_wait3A_49 = tpu.memref_slice %arg10[%add3A_17, %dma_wait3A] : memref<10240x128xf32, #tpu.memory_space<vmem_shared>> -> memref<128x128xf32, #tpu.memory_space<vmem_shared>>
      %dma_wait3A_50 = arith.constant 0 : i32
      %dma_wait3A_51 = tpu.memref_slice %arg10[%add3A_17, %dma_wait3A_50] : memref<10240x128xf32, #tpu.memory_space<vmem_shared>> -> memref<128x128xf32, #tpu.memory_space<vmem_shared>>
      tpu.wait_dma2 semaphore(%run_scoped3A : memref<!tpu.dma_semaphore, #tpu.memory_space<semaphore_mem>>) src(%arg9 : memref<128x128xf32, #tpu.memory_space<vmem>>) dst(%dma_wait3A_51 : memref<128x128xf32, #tpu.memory_space<vmem_shared>>)
      tpu.yield
    }) : () -> ()
    %mul3A_18 = arith.constant 640 : i32
    %mul3A_19 = arith.muli %arg1, %mul3A_18 : i32
    %add3A_20 = arith.constant 384 : i32
    %add3A_21 = arith.addi %mul3A_19, %add3A_20 : i32
    "tpu.region"() ({
      %run_scoped3A = tpu.sem_alloc : memref<!tpu.dma_semaphore, #tpu.memory_space<semaphore_mem>>
      %dma_start3A = arith.constant 0 : i32
      %dma_start3A_46 = tpu.memref_slice %arg10[%add3A_21, %dma_start3A] : memref<10240x128xf32, #tpu.memory_space<vmem_shared>> -> memref<128x128xf32, #tpu.memory_space<vmem_shared>>
      %dma_start3A_47 = arith.constant 0 : i32
      %dma_start3A_48 = tpu.memref_slice %arg10[%add3A_21, %dma_start3A_47] : memref<10240x128xf32, #tpu.memory_space<vmem_shared>> -> memref<128x128xf32, #tpu.memory_space<vmem_shared>>
      tpu.enqueue_dma source(%arg9 : memref<128x128xf32, #tpu.memory_space<vmem>>) target(%dma_start3A_48 : memref<128x128xf32, #tpu.memory_space<vmem_shared>>) target_semaphore(%run_scoped3A : memref<!tpu.dma_semaphore, #tpu.memory_space<semaphore_mem>>)
      %dma_wait3A = arith.constant 0 : i32
      %dma_wait3A_49 = tpu.memref_slice %arg10[%add3A_21, %dma_wait3A] : memref<10240x128xf32, #tpu.memory_space<vmem_shared>> -> memref<128x128xf32, #tpu.memory_space<vmem_shared>>
      %dma_wait3A_50 = arith.constant 0 : i32
      %dma_wait3A_51 = tpu.memref_slice %arg10[%add3A_21, %dma_wait3A_50] : memref<10240x128xf32, #tpu.memory_space<vmem_shared>> -> memref<128x128xf32, #tpu.memory_space<vmem_shared>>
      tpu.wait_dma2 semaphore(%run_scoped3A : memref<!tpu.dma_semaphore, #tpu.memory_space<semaphore_mem>>) src(%arg9 : memref<128x128xf32, #tpu.memory_space<vmem>>) dst(%dma_wait3A_51 : memref<128x128xf32, #tpu.memory_space<vmem_shared>>)
      tpu.yield
    }) : () -> ()
    %mul3A_22 = arith.constant 640 : i32
    %mul3A_23 = arith.muli %arg1, %mul3A_22 : i32
    %add3A_24 = arith.constant 512 : i32
    %add3A_25 = arith.addi %mul3A_23, %add3A_24 : i32
    "tpu.region"() ({
      %run_scoped3A = tpu.sem_alloc : memref<!tpu.dma_semaphore, #tpu.memory_space<semaphore_mem>>
      %dma_start3A = arith.constant 0 : i32
      %dma_start3A_46 = tpu.memref_slice %arg10[%add3A_25, %dma_start3A] : memref<10240x128xf32, #tpu.memory_space<vmem_shared>> -> memref<128x128xf32, #tpu.memory_space<vmem_shared>>
      %dma_start3A_47 = arith.constant 0 : i32
      %dma_start3A_48 = tpu.memref_slice %arg10[%add3A_25, %dma_start3A_47] : memref<10240x128xf32, #tpu.memory_space<vmem_shared>> -> memref<128x128xf32, #tpu.memory_space<vmem_shared>>
      tpu.enqueue_dma source(%arg9 : memref<128x128xf32, #tpu.memory_space<vmem>>) target(%dma_start3A_48 : memref<128x128xf32, #tpu.memory_space<vmem_shared>>) target_semaphore(%run_scoped3A : memref<!tpu.dma_semaphore, #tpu.memory_space<semaphore_mem>>)
      %dma_wait3A = arith.constant 0 : i32
      %dma_wait3A_49 = tpu.memref_slice %arg10[%add3A_25, %dma_wait3A] : memref<10240x128xf32, #tpu.memory_space<vmem_shared>> -> memref<128x128xf32, #tpu.memory_space<vmem_shared>>
      %dma_wait3A_50 = arith.constant 0 : i32
      %dma_wait3A_51 = tpu.memref_slice %arg10[%add3A_25, %dma_wait3A_50] : memref<10240x128xf32, #tpu.memory_space<vmem_shared>> -> memref<128x128xf32, #tpu.memory_space<vmem_shared>>
      tpu.wait_dma2 semaphore(%run_scoped3A : memref<!tpu.dma_semaphore, #tpu.memory_space<semaphore_mem>>) src(%arg9 : memref<128x128xf32, #tpu.memory_space<vmem>>) dst(%dma_wait3A_51 : memref<128x128xf32, #tpu.memory_space<vmem_shared>>)
      tpu.yield
    }) : () -> ()
    "tpu.region"() ({
      %run_scoped3A = tpu.sem_alloc : memref<!tpu.dma_semaphore, #tpu.memory_space<semaphore_mem>>
      %dma_start3A = arith.constant 0 : i32
      %dma_start3A_46 = arith.constant 0 : i32
      %dma_start3A_47 = tpu.memref_slice %arg2[%add3A, %dma_start3A, %dma_start3A_46] : memref<32x140x128xi32, #tpu.memory_space<hbm>> -> memref<1x140x128xi32, #tpu.memory_space<hbm>>
      %dma_start3A_48 = tpu.memref_squeeze %dma_start3A_47 : memref<1x140x128xi32, #tpu.memory_space<hbm>> -> memref<140x128xi32, #tpu.memory_space<hbm>>
      %dma_start3A_49 = arith.constant 0 : i32
      %dma_start3A_50 = arith.constant 0 : i32
      %dma_start3A_51 = tpu.memref_slice %arg2[%add3A, %dma_start3A_49, %dma_start3A_50] : memref<32x140x128xi32, #tpu.memory_space<hbm>> -> memref<1x140x128xi32, #tpu.memory_space<hbm>>
      %dma_start3A_52 = tpu.memref_squeeze %dma_start3A_51 : memref<1x140x128xi32, #tpu.memory_space<hbm>> -> memref<140x128xi32, #tpu.memory_space<hbm>>
      tpu.enqueue_dma source(%dma_start3A_52 : memref<140x128xi32, #tpu.memory_space<hbm>>) target(%arg6 : memref<140x128xi32, #tpu.memory_space<vmem>>) target_semaphore(%run_scoped3A : memref<!tpu.dma_semaphore, #tpu.memory_space<semaphore_mem>>)
      %dma_wait3A = arith.constant 0 : i32
      %dma_wait3A_53 = arith.constant 0 : i32
      %dma_wait3A_54 = tpu.memref_slice %arg2[%add3A, %dma_wait3A, %dma_wait3A_53] : memref<32x140x128xi32, #tpu.memory_space<hbm>> -> memref<1x140x128xi32, #tpu.memory_space<hbm>>
      %dma_wait3A_55 = tpu.memref_squeeze %dma_wait3A_54 : memref<1x140x128xi32, #tpu.memory_space<hbm>> -> memref<140x128xi32, #tpu.memory_space<hbm>>
      %dma_wait3A_56 = arith.constant 0 : i32
      %dma_wait3A_57 = arith.constant 0 : i32
      %dma_wait3A_58 = tpu.memref_slice %arg2[%add3A, %dma_wait3A_56, %dma_wait3A_57] : memref<32x140x128xi32, #tpu.memory_space<hbm>> -> memref<1x140x128xi32, #tpu.memory_space<hbm>>
      %dma_wait3A_59 = tpu.memref_squeeze %dma_wait3A_58 : memref<1x140x128xi32, #tpu.memory_space<hbm>> -> memref<140x128xi32, #tpu.memory_space<hbm>>
      tpu.wait_dma2 semaphore(%run_scoped3A : memref<!tpu.dma_semaphore, #tpu.memory_space<semaphore_mem>>) src(%dma_wait3A_59 : memref<140x128xi32, #tpu.memory_space<hbm>>) dst(%arg6 : memref<140x128xi32, #tpu.memory_space<vmem>>)
      tpu.yield
    }) : () -> ()
    %barrier3A = arith.constant 0 : index
    tpu.barrier barrier_id(%barrier3A)
    %eq3A = arith.constant 0 : i32
    %eq3A_26 = arith.cmpi eq, %arg0, %eq3A : i32
    %jit3A = arith.constant 140 : i32
    %jit3A_27 = arith.constant 20 : i32
    %select_n3A = arith.select %eq3A_26, %jit3A, %jit3A_27 : i32
    %while3A = arith.constant 0 : i32
    %while3A_28 = arith.constant 0 : i32
    %while3A_29 = arith.subi %select_n3A, %while3A_28 : i32
    %while3A_30 = arith.addi %while3A_28, %while3A_29 : i32
    %while3A_31 = arith.constant 1 : i32
    %while3A_32 = arith.divsi %while3A_29, %while3A_31 : i32
    %while3A_33 = arith.muli %while3A_32, %while3A_31 : i32
    %while3A_34 = arith.addi %while3A_28, %while3A_33 : i32
    %while3A_35 = arith.constant 1 : i32
    scf.for %while3A_46 = %while3A_28 to %while3A_34 step %while3A_35  : i32 {
      %get3A = arith.index_cast %while3A_46 : i32 to index
      %get3A_47 = arith.constant 0 : index
      %get3A_48 = tpu.vector_load %arg6[%get3A, %get3A_47] {strides = array<i32>} : memref<140x128xi32, #tpu.memory_space<vmem>>, vector<1x16xi32>,
      %get3A_49 = vector.shape_cast %get3A_48 : vector<1x16xi32> to vector<16xi32>
      %and3A = arith.constant 16383 : i32
      %and3A_50 = vector.broadcast %and3A : i32 to vector<16xi32>
      %and3A_51 = arith.andi %get3A_49, %and3A_50 : vector<16xi32>
      %swap3A = arith.constant 0 : index
      %swap3A_52 = tpu.vector_load %arg7[%swap3A] {strides = array<i32>} : memref<128xi32, #tpu.memory_space<vmem>>, vector<16xi32>,
      %swap3A_53 = vector.shape_cast %swap3A_52 : vector<16xi32> to vector<16xi32>
      %swap3A_54 = vector.shape_cast %and3A_51 : vector<16xi32> to vector<16xi32>
      tpu.vector_store %arg7[%swap3A], %swap3A_54 {strides = array<i32>} : memref<128xi32, #tpu.memory_space<vmem>>, vector<16xi32>,
      %shift_right_arithmetic3A = arith.constant 14 : i32
      %shift_right_arithmetic3A_55 = vector.broadcast %shift_right_arithmetic3A : i32 to vector<16xi32>
      %shift_right_arithmetic3A_56 = arith.shrsi %get3A_49, %shift_right_arithmetic3A_55 : vector<16xi32>
      %swap3A_57 = arith.constant 0 : index
      %swap3A_58 = tpu.vector_load %arg8[%swap3A_57] {strides = array<i32>} : memref<128xi32, #tpu.memory_space<vmem>>, vector<16xi32>,
      %swap3A_59 = vector.shape_cast %swap3A_58 : vector<16xi32> to vector<16xi32>
      %swap3A_60 = vector.shape_cast %shift_right_arithmetic3A_56 : vector<16xi32> to vector<16xi32>
      tpu.vector_store %arg8[%swap3A_57], %swap3A_60 {strides = array<i32>} : memref<128xi32, #tpu.memory_space<vmem>>, vector<16xi32>,
      %get3A_61 = arith.index_cast %while3A_46 : i32 to index
      %get3A_62 = arith.constant 16 : index
      %get3A_63 = tpu.vector_load %arg6[%get3A_61, %get3A_62] {strides = array<i32>} : memref<140x128xi32, #tpu.memory_space<vmem>>, vector<1x16xi32>,
      %get3A_64 = vector.shape_cast %get3A_63 : vector<1x16xi32> to vector<16xi32>
      %and3A_65 = arith.constant 16383 : i32
      %and3A_66 = vector.broadcast %and3A_65 : i32 to vector<16xi32>
      %and3A_67 = arith.andi %get3A_64, %and3A_66 : vector<16xi32>
      %swap3A_68 = arith.constant 16 : index
      %swap3A_69 = tpu.vector_load %arg7[%swap3A_68] {strides = array<i32>} : memref<128xi32, #tpu.memory_space<vmem>>, vector<16xi32>,
      %swap3A_70 = vector.shape_cast %swap3A_69 : vector<16xi32> to vector<16xi32>
      %swap3A_71 = vector.shape_cast %and3A_67 : vector<16xi32> to vector<16xi32>
      tpu.vector_store %arg7[%swap3A_68], %swap3A_71 {strides = array<i32>} : memref<128xi32, #tpu.memory_space<vmem>>, vector<16xi32>,
      %shift_right_arithmetic3A_72 = arith.constant 14 : i32
      %shift_right_arithmetic3A_73 = vector.broadcast %shift_right_arithmetic3A_72 : i32 to vector<16xi32>
      %shift_right_arithmetic3A_74 = arith.shrsi %get3A_64, %shift_right_arithmetic3A_73 : vector<16xi32>
      %swap3A_75 = arith.constant 16 : index
      %swap3A_76 = tpu.vector_load %arg8[%swap3A_75] {strides = array<i32>} : memref<128xi32, #tpu.memory_space<vmem>>, vector<16xi32>,
      %swap3A_77 = vector.shape_cast %swap3A_76 : vector<16xi32> to vector<16xi32>
      %swap3A_78 = vector.shape_cast %shift_right_arithmetic3A_74 : vector<16xi32> to vector<16xi32>
      tpu.vector_store %arg8[%swap3A_75], %swap3A_78 {strides = array<i32>} : memref<128xi32, #tpu.memory_space<vmem>>, vector<16xi32>,
      %get3A_79 = arith.index_cast %while3A_46 : i32 to index
      %get3A_80 = arith.constant 32 : index
      %get3A_81 = tpu.vector_load %arg6[%get3A_79, %get3A_80] {strides = array<i32>} : memref<140x128xi32, #tpu.memory_space<vmem>>, vector<1x16xi32>,
      %get3A_82 = vector.shape_cast %get3A_81 : vector<1x16xi32> to vector<16xi32>
      %and3A_83 = arith.constant 16383 : i32
      %and3A_84 = vector.broadcast %and3A_83 : i32 to vector<16xi32>
      %and3A_85 = arith.andi %get3A_82, %and3A_84 : vector<16xi32>
      %swap3A_86 = arith.constant 32 : index
      %swap3A_87 = tpu.vector_load %arg7[%swap3A_86] {strides = array<i32>} : memref<128xi32, #tpu.memory_space<vmem>>, vector<16xi32>,
      %swap3A_88 = vector.shape_cast %swap3A_87 : vector<16xi32> to vector<16xi32>
      %swap3A_89 = vector.shape_cast %and3A_85 : vector<16xi32> to vector<16xi32>
      tpu.vector_store %arg7[%swap3A_86], %swap3A_89 {strides = array<i32>} : memref<128xi32, #tpu.memory_space<vmem>>, vector<16xi32>,
      %shift_right_arithmetic3A_90 = arith.constant 14 : i32
      %shift_right_arithmetic3A_91 = vector.broadcast %shift_right_arithmetic3A_90 : i32 to vector<16xi32>
      %shift_right_arithmetic3A_92 = arith.shrsi %get3A_82, %shift_right_arithmetic3A_91 : vector<16xi32>
      %swap3A_93 = arith.constant 32 : index
      %swap3A_94 = tpu.vector_load %arg8[%swap3A_93] {strides = array<i32>} : memref<128xi32, #tpu.memory_space<vmem>>, vector<16xi32>,
      %swap3A_95 = vector.shape_cast %swap3A_94 : vector<16xi32> to vector<16xi32>
      %swap3A_96 = vector.shape_cast %shift_right_arithmetic3A_92 : vector<16xi32> to vector<16xi32>
      tpu.vector_store %arg8[%swap3A_93], %swap3A_96 {strides = array<i32>} : memref<128xi32, #tpu.memory_space<vmem>>, vector<16xi32>,
      %get3A_97 = arith.index_cast %while3A_46 : i32 to index
      %get3A_98 = arith.constant 48 : index
      %get3A_99 = tpu.vector_load %arg6[%get3A_97, %get3A_98] {strides = array<i32>} : memref<140x128xi32, #tpu.memory_space<vmem>>, vector<1x16xi32>,
      %get3A_100 = vector.shape_cast %get3A_99 : vector<1x16xi32> to vector<16xi32>
      %and3A_101 = arith.constant 16383 : i32
      %and3A_102 = vector.broadcast %and3A_101 : i32 to vector<16xi32>
      %and3A_103 = arith.andi %get3A_100, %and3A_102 : vector<16xi32>
      %swap3A_104 = arith.constant 48 : index
      %swap3A_105 = tpu.vector_load %arg7[%swap3A_104] {strides = array<i32>} : memref<128xi32, #tpu.memory_space<vmem>>, vector<16xi32>,
      %swap3A_106 = vector.shape_cast %swap3A_105 : vector<16xi32> to vector<16xi32>
      %swap3A_107 = vector.shape_cast %and3A_103 : vector<16xi32> to vector<16xi32>
      tpu.vector_store %arg7[%swap3A_104], %swap3A_107 {strides = array<i32>} : memref<128xi32, #tpu.memory_space<vmem>>, vector<16xi32>,
      %shift_right_arithmetic3A_108 = arith.constant 14 : i32
      %shift_right_arithmetic3A_109 = vector.broadcast %shift_right_arithmetic3A_108 : i32 to vector<16xi32>
      %shift_right_arithmetic3A_110 = arith.shrsi %get3A_100, %shift_right_arithmetic3A_109 : vector<16xi32>
      %swap3A_111 = arith.constant 48 : index
      %swap3A_112 = tpu.vector_load %arg8[%swap3A_111] {strides = array<i32>} : memref<128xi32, #tpu.memory_space<vmem>>, vector<16xi32>,
      %swap3A_113 = vector.shape_cast %swap3A_112 : vector<16xi32> to vector<16xi32>
      %swap3A_114 = vector.shape_cast %shift_right_arithmetic3A_110 : vector<16xi32> to vector<16xi32>
      tpu.vector_store %arg8[%swap3A_111], %swap3A_114 {strides = array<i32>} : memref<128xi32, #tpu.memory_space<vmem>>, vector<16xi32>,
      %get3A_115 = arith.index_cast %while3A_46 : i32 to index
      %get3A_116 = arith.constant 64 : index
      %get3A_117 = tpu.vector_load %arg6[%get3A_115, %get3A_116] {strides = array<i32>} : memref<140x128xi32, #tpu.memory_space<vmem>>, vector<1x16xi32>,
      %get3A_118 = vector.shape_cast %get3A_117 : vector<1x16xi32> to vector<16xi32>
      %and3A_119 = arith.constant 16383 : i32
      %and3A_120 = vector.broadcast %and3A_119 : i32 to vector<16xi32>
      %and3A_121 = arith.andi %get3A_118, %and3A_120 : vector<16xi32>
      %swap3A_122 = arith.constant 64 : index
      %swap3A_123 = tpu.vector_load %arg7[%swap3A_122] {strides = array<i32>} : memref<128xi32, #tpu.memory_space<vmem>>, vector<16xi32>,
      %swap3A_124 = vector.shape_cast %swap3A_123 : vector<16xi32> to vector<16xi32>
      %swap3A_125 = vector.shape_cast %and3A_121 : vector<16xi32> to vector<16xi32>
      tpu.vector_store %arg7[%swap3A_122], %swap3A_125 {strides = array<i32>} : memref<128xi32, #tpu.memory_space<vmem>>, vector<16xi32>,
      %shift_right_arithmetic3A_126 = arith.constant 14 : i32
      %shift_right_arithmetic3A_127 = vector.broadcast %shift_right_arithmetic3A_126 : i32 to vector<16xi32>
      %shift_right_arithmetic3A_128 = arith.shrsi %get3A_118, %shift_right_arithmetic3A_127 : vector<16xi32>
      %swap3A_129 = arith.constant 64 : index
      %swap3A_130 = tpu.vector_load %arg8[%swap3A_129] {strides = array<i32>} : memref<128xi32, #tpu.memory_space<vmem>>, vector<16xi32>,
      %swap3A_131 = vector.shape_cast %swap3A_130 : vector<16xi32> to vector<16xi32>
      %swap3A_132 = vector.shape_cast %shift_right_arithmetic3A_128 : vector<16xi32> to vector<16xi32>
      tpu.vector_store %arg8[%swap3A_129], %swap3A_132 {strides = array<i32>} : memref<128xi32, #tpu.memory_space<vmem>>, vector<16xi32>,
      %get3A_133 = arith.index_cast %while3A_46 : i32 to index
      %get3A_134 = arith.constant 80 : index
      %get3A_135 = tpu.vector_load %arg6[%get3A_133, %get3A_134] {strides = array<i32>} : memref<140x128xi32, #tpu.memory_space<vmem>>, vector<1x16xi32>,
      %get3A_136 = vector.shape_cast %get3A_135 : vector<1x16xi32> to vector<16xi32>
      %and3A_137 = arith.constant 16383 : i32
      %and3A_138 = vector.broadcast %and3A_137 : i32 to vector<16xi32>
      %and3A_139 = arith.andi %get3A_136, %and3A_138 : vector<16xi32>
      %swap3A_140 = arith.constant 80 : index
      %swap3A_141 = tpu.vector_load %arg7[%swap3A_140] {strides = array<i32>} : memref<128xi32, #tpu.memory_space<vmem>>, vector<16xi32>,
      %swap3A_142 = vector.shape_cast %swap3A_141 : vector<16xi32> to vector<16xi32>
      %swap3A_143 = vector.shape_cast %and3A_139 : vector<16xi32> to vector<16xi32>
      tpu.vector_store %arg7[%swap3A_140], %swap3A_143 {strides = array<i32>} : memref<128xi32, #tpu.memory_space<vmem>>, vector<16xi32>,
      %shift_right_arithmetic3A_144 = arith.constant 14 : i32
      %shift_right_arithmetic3A_145 = vector.broadcast %shift_right_arithmetic3A_144 : i32 to vector<16xi32>
      %shift_right_arithmetic3A_146 = arith.shrsi %get3A_136, %shift_right_arithmetic3A_145 : vector<16xi32>
      %swap3A_147 = arith.constant 80 : index
      %swap3A_148 = tpu.vector_load %arg8[%swap3A_147] {strides = array<i32>} : memref<128xi32, #tpu.memory_space<vmem>>, vector<16xi32>,
      %swap3A_149 = vector.shape_cast %swap3A_148 : vector<16xi32> to vector<16xi32>
      %swap3A_150 = vector.shape_cast %shift_right_arithmetic3A_146 : vector<16xi32> to vector<16xi32>
      tpu.vector_store %arg8[%swap3A_147], %swap3A_150 {strides = array<i32>} : memref<128xi32, #tpu.memory_space<vmem>>, vector<16xi32>,
      %get3A_151 = arith.index_cast %while3A_46 : i32 to index
      %get3A_152 = arith.constant 96 : index
      %get3A_153 = tpu.vector_load %arg6[%get3A_151, %get3A_152] {strides = array<i32>} : memref<140x128xi32, #tpu.memory_space<vmem>>, vector<1x16xi32>,
      %get3A_154 = vector.shape_cast %get3A_153 : vector<1x16xi32> to vector<16xi32>
      %and3A_155 = arith.constant 16383 : i32
      %and3A_156 = vector.broadcast %and3A_155 : i32 to vector<16xi32>
      %and3A_157 = arith.andi %get3A_154, %and3A_156 : vector<16xi32>
      %swap3A_158 = arith.constant 96 : index
      %swap3A_159 = tpu.vector_load %arg7[%swap3A_158] {strides = array<i32>} : memref<128xi32, #tpu.memory_space<vmem>>, vector<16xi32>,
      %swap3A_160 = vector.shape_cast %swap3A_159 : vector<16xi32> to vector<16xi32>
      %swap3A_161 = vector.shape_cast %and3A_157 : vector<16xi32> to vector<16xi32>
      tpu.vector_store %arg7[%swap3A_158], %swap3A_161 {strides = array<i32>} : memref<128xi32, #tpu.memory_space<vmem>>, vector<16xi32>,
      %shift_right_arithmetic3A_162 = arith.constant 14 : i32
      %shift_right_arithmetic3A_163 = vector.broadcast %shift_right_arithmetic3A_162 : i32 to vector<16xi32>
      %shift_right_arithmetic3A_164 = arith.shrsi %get3A_154, %shift_right_arithmetic3A_163 : vector<16xi32>
      %swap3A_165 = arith.constant 96 : index
      %swap3A_166 = tpu.vector_load %arg8[%swap3A_165] {strides = array<i32>} : memref<128xi32, #tpu.memory_space<vmem>>, vector<16xi32>,
      %swap3A_167 = vector.shape_cast %swap3A_166 : vector<16xi32> to vector<16xi32>
      %swap3A_168 = vector.shape_cast %shift_right_arithmetic3A_164 : vector<16xi32> to vector<16xi32>
      tpu.vector_store %arg8[%swap3A_165], %swap3A_168 {strides = array<i32>} : memref<128xi32, #tpu.memory_space<vmem>>, vector<16xi32>,
      %get3A_169 = arith.index_cast %while3A_46 : i32 to index
      %get3A_170 = arith.constant 112 : index
      %get3A_171 = tpu.vector_load %arg6[%get3A_169, %get3A_170] {strides = array<i32>} : memref<140x128xi32, #tpu.memory_space<vmem>>, vector<1x16xi32>,
      %get3A_172 = vector.shape_cast %get3A_171 : vector<1x16xi32> to vector<16xi32>
      %and3A_173 = arith.constant 16383 : i32
      %and3A_174 = vector.broadcast %and3A_173 : i32 to vector<16xi32>
      %and3A_175 = arith.andi %get3A_172, %and3A_174 : vector<16xi32>
      %swap3A_176 = arith.constant 112 : index
      %swap3A_177 = tpu.vector_load %arg7[%swap3A_176] {strides = array<i32>} : memref<128xi32, #tpu.memory_space<vmem>>, vector<16xi32>,
      %swap3A_178 = vector.shape_cast %swap3A_177 : vector<16xi32> to vector<16xi32>
      %swap3A_179 = vector.shape_cast %and3A_175 : vector<16xi32> to vector<16xi32>
      tpu.vector_store %arg7[%swap3A_176], %swap3A_179 {strides = array<i32>} : memref<128xi32, #tpu.memory_space<vmem>>, vector<16xi32>,
      %shift_right_arithmetic3A_180 = arith.constant 14 : i32
      %shift_right_arithmetic3A_181 = vector.broadcast %shift_right_arithmetic3A_180 : i32 to vector<16xi32>
      %shift_right_arithmetic3A_182 = arith.shrsi %get3A_172, %shift_right_arithmetic3A_181 : vector<16xi32>
      %swap3A_183 = arith.constant 112 : index
      %swap3A_184 = tpu.vector_load %arg8[%swap3A_183] {strides = array<i32>} : memref<128xi32, #tpu.memory_space<vmem>>, vector<16xi32>,
      %swap3A_185 = vector.shape_cast %swap3A_184 : vector<16xi32> to vector<16xi32>
      %swap3A_186 = vector.shape_cast %shift_right_arithmetic3A_182 : vector<16xi32> to vector<16xi32>
      tpu.vector_store %arg8[%swap3A_183], %swap3A_186 {strides = array<i32>} : memref<128xi32, #tpu.memory_space<vmem>>, vector<16xi32>,
      "tpu.region"() ({
        %run_scoped3A = tpu.sem_alloc : memref<!tpu.dma_semaphore, #tpu.memory_space<semaphore_mem>>
        %dma_start3A = arith.constant 0 : i32
        %dma_start3A_187 = arith.constant 0 : i32
        %dma_start3A_188 = tpu.memref_slice %arg3[%dma_start3A, %dma_start3A_187] : memref<10240x128xf32, #tpu.memory_space<hbm>> -> memref<10240x128xf32, #tpu.memory_space<hbm>>
        tpu.enqueue_indirect_dma source(%dma_start3A_188 : memref<10240x128xf32, #tpu.memory_space<hbm>>) target(%arg9 : memref<128x128xf32, #tpu.memory_space<vmem>>) offsets(%arg7 : memref<128xi32, #tpu.memory_space<vmem>>) semaphore(%run_scoped3A : memref<!tpu.dma_semaphore, #tpu.memory_space<semaphore_mem>>)
        %dma_wait3A = arith.constant 0 : i32
        %dma_wait3A_189 = arith.constant 0 : i32
        %dma_wait3A_190 = tpu.memref_slice %arg3[%dma_wait3A, %dma_wait3A_189] : memref<10240x128xf32, #tpu.memory_space<hbm>> -> memref<10240x128xf32, #tpu.memory_space<hbm>>
        tpu.wait_indirect_dma semaphore(%run_scoped3A : memref<!tpu.dma_semaphore, #tpu.memory_space<semaphore_mem>>) src(%dma_wait3A_190 : memref<10240x128xf32, #tpu.memory_space<hbm>>) dst(%arg9 : memref<128x128xf32, #tpu.memory_space<vmem>>)
        tpu.yield
      }) : () -> ()
      "tpu.region"() ({
        %run_scoped3A = tpu.sem_alloc : memref<!tpu.dma_semaphore, #tpu.memory_space<semaphore_mem>>
        %dma_start3A = arith.constant 0 : i32
        %dma_start3A_187 = arith.constant 0 : i32
        %dma_start3A_188 = tpu.memref_slice %arg10[%dma_start3A, %dma_start3A_187] : memref<10240x128xf32, #tpu.memory_space<vmem_shared>> -> memref<10240x128xf32, #tpu.memory_space<vmem_shared>>
        tpu.enqueue_indirect_dma source(%arg9 : memref<128x128xf32, #tpu.memory_space<vmem>>) target(%dma_start3A_188 : memref<10240x128xf32, #tpu.memory_space<vmem_shared>>) offsets(%arg8 : memref<128xi32, #tpu.memory_space<vmem>>) semaphore(%run_scoped3A : memref<!tpu.dma_semaphore, #tpu.memory_space<semaphore_mem>>) {add = true}
        %dma_wait3A = arith.constant 0 : i32
        %dma_wait3A_189 = arith.constant 0 : i32
        %dma_wait3A_190 = tpu.memref_slice %arg10[%dma_wait3A, %dma_wait3A_189] : memref<10240x128xf32, #tpu.memory_space<vmem_shared>> -> memref<10240x128xf32, #tpu.memory_space<vmem_shared>>
        tpu.wait_indirect_dma semaphore(%run_scoped3A : memref<!tpu.dma_semaphore, #tpu.memory_space<semaphore_mem>>) src(%arg9 : memref<128x128xf32, #tpu.memory_space<vmem>>) dst(%dma_wait3A_190 : memref<10240x128xf32, #tpu.memory_space<vmem_shared>>)
        tpu.yield
      }) : () -> ()
    }
    %while3A_36 = arith.constant 1 : i32
    scf.for %while3A_46 = %while3A_34 to %while3A_30 step %while3A_36  : i32 {
      %get3A = arith.index_cast %while3A_46 : i32 to index
      %get3A_47 = arith.constant 0 : index
      %get3A_48 = tpu.vector_load %arg6[%get3A, %get3A_47] {strides = array<i32>} : memref<140x128xi32, #tpu.memory_space<vmem>>, vector<1x16xi32>,
      %get3A_49 = vector.shape_cast %get3A_48 : vector<1x16xi32> to vector<16xi32>
      %and3A = arith.constant 16383 : i32
      %and3A_50 = vector.broadcast %and3A : i32 to vector<16xi32>
      %and3A_51 = arith.andi %get3A_49, %and3A_50 : vector<16xi32>
      %swap3A = arith.constant 0 : index
      %swap3A_52 = tpu.vector_load %arg7[%swap3A] {strides = array<i32>} : memref<128xi32, #tpu.memory_space<vmem>>, vector<16xi32>,
      %swap3A_53 = vector.shape_cast %swap3A_52 : vector<16xi32> to vector<16xi32>
      %swap3A_54 = vector.shape_cast %and3A_51 : vector<16xi32> to vector<16xi32>
      tpu.vector_store %arg7[%swap3A], %swap3A_54 {strides = array<i32>} : memref<128xi32, #tpu.memory_space<vmem>>, vector<16xi32>,
      %shift_right_arithmetic3A = arith.constant 14 : i32
      %shift_right_arithmetic3A_55 = vector.broadcast %shift_right_arithmetic3A : i32 to vector<16xi32>
      %shift_right_arithmetic3A_56 = arith.shrsi %get3A_49, %shift_right_arithmetic3A_55 : vector<16xi32>
      %swap3A_57 = arith.constant 0 : index
      %swap3A_58 = tpu.vector_load %arg8[%swap3A_57] {strides = array<i32>} : memref<128xi32, #tpu.memory_space<vmem>>, vector<16xi32>,
      %swap3A_59 = vector.shape_cast %swap3A_58 : vector<16xi32> to vector<16xi32>
      %swap3A_60 = vector.shape_cast %shift_right_arithmetic3A_56 : vector<16xi32> to vector<16xi32>
      tpu.vector_store %arg8[%swap3A_57], %swap3A_60 {strides = array<i32>} : memref<128xi32, #tpu.memory_space<vmem>>, vector<16xi32>,
      %get3A_61 = arith.index_cast %while3A_46 : i32 to index
      %get3A_62 = arith.constant 16 : index
      %get3A_63 = tpu.vector_load %arg6[%get3A_61, %get3A_62] {strides = array<i32>} : memref<140x128xi32, #tpu.memory_space<vmem>>, vector<1x16xi32>,
      %get3A_64 = vector.shape_cast %get3A_63 : vector<1x16xi32> to vector<16xi32>
      %and3A_65 = arith.constant 16383 : i32
      %and3A_66 = vector.broadcast %and3A_65 : i32 to vector<16xi32>
      %and3A_67 = arith.andi %get3A_64, %and3A_66 : vector<16xi32>
      %swap3A_68 = arith.constant 16 : index
      %swap3A_69 = tpu.vector_load %arg7[%swap3A_68] {strides = array<i32>} : memref<128xi32, #tpu.memory_space<vmem>>, vector<16xi32>,
      %swap3A_70 = vector.shape_cast %swap3A_69 : vector<16xi32> to vector<16xi32>
      %swap3A_71 = vector.shape_cast %and3A_67 : vector<16xi32> to vector<16xi32>
      tpu.vector_store %arg7[%swap3A_68], %swap3A_71 {strides = array<i32>} : memref<128xi32, #tpu.memory_space<vmem>>, vector<16xi32>,
      %shift_right_arithmetic3A_72 = arith.constant 14 : i32
      %shift_right_arithmetic3A_73 = vector.broadcast %shift_right_arithmetic3A_72 : i32 to vector<16xi32>
      %shift_right_arithmetic3A_74 = arith.shrsi %get3A_64, %shift_right_arithmetic3A_73 : vector<16xi32>
      %swap3A_75 = arith.constant 16 : index
      %swap3A_76 = tpu.vector_load %arg8[%swap3A_75] {strides = array<i32>} : memref<128xi32, #tpu.memory_space<vmem>>, vector<16xi32>,
      %swap3A_77 = vector.shape_cast %swap3A_76 : vector<16xi32> to vector<16xi32>
      %swap3A_78 = vector.shape_cast %shift_right_arithmetic3A_74 : vector<16xi32> to vector<16xi32>
      tpu.vector_store %arg8[%swap3A_75], %swap3A_78 {strides = array<i32>} : memref<128xi32, #tpu.memory_space<vmem>>, vector<16xi32>,
      %get3A_79 = arith.index_cast %while3A_46 : i32 to index
      %get3A_80 = arith.constant 32 : index
      %get3A_81 = tpu.vector_load %arg6[%get3A_79, %get3A_80] {strides = array<i32>} : memref<140x128xi32, #tpu.memory_space<vmem>>, vector<1x16xi32>,
      %get3A_82 = vector.shape_cast %get3A_81 : vector<1x16xi32> to vector<16xi32>
      %and3A_83 = arith.constant 16383 : i32
      %and3A_84 = vector.broadcast %and3A_83 : i32 to vector<16xi32>
      %and3A_85 = arith.andi %get3A_82, %and3A_84 : vector<16xi32>
      %swap3A_86 = arith.constant 32 : index
      %swap3A_87 = tpu.vector_load %arg7[%swap3A_86] {strides = array<i32>} : memref<128xi32, #tpu.memory_space<vmem>>, vector<16xi32>,
      %swap3A_88 = vector.shape_cast %swap3A_87 : vector<16xi32> to vector<16xi32>
      %swap3A_89 = vector.shape_cast %and3A_85 : vector<16xi32> to vector<16xi32>
      tpu.vector_store %arg7[%swap3A_86], %swap3A_89 {strides = array<i32>} : memref<128xi32, #tpu.memory_space<vmem>>, vector<16xi32>,
      %shift_right_arithmetic3A_90 = arith.constant 14 : i32
      %shift_right_arithmetic3A_91 = vector.broadcast %shift_right_arithmetic3A_90 : i32 to vector<16xi32>
      %shift_right_arithmetic3A_92 = arith.shrsi %get3A_82, %shift_right_arithmetic3A_91 : vector<16xi32>
      %swap3A_93 = arith.constant 32 : index
      %swap3A_94 = tpu.vector_load %arg8[%swap3A_93] {strides = array<i32>} : memref<128xi32, #tpu.memory_space<vmem>>, vector<16xi32>,
      %swap3A_95 = vector.shape_cast %swap3A_94 : vector<16xi32> to vector<16xi32>
      %swap3A_96 = vector.shape_cast %shift_right_arithmetic3A_92 : vector<16xi32> to vector<16xi32>
      tpu.vector_store %arg8[%swap3A_93], %swap3A_96 {strides = array<i32>} : memref<128xi32, #tpu.memory_space<vmem>>, vector<16xi32>,
      %get3A_97 = arith.index_cast %while3A_46 : i32 to index
      %get3A_98 = arith.constant 48 : index
      %get3A_99 = tpu.vector_load %arg6[%get3A_97, %get3A_98] {strides = array<i32>} : memref<140x128xi32, #tpu.memory_space<vmem>>, vector<1x16xi32>,
      %get3A_100 = vector.shape_cast %get3A_99 : vector<1x16xi32> to vector<16xi32>
      %and3A_101 = arith.constant 16383 : i32
      %and3A_102 = vector.broadcast %and3A_101 : i32 to vector<16xi32>
      %and3A_103 = arith.andi %get3A_100, %and3A_102 : vector<16xi32>
      %swap3A_104 = arith.constant 48 : index
      %swap3A_105 = tpu.vector_load %arg7[%swap3A_104] {strides = array<i32>} : memref<128xi32, #tpu.memory_space<vmem>>, vector<16xi32>,
      %swap3A_106 = vector.shape_cast %swap3A_105 : vector<16xi32> to vector<16xi32>
      %swap3A_107 = vector.shape_cast %and3A_103 : vector<16xi32> to vector<16xi32>
      tpu.vector_store %arg7[%swap3A_104], %swap3A_107 {strides = array<i32>} : memref<128xi32, #tpu.memory_space<vmem>>, vector<16xi32>,
      %shift_right_arithmetic3A_108 = arith.constant 14 : i32
      %shift_right_arithmetic3A_109 = vector.broadcast %shift_right_arithmetic3A_108 : i32 to vector<16xi32>
      %shift_right_arithmetic3A_110 = arith.shrsi %get3A_100, %shift_right_arithmetic3A_109 : vector<16xi32>
      %swap3A_111 = arith.constant 48 : index
      %swap3A_112 = tpu.vector_load %arg8[%swap3A_111] {strides = array<i32>} : memref<128xi32, #tpu.memory_space<vmem>>, vector<16xi32>,
      %swap3A_113 = vector.shape_cast %swap3A_112 : vector<16xi32> to vector<16xi32>
      %swap3A_114 = vector.shape_cast %shift_right_arithmetic3A_110 : vector<16xi32> to vector<16xi32>
      tpu.vector_store %arg8[%swap3A_111], %swap3A_114 {strides = array<i32>} : memref<128xi32, #tpu.memory_space<vmem>>, vector<16xi32>,
      %get3A_115 = arith.index_cast %while3A_46 : i32 to index
      %get3A_116 = arith.constant 64 : index
      %get3A_117 = tpu.vector_load %arg6[%get3A_115, %get3A_116] {strides = array<i32>} : memref<140x128xi32, #tpu.memory_space<vmem>>, vector<1x16xi32>,
      %get3A_118 = vector.shape_cast %get3A_117 : vector<1x16xi32> to vector<16xi32>
      %and3A_119 = arith.constant 16383 : i32
      %and3A_120 = vector.broadcast %and3A_119 : i32 to vector<16xi32>
      %and3A_121 = arith.andi %get3A_118, %and3A_120 : vector<16xi32>
      %swap3A_122 = arith.constant 64 : index
      %swap3A_123 = tpu.vector_load %arg7[%swap3A_122] {strides = array<i32>} : memref<128xi32, #tpu.memory_space<vmem>>, vector<16xi32>,
      %swap3A_124 = vector.shape_cast %swap3A_123 : vector<16xi32> to vector<16xi32>
      %swap3A_125 = vector.shape_cast %and3A_121 : vector<16xi32> to vector<16xi32>
      tpu.vector_store %arg7[%swap3A_122], %swap3A_125 {strides = array<i32>} : memref<128xi32, #tpu.memory_space<vmem>>, vector<16xi32>,
      %shift_right_arithmetic3A_126 = arith.constant 14 : i32
      %shift_right_arithmetic3A_127 = vector.broadcast %shift_right_arithmetic3A_126 : i32 to vector<16xi32>
      %shift_right_arithmetic3A_128 = arith.shrsi %get3A_118, %shift_right_arithmetic3A_127 : vector<16xi32>
      %swap3A_129 = arith.constant 64 : index
      %swap3A_130 = tpu.vector_load %arg8[%swap3A_129] {strides = array<i32>} : memref<128xi32, #tpu.memory_space<vmem>>, vector<16xi32>,
      %swap3A_131 = vector.shape_cast %swap3A_130 : vector<16xi32> to vector<16xi32>
      %swap3A_132 = vector.shape_cast %shift_right_arithmetic3A_128 : vector<16xi32> to vector<16xi32>
      tpu.vector_store %arg8[%swap3A_129], %swap3A_132 {strides = array<i32>} : memref<128xi32, #tpu.memory_space<vmem>>, vector<16xi32>,
      %get3A_133 = arith.index_cast %while3A_46 : i32 to index
      %get3A_134 = arith.constant 80 : index
      %get3A_135 = tpu.vector_load %arg6[%get3A_133, %get3A_134] {strides = array<i32>} : memref<140x128xi32, #tpu.memory_space<vmem>>, vector<1x16xi32>,
      %get3A_136 = vector.shape_cast %get3A_135 : vector<1x16xi32> to vector<16xi32>
      %and3A_137 = arith.constant 16383 : i32
      %and3A_138 = vector.broadcast %and3A_137 : i32 to vector<16xi32>
      %and3A_139 = arith.andi %get3A_136, %and3A_138 : vector<16xi32>
      %swap3A_140 = arith.constant 80 : index
      %swap3A_141 = tpu.vector_load %arg7[%swap3A_140] {strides = array<i32>} : memref<128xi32, #tpu.memory_space<vmem>>, vector<16xi32>,
      %swap3A_142 = vector.shape_cast %swap3A_141 : vector<16xi32> to vector<16xi32>
      %swap3A_143 = vector.shape_cast %and3A_139 : vector<16xi32> to vector<16xi32>
      tpu.vector_store %arg7[%swap3A_140], %swap3A_143 {strides = array<i32>} : memref<128xi32, #tpu.memory_space<vmem>>, vector<16xi32>,
      %shift_right_arithmetic3A_144 = arith.constant 14 : i32
      %shift_right_arithmetic3A_145 = vector.broadcast %shift_right_arithmetic3A_144 : i32 to vector<16xi32>
      %shift_right_arithmetic3A_146 = arith.shrsi %get3A_136, %shift_right_arithmetic3A_145 : vector<16xi32>
      %swap3A_147 = arith.constant 80 : index
      %swap3A_148 = tpu.vector_load %arg8[%swap3A_147] {strides = array<i32>} : memref<128xi32, #tpu.memory_space<vmem>>, vector<16xi32>,
      %swap3A_149 = vector.shape_cast %swap3A_148 : vector<16xi32> to vector<16xi32>
      %swap3A_150 = vector.shape_cast %shift_right_arithmetic3A_146 : vector<16xi32> to vector<16xi32>
      tpu.vector_store %arg8[%swap3A_147], %swap3A_150 {strides = array<i32>} : memref<128xi32, #tpu.memory_space<vmem>>, vector<16xi32>,
      %get3A_151 = arith.index_cast %while3A_46 : i32 to index
      %get3A_152 = arith.constant 96 : index
      %get3A_153 = tpu.vector_load %arg6[%get3A_151, %get3A_152] {strides = array<i32>} : memref<140x128xi32, #tpu.memory_space<vmem>>, vector<1x16xi32>,
      %get3A_154 = vector.shape_cast %get3A_153 : vector<1x16xi32> to vector<16xi32>
      %and3A_155 = arith.constant 16383 : i32
      %and3A_156 = vector.broadcast %and3A_155 : i32 to vector<16xi32>
      %and3A_157 = arith.andi %get3A_154, %and3A_156 : vector<16xi32>
      %swap3A_158 = arith.constant 96 : index
      %swap3A_159 = tpu.vector_load %arg7[%swap3A_158] {strides = array<i32>} : memref<128xi32, #tpu.memory_space<vmem>>, vector<16xi32>,
      %swap3A_160 = vector.shape_cast %swap3A_159 : vector<16xi32> to vector<16xi32>
      %swap3A_161 = vector.shape_cast %and3A_157 : vector<16xi32> to vector<16xi32>
      tpu.vector_store %arg7[%swap3A_158], %swap3A_161 {strides = array<i32>} : memref<128xi32, #tpu.memory_space<vmem>>, vector<16xi32>,
      %shift_right_arithmetic3A_162 = arith.constant 14 : i32
      %shift_right_arithmetic3A_163 = vector.broadcast %shift_right_arithmetic3A_162 : i32 to vector<16xi32>
      %shift_right_arithmetic3A_164 = arith.shrsi %get3A_154, %shift_right_arithmetic3A_163 : vector<16xi32>
      %swap3A_165 = arith.constant 96 : index
      %swap3A_166 = tpu.vector_load %arg8[%swap3A_165] {strides = array<i32>} : memref<128xi32, #tpu.memory_space<vmem>>, vector<16xi32>,
      %swap3A_167 = vector.shape_cast %swap3A_166 : vector<16xi32> to vector<16xi32>
      %swap3A_168 = vector.shape_cast %shift_right_arithmetic3A_164 : vector<16xi32> to vector<16xi32>
      tpu.vector_store %arg8[%swap3A_165], %swap3A_168 {strides = array<i32>} : memref<128xi32, #tpu.memory_space<vmem>>, vector<16xi32>,
      %get3A_169 = arith.index_cast %while3A_46 : i32 to index
      %get3A_170 = arith.constant 112 : index
      %get3A_171 = tpu.vector_load %arg6[%get3A_169, %get3A_170] {strides = array<i32>} : memref<140x128xi32, #tpu.memory_space<vmem>>, vector<1x16xi32>,
      %get3A_172 = vector.shape_cast %get3A_171 : vector<1x16xi32> to vector<16xi32>
      %and3A_173 = arith.constant 16383 : i32
      %and3A_174 = vector.broadcast %and3A_173 : i32 to vector<16xi32>
      %and3A_175 = arith.andi %get3A_172, %and3A_174 : vector<16xi32>
      %swap3A_176 = arith.constant 112 : index
      %swap3A_177 = tpu.vector_load %arg7[%swap3A_176] {strides = array<i32>} : memref<128xi32, #tpu.memory_space<vmem>>, vector<16xi32>,
      %swap3A_178 = vector.shape_cast %swap3A_177 : vector<16xi32> to vector<16xi32>
      %swap3A_179 = vector.shape_cast %and3A_175 : vector<16xi32> to vector<16xi32>
      tpu.vector_store %arg7[%swap3A_176], %swap3A_179 {strides = array<i32>} : memref<128xi32, #tpu.memory_space<vmem>>, vector<16xi32>,
      %shift_right_arithmetic3A_180 = arith.constant 14 : i32
      %shift_right_arithmetic3A_181 = vector.broadcast %shift_right_arithmetic3A_180 : i32 to vector<16xi32>
      %shift_right_arithmetic3A_182 = arith.shrsi %get3A_172, %shift_right_arithmetic3A_181 : vector<16xi32>
      %swap3A_183 = arith.constant 112 : index
      %swap3A_184 = tpu.vector_load %arg8[%swap3A_183] {strides = array<i32>} : memref<128xi32, #tpu.memory_space<vmem>>, vector<16xi32>,
      %swap3A_185 = vector.shape_cast %swap3A_184 : vector<16xi32> to vector<16xi32>
      %swap3A_186 = vector.shape_cast %shift_right_arithmetic3A_182 : vector<16xi32> to vector<16xi32>
      tpu.vector_store %arg8[%swap3A_183], %swap3A_186 {strides = array<i32>} : memref<128xi32, #tpu.memory_space<vmem>>, vector<16xi32>,
      "tpu.region"() ({
        %run_scoped3A = tpu.sem_alloc : memref<!tpu.dma_semaphore, #tpu.memory_space<semaphore_mem>>
        %dma_start3A = arith.constant 0 : i32
        %dma_start3A_187 = arith.constant 0 : i32
        %dma_start3A_188 = tpu.memref_slice %arg3[%dma_start3A, %dma_start3A_187] : memref<10240x128xf32, #tpu.memory_space<hbm>> -> memref<10240x128xf32, #tpu.memory_space<hbm>>
        tpu.enqueue_indirect_dma source(%dma_start3A_188 : memref<10240x128xf32, #tpu.memory_space<hbm>>) target(%arg9 : memref<128x128xf32, #tpu.memory_space<vmem>>) offsets(%arg7 : memref<128xi32, #tpu.memory_space<vmem>>) semaphore(%run_scoped3A : memref<!tpu.dma_semaphore, #tpu.memory_space<semaphore_mem>>)
        %dma_wait3A = arith.constant 0 : i32
        %dma_wait3A_189 = arith.constant 0 : i32
        %dma_wait3A_190 = tpu.memref_slice %arg3[%dma_wait3A, %dma_wait3A_189] : memref<10240x128xf32, #tpu.memory_space<hbm>> -> memref<10240x128xf32, #tpu.memory_space<hbm>>
        tpu.wait_indirect_dma semaphore(%run_scoped3A : memref<!tpu.dma_semaphore, #tpu.memory_space<semaphore_mem>>) src(%dma_wait3A_190 : memref<10240x128xf32, #tpu.memory_space<hbm>>) dst(%arg9 : memref<128x128xf32, #tpu.memory_space<vmem>>)
        tpu.yield
      }) : () -> ()
      "tpu.region"() ({
        %run_scoped3A = tpu.sem_alloc : memref<!tpu.dma_semaphore, #tpu.memory_space<semaphore_mem>>
        %dma_start3A = arith.constant 0 : i32
        %dma_start3A_187 = arith.constant 0 : i32
        %dma_start3A_188 = tpu.memref_slice %arg10[%dma_start3A, %dma_start3A_187] : memref<10240x128xf32, #tpu.memory_space<vmem_shared>> -> memref<10240x128xf32, #tpu.memory_space<vmem_shared>>
        tpu.enqueue_indirect_dma source(%arg9 : memref<128x128xf32, #tpu.memory_space<vmem>>) target(%dma_start3A_188 : memref<10240x128xf32, #tpu.memory_space<vmem_shared>>) offsets(%arg8 : memref<128xi32, #tpu.memory_space<vmem>>) semaphore(%run_scoped3A : memref<!tpu.dma_semaphore, #tpu.memory_space<semaphore_mem>>) {add = true}
        %dma_wait3A = arith.constant 0 : i32
        %dma_wait3A_189 = arith.constant 0 : i32
        %dma_wait3A_190 = tpu.memref_slice %arg10[%dma_wait3A, %dma_wait3A_189] : memref<10240x128xf32, #tpu.memory_space<vmem_shared>> -> memref<10240x128xf32, #tpu.memory_space<vmem_shared>>
        tpu.wait_indirect_dma semaphore(%run_scoped3A : memref<!tpu.dma_semaphore, #tpu.memory_space<semaphore_mem>>) src(%arg9 : memref<128x128xf32, #tpu.memory_space<vmem>>) dst(%dma_wait3A_190 : memref<10240x128xf32, #tpu.memory_space<vmem_shared>>)
        tpu.yield
      }) : () -> ()
    }
    %barrier3A_37 = arith.constant 0 : index
    tpu.barrier barrier_id(%barrier3A_37)
    %eq3A_38 = arith.constant 0 : i32
    %eq3A_39 = arith.cmpi eq, %arg0, %eq3A_38 : i32
    %convert_element_type3A = arith.extui %eq3A_39 : i1 to i32
    %cond3A = arith.constant 0 : i32
    %cond3A_40 = arith.cmpi ne, %convert_element_type3A, %cond3A : i32
    scf.if %cond3A_40 {
      %mul3A_46 = arith.constant 640 : i32
      %mul3A_47 = arith.muli %arg1, %mul3A_46 : i32
      %mul3A_48 = arith.constant 640 : i32
      %mul3A_49 = arith.muli %arg1, %mul3A_48 : i32
      "tpu.region"() ({
        %run_scoped3A = tpu.sem_alloc : memref<!tpu.dma_semaphore, #tpu.memory_space<semaphore_mem>>
        %dma_start3A = arith.constant 0 : i32
        %dma_start3A_50 = tpu.memref_slice %arg4[%mul3A_49, %dma_start3A] : memref<10240x128xf32, #tpu.memory_space<hbm>> -> memref<640x128xf32, #tpu.memory_space<hbm>>
        %dma_start3A_51 = arith.constant 0 : i32
        %dma_start3A_52 = tpu.memref_slice %arg10[%mul3A_47, %dma_start3A_51] : memref<10240x128xf32, #tpu.memory_space<vmem_shared>> -> memref<640x128xf32, #tpu.memory_space<vmem_shared>>
        tpu.enqueue_dma source(%dma_start3A_52 : memref<640x128xf32, #tpu.memory_space<vmem_shared>>) target(%dma_start3A_50 : memref<640x128xf32, #tpu.memory_space<hbm>>) target_semaphore(%run_scoped3A : memref<!tpu.dma_semaphore, #tpu.memory_space<semaphore_mem>>)
        %dma_wait3A = arith.constant 0 : i32
        %dma_wait3A_53 = tpu.memref_slice %arg4[%mul3A_49, %dma_wait3A] : memref<10240x128xf32, #tpu.memory_space<hbm>> -> memref<640x128xf32, #tpu.memory_space<hbm>>
        %dma_wait3A_54 = arith.constant 0 : i32
        %dma_wait3A_55 = tpu.memref_slice %arg10[%mul3A_47, %dma_wait3A_54] : memref<10240x128xf32, #tpu.memory_space<vmem_shared>> -> memref<640x128xf32, #tpu.memory_space<vmem_shared>>
        tpu.wait_dma2 semaphore(%run_scoped3A : memref<!tpu.dma_semaphore, #tpu.memory_space<semaphore_mem>>) src(%dma_wait3A_55 : memref<640x128xf32, #tpu.memory_space<vmem_shared>>) dst(%dma_wait3A_53 : memref<640x128xf32, #tpu.memory_space<hbm>>)
        tpu.yield
      }) : () -> ()
    } else {
    }
    %eq3A_41 = arith.constant 1 : i32
    %eq3A_42 = arith.cmpi eq, %arg0, %eq3A_41 : i32
    %convert_element_type3A_43 = arith.extui %eq3A_42 : i1 to i32
    %cond3A_44 = arith.constant 0 : i32
    %cond3A_45 = arith.cmpi ne, %convert_element_type3A_43, %cond3A_44 : i32
    scf.if %cond3A_45 {
      %mul3A_46 = arith.constant 640 : i32
      %mul3A_47 = arith.muli %arg1, %mul3A_46 : i32
      %mul3A_48 = arith.constant 640 : i32
      %mul3A_49 = arith.muli %arg1, %mul3A_48 : i32
      "tpu.region"() ({
        %run_scoped3A = tpu.sem_alloc : memref<!tpu.dma_semaphore, #tpu.memory_space<semaphore_mem>>
        %dma_start3A = arith.constant 0 : i32
        %dma_start3A_50 = tpu.memref_slice %arg5[%mul3A_49, %dma_start3A] : memref<10240x128xf32, #tpu.memory_space<hbm>> -> memref<640x128xf32, #tpu.memory_space<hbm>>
        %dma_start3A_51 = arith.constant 0 : i32
        %dma_start3A_52 = tpu.memref_slice %arg10[%mul3A_47, %dma_start3A_51] : memref<10240x128xf32, #tpu.memory_space<vmem_shared>> -> memref<640x128xf32, #tpu.memory_space<vmem_shared>>
        tpu.enqueue_dma source(%dma_start3A_52 : memref<640x128xf32, #tpu.memory_space<vmem_shared>>) target(%dma_start3A_50 : memref<640x128xf32, #tpu.memory_space<hbm>>) target_semaphore(%run_scoped3A : memref<!tpu.dma_semaphore, #tpu.memory_space<semaphore_mem>>)
        %dma_wait3A = arith.constant 0 : i32
        %dma_wait3A_53 = tpu.memref_slice %arg5[%mul3A_49, %dma_wait3A] : memref<10240x128xf32, #tpu.memory_space<hbm>> -> memref<640x128xf32, #tpu.memory_space<hbm>>
        %dma_wait3A_54 = arith.constant 0 : i32
        %dma_wait3A_55 = tpu.memref_slice %arg10[%mul3A_47, %dma_wait3A_54] : memref<10240x128xf32, #tpu.memory_space<vmem_shared>> -> memref<640x128xf32, #tpu.memory_space<vmem_shared>>
        tpu.wait_dma2 semaphore(%run_scoped3A : memref<!tpu.dma_semaphore, #tpu.memory_space<semaphore_mem>>) src(%dma_wait3A_55 : memref<640x128xf32, #tpu.memory_space<vmem_shared>>) dst(%dma_wait3A_53 : memref<640x128xf32, #tpu.memory_space<hbm>>)
        tpu.yield
      }) : () -> ()
    } else {
    }
    return
  }
}

#map = affine_map<(d0, d1) -> (0, 0, 0)>
#map1 = affine_map<(d0, d1) -> (0, 0)>
module attributes {stable_mosaic.version = 14 : i64} {
  func.func @body(%arg0: i32, %arg1: i32, %arg2: memref<32x140x128xi32, #tpu.memory_space<hbm>>, %arg3: memref<10240x128xf32, #tpu.memory_space<hbm>>, %arg4: memref<10240x128xf32, #tpu.memory_space<hbm>>, %arg5: memref<10240x128xf32, #tpu.memory_space<hbm>>, %arg6: memref<140x128xi32, #tpu.memory_space<vmem>>, %arg7: memref<128xi32, #tpu.memory_space<vmem>>, %arg8: memref<128xi32, #tpu.memory_space<vmem>>, %arg9: memref<128x128xf32, #tpu.memory_space<vmem>>, %arg10: memref<10240x128xf32, #tpu.memory_space<vmem_shared>>) attributes {dimension_semantics = [#tpu.dimension_semantics<core_parallel>, #tpu.dimension_semantics<subcore_parallel>], iteration_bounds = array<i64: 2, 16>, scalar_prefetch = 0 : i64, scratch_operands = 5 : i64, tpu.core_type = #tpu.core_type<sc_vector_subcore>, window_params = [{transform_indices = #map}, {transform_indices = #map1}, {transform_indices = #map1}, {transform_indices = #map1}]} {
    %mul3A = arith.constant 16 : i32
    %mul3A_0 = arith.muli %arg0, %mul3A : i32
    %add3A = arith.addi %mul3A_0, %arg1 : i32
    %scan3A = arith.constant 0 : i32
    %scan3A_1 = arith.constant 0 : i32
    %scan3A_2 = arith.constant 128 : i32
    %scan3A_3 = arith.addi %scan3A_1, %scan3A_2 : i32
    %scan3A_4 = arith.constant 1 : i32
    scf.for %scan3A_46 = %scan3A_1 to %scan3A_3 step %scan3A_4  : i32 {
      %broadcast_in_dim3A = arith.constant 0.000000e+00 : f32
      %broadcast_in_dim3A_47 = vector.broadcast %broadcast_in_dim3A : f32 to vector<16xf32>
      %swap3A = arith.index_cast %scan3A_46 : i32 to index
      %swap3A_48 = arith.constant 0 : index
      %swap3A_49 = tpu.vector_load %arg9[%swap3A, %swap3A_48] {strides = array<i32>} : memref<128x128xf32, #tpu.memory_space<vmem>>, vector<1x16xf32>,
      %swap3A_50 = vector.shape_cast %swap3A_49 : vector<1x16xf32> to vector<16xf32>
      %swap3A_51 = vector.shape_cast %broadcast_in_dim3A_47 : vector<16xf32> to vector<1x16xf32>
      tpu.vector_store %arg9[%swap3A, %swap3A_48], %swap3A_51 {strides = array<i32>} : memref<128x128xf32, #tpu.memory_space<vmem>>, vector<1x16xf32>,
      %broadcast_in_dim3A_52 = arith.constant 0.000000e+00 : f32
      %broadcast_in_dim3A_53 = vector.broadcast %broadcast_in_dim3A_52 : f32 to vector<16xf32>
      %swap3A_54 = arith.index_cast %scan3A_46 : i32 to index
      %swap3A_55 = arith.constant 16 : index
      %swap3A_56 = tpu.vector_load %arg9[%swap3A_54, %swap3A_55] {strides = array<i32>} : memref<128x128xf32, #tpu.memory_space<vmem>>, vector<1x16xf32>,
      %swap3A_57 = vector.shape_cast %swap3A_56 : vector<1x16xf32> to vector<16xf32>
      %swap3A_58 = vector.shape_cast %broadcast_in_dim3A_53 : vector<16xf32> to vector<1x16xf32>
      tpu.vector_store %arg9[%swap3A_54, %swap3A_55], %swap3A_58 {strides = array<i32>} : memref<128x128xf32, #tpu.memory_space<vmem>>, vector<1x16xf32>,
      %broadcast_in_dim3A_59 = arith.constant 0.000000e+00 : f32
      %broadcast_in_dim3A_60 = vector.broadcast %broadcast_in_dim3A_59 : f32 to vector<16xf32>
      %swap3A_61 = arith.index_cast %scan3A_46 : i32 to index
      %swap3A_62 = arith.constant 32 : index
      %swap3A_63 = tpu.vector_load %arg9[%swap3A_61, %swap3A_62] {strides = array<i32>} : memref<128x128xf32, #tpu.memory_space<vmem>>, vector<1x16xf32>,
      %swap3A_64 = vector.shape_cast %swap3A_63 : vector<1x16xf32> to vector<16xf32>
      %swap3A_65 = vector.shape_cast %broadcast_in_dim3A_60 : vector<16xf32> to vector<1x16xf32>
      tpu.vector_store %arg9[%swap3A_61, %swap3A_62], %swap3A_65 {strides = array<i32>} : memref<128x128xf32, #tpu.memory_space<vmem>>, vector<1x16xf32>,
      %broadcast_in_dim3A_66 = arith.constant 0.000000e+00 : f32
      %broadcast_in_dim3A_67 = vector.broadcast %broadcast_in_dim3A_66 : f32 to vector<16xf32>
      %swap3A_68 = arith.index_cast %scan3A_46 : i32 to index
      %swap3A_69 = arith.constant 48 : index
      %swap3A_70 = tpu.vector_load %arg9[%swap3A_68, %swap3A_69] {strides = array<i32>} : memref<128x128xf32, #tpu.memory_space<vmem>>, vector<1x16xf32>,
      %swap3A_71 = vector.shape_cast %swap3A_70 : vector<1x16xf32> to vector<16xf32>
      %swap3A_72 = vector.shape_cast %broadcast_in_dim3A_67 : vector<16xf32> to vector<1x16xf32>
      tpu.vector_store %arg9[%swap3A_68, %swap3A_69], %swap3A_72 {strides = array<i32>} : memref<128x128xf32, #tpu.memory_space<vmem>>, vector<1x16xf32>,
      %broadcast_in_dim3A_73 = arith.constant 0.000000e+00 : f32
      %broadcast_in_dim3A_74 = vector.broadcast %broadcast_in_dim3A_73 : f32 to vector<16xf32>
      %swap3A_75 = arith.index_cast %scan3A_46 : i32 to index
      %swap3A_76 = arith.constant 64 : index
      %swap3A_77 = tpu.vector_load %arg9[%swap3A_75, %swap3A_76] {strides = array<i32>} : memref<128x128xf32, #tpu.memory_space<vmem>>, vector<1x16xf32>,
      %swap3A_78 = vector.shape_cast %swap3A_77 : vector<1x16xf32> to vector<16xf32>
      %swap3A_79 = vector.shape_cast %broadcast_in_dim3A_74 : vector<16xf32> to vector<1x16xf32>
      tpu.vector_store %arg9[%swap3A_75, %swap3A_76], %swap3A_79 {strides = array<i32>} : memref<128x128xf32, #tpu.memory_space<vmem>>, vector<1x16xf32>,
      %broadcast_in_dim3A_80 = arith.constant 0.000000e+00 : f32
      %broadcast_in_dim3A_81 = vector.broadcast %broadcast_in_dim3A_80 : f32 to vector<16xf32>
      %swap3A_82 = arith.index_cast %scan3A_46 : i32 to index
      %swap3A_83 = arith.constant 80 : index
      %swap3A_84 = tpu.vector_load %arg9[%swap3A_82, %swap3A_83] {strides = array<i32>} : memref<128x128xf32, #tpu.memory_space<vmem>>, vector<1x16xf32>,
      %swap3A_85 = vector.shape_cast %swap3A_84 : vector<1x16xf32> to vector<16xf32>
      %swap3A_86 = vector.shape_cast %broadcast_in_dim3A_81 : vector<16xf32> to vector<1x16xf32>
      tpu.vector_store %arg9[%swap3A_82, %swap3A_83], %swap3A_86 {strides = array<i32>} : memref<128x128xf32, #tpu.memory_space<vmem>>, vector<1x16xf32>,
      %broadcast_in_dim3A_87 = arith.constant 0.000000e+00 : f32
      %broadcast_in_dim3A_88 = vector.broadcast %broadcast_in_dim3A_87 : f32 to vector<16xf32>
      %swap3A_89 = arith.index_cast %scan3A_46 : i32 to index
      %swap3A_90 = arith.constant 96 : index
      %swap3A_91 = tpu.vector_load %arg9[%swap3A_89, %swap3A_90] {strides = array<i32>} : memref<128x128xf32, #tpu.memory_space<vmem>>, vector<1x16xf32>,
      %swap3A_92 = vector.shape_cast %swap3A_91 : vector<1x16xf32> to vector<16xf32>
      %swap3A_93 = vector.shape_cast %broadcast_in_dim3A_88 : vector<16xf32> to vector<1x16xf32>
      tpu.vector_store %arg9[%swap3A_89, %swap3A_90], %swap3A_93 {strides = array<i32>} : memref<128x128xf32, #tpu.memory_space<vmem>>, vector<1x16xf32>,
      %broadcast_in_dim3A_94 = arith.constant 0.000000e+00 : f32
      %broadcast_in_dim3A_95 = vector.broadcast %broadcast_in_dim3A_94 : f32 to vector<16xf32>
      %swap3A_96 = arith.index_cast %scan3A_46 : i32 to index
      %swap3A_97 = arith.constant 112 : index
      %swap3A_98 = tpu.vector_load %arg9[%swap3A_96, %swap3A_97] {strides = array<i32>} : memref<128x128xf32, #tpu.memory_space<vmem>>, vector<1x16xf32>,
      %swap3A_99 = vector.shape_cast %swap3A_98 : vector<1x16xf32> to vector<16xf32>
      %swap3A_100 = vector.shape_cast %broadcast_in_dim3A_95 : vector<16xf32> to vector<1x16xf32>
      tpu.vector_store %arg9[%swap3A_96, %swap3A_97], %swap3A_100 {strides = array<i32>} : memref<128x128xf32, #tpu.memory_space<vmem>>, vector<1x16xf32>,
    }
    %scan3A_5 = arith.constant 128 : i32
    %mul3A_6 = arith.constant 640 : i32
    %mul3A_7 = arith.muli %arg1, %mul3A_6 : i32
    %add3A_8 = arith.constant 0 : i32
    %add3A_9 = arith.addi %mul3A_7, %add3A_8 : i32
    "tpu.region"() ({
      %run_scoped3A = tpu.sem_alloc : memref<!tpu.dma_semaphore, #tpu.memory_space<semaphore_mem>>
      %dma_start3A = arith.constant 0 : i32
      %dma_start3A_46 = tpu.memref_slice %arg10[%add3A_9, %dma_start3A] : memref<10240x128xf32, #tpu.memory_space<vmem_shared>> -> memref<128x128xf32, #tpu.memory_space<vmem_shared>>
      %dma_start3A_47 = arith.constant 0 : i32
      %dma_start3A_48 = tpu.memref_slice %arg10[%add3A_9, %dma_start3A_47] : memref<10240x128xf32, #tpu.memory_space<vmem_shared>> -> memref<128x128xf32, #tpu.memory_space<vmem_shared>>
      tpu.enqueue_dma source(%arg9 : memref<128x128xf32, #tpu.memory_space<vmem>>) target(%dma_start3A_48 : memref<128x128xf32, #tpu.memory_space<vmem_shared>>) target_semaphore(%run_scoped3A : memref<!tpu.dma_semaphore, #tpu.memory_space<semaphore_mem>>)
      %dma_wait3A = arith.constant 0 : i32
      %dma_wait3A_49 = tpu.memref_slice %arg10[%add3A_9, %dma_wait3A] : memref<10240x128xf32, #tpu.memory_space<vmem_shared>> -> memref<128x128xf32, #tpu.memory_space<vmem_shared>>
      %dma_wait3A_50 = arith.constant 0 : i32
      %dma_wait3A_51 = tpu.memref_slice %arg10[%add3A_9, %dma_wait3A_50] : memref<10240x128xf32, #tpu.memory_space<vmem_shared>> -> memref<128x128xf32, #tpu.memory_space<vmem_shared>>
      tpu.wait_dma2 semaphore(%run_scoped3A : memref<!tpu.dma_semaphore, #tpu.memory_space<semaphore_mem>>) src(%arg9 : memref<128x128xf32, #tpu.memory_space<vmem>>) dst(%dma_wait3A_51 : memref<128x128xf32, #tpu.memory_space<vmem_shared>>)
      tpu.yield
    }) : () -> ()
    %mul3A_10 = arith.constant 640 : i32
    %mul3A_11 = arith.muli %arg1, %mul3A_10 : i32
    %add3A_12 = arith.constant 128 : i32
    %add3A_13 = arith.addi %mul3A_11, %add3A_12 : i32
    "tpu.region"() ({
      %run_scoped3A = tpu.sem_alloc : memref<!tpu.dma_semaphore, #tpu.memory_space<semaphore_mem>>
      %dma_start3A = arith.constant 0 : i32
      %dma_start3A_46 = tpu.memref_slice %arg10[%add3A_13, %dma_start3A] : memref<10240x128xf32, #tpu.memory_space<vmem_shared>> -> memref<128x128xf32, #tpu.memory_space<vmem_shared>>
      %dma_start3A_47 = arith.constant 0 : i32
      %dma_start3A_48 = tpu.memref_slice %arg10[%add3A_13, %dma_start3A_47] : memref<10240x128xf32, #tpu.memory_space<vmem_shared>> -> memref<128x128xf32, #tpu.memory_space<vmem_shared>>
      tpu.enqueue_dma source(%arg9 : memref<128x128xf32, #tpu.memory_space<vmem>>) target(%dma_start3A_48 : memref<128x128xf32, #tpu.memory_space<vmem_shared>>) target_semaphore(%run_scoped3A : memref<!tpu.dma_semaphore, #tpu.memory_space<semaphore_mem>>)
      %dma_wait3A = arith.constant 0 : i32
      %dma_wait3A_49 = tpu.memref_slice %arg10[%add3A_13, %dma_wait3A] : memref<10240x128xf32, #tpu.memory_space<vmem_shared>> -> memref<128x128xf32, #tpu.memory_space<vmem_shared>>
      %dma_wait3A_50 = arith.constant 0 : i32
      %dma_wait3A_51 = tpu.memref_slice %arg10[%add3A_13, %dma_wait3A_50] : memref<10240x128xf32, #tpu.memory_space<vmem_shared>> -> memref<128x128xf32, #tpu.memory_space<vmem_shared>>
      tpu.wait_dma2 semaphore(%run_scoped3A : memref<!tpu.dma_semaphore, #tpu.memory_space<semaphore_mem>>) src(%arg9 : memref<128x128xf32, #tpu.memory_space<vmem>>) dst(%dma_wait3A_51 : memref<128x128xf32, #tpu.memory_space<vmem_shared>>)
      tpu.yield
    }) : () -> ()
    %mul3A_14 = arith.constant 640 : i32
    %mul3A_15 = arith.muli %arg1, %mul3A_14 : i32
    %add3A_16 = arith.constant 256 : i32
    %add3A_17 = arith.addi %mul3A_15, %add3A_16 : i32
    "tpu.region"() ({
      %run_scoped3A = tpu.sem_alloc : memref<!tpu.dma_semaphore, #tpu.memory_space<semaphore_mem>>
      %dma_start3A = arith.constant 0 : i32
      %dma_start3A_46 = tpu.memref_slice %arg10[%add3A_17, %dma_start3A] : memref<10240x128xf32, #tpu.memory_space<vmem_shared>> -> memref<128x128xf32, #tpu.memory_space<vmem_shared>>
      %dma_start3A_47 = arith.constant 0 : i32
      %dma_start3A_48 = tpu.memref_slice %arg10[%add3A_17, %dma_start3A_47] : memref<10240x128xf32, #tpu.memory_space<vmem_shared>> -> memref<128x128xf32, #tpu.memory_space<vmem_shared>>
      tpu.enqueue_dma source(%arg9 : memref<128x128xf32, #tpu.memory_space<vmem>>) target(%dma_start3A_48 : memref<128x128xf32, #tpu.memory_space<vmem_shared>>) target_semaphore(%run_scoped3A : memref<!tpu.dma_semaphore, #tpu.memory_space<semaphore_mem>>)
      %dma_wait3A = arith.constant 0 : i32
      %dma_wait3A_49 = tpu.memref_slice %arg10[%add3A_17, %dma_wait3A] : memref<10240x128xf32, #tpu.memory_space<vmem_shared>> -> memref<128x128xf32, #tpu.memory_space<vmem_shared>>
      %dma_wait3A_50 = arith.constant 0 : i32
      %dma_wait3A_51 = tpu.memref_slice %arg10[%add3A_17, %dma_wait3A_50] : memref<10240x128xf32, #tpu.memory_space<vmem_shared>> -> memref<128x128xf32, #tpu.memory_space<vmem_shared>>
      tpu.wait_dma2 semaphore(%run_scoped3A : memref<!tpu.dma_semaphore, #tpu.memory_space<semaphore_mem>>) src(%arg9 : memref<128x128xf32, #tpu.memory_space<vmem>>) dst(%dma_wait3A_51 : memref<128x128xf32, #tpu.memory_space<vmem_shared>>)
      tpu.yield
    }) : () -> ()
    %mul3A_18 = arith.constant 640 : i32
    %mul3A_19 = arith.muli %arg1, %mul3A_18 : i32
    %add3A_20 = arith.constant 384 : i32
    %add3A_21 = arith.addi %mul3A_19, %add3A_20 : i32
    "tpu.region"() ({
      %run_scoped3A = tpu.sem_alloc : memref<!tpu.dma_semaphore, #tpu.memory_space<semaphore_mem>>
      %dma_start3A = arith.constant 0 : i32
      %dma_start3A_46 = tpu.memref_slice %arg10[%add3A_21, %dma_start3A] : memref<10240x128xf32, #tpu.memory_space<vmem_shared>> -> memref<128x128xf32, #tpu.memory_space<vmem_shared>>
      %dma_start3A_47 = arith.constant 0 : i32
      %dma_start3A_48 = tpu.memref_slice %arg10[%add3A_21, %dma_start3A_47] : memref<10240x128xf32, #tpu.memory_space<vmem_shared>> -> memref<128x128xf32, #tpu.memory_space<vmem_shared>>
      tpu.enqueue_dma source(%arg9 : memref<128x128xf32, #tpu.memory_space<vmem>>) target(%dma_start3A_48 : memref<128x128xf32, #tpu.memory_space<vmem_shared>>) target_semaphore(%run_scoped3A : memref<!tpu.dma_semaphore, #tpu.memory_space<semaphore_mem>>)
      %dma_wait3A = arith.constant 0 : i32
      %dma_wait3A_49 = tpu.memref_slice %arg10[%add3A_21, %dma_wait3A] : memref<10240x128xf32, #tpu.memory_space<vmem_shared>> -> memref<128x128xf32, #tpu.memory_space<vmem_shared>>
      %dma_wait3A_50 = arith.constant 0 : i32
      %dma_wait3A_51 = tpu.memref_slice %arg10[%add3A_21, %dma_wait3A_50] : memref<10240x128xf32, #tpu.memory_space<vmem_shared>> -> memref<128x128xf32, #tpu.memory_space<vmem_shared>>
      tpu.wait_dma2 semaphore(%run_scoped3A : memref<!tpu.dma_semaphore, #tpu.memory_space<semaphore_mem>>) src(%arg9 : memref<128x128xf32, #tpu.memory_space<vmem>>) dst(%dma_wait3A_51 : memref<128x128xf32, #tpu.memory_space<vmem_shared>>)
      tpu.yield
    }) : () -> ()
    %mul3A_22 = arith.constant 640 : i32
    %mul3A_23 = arith.muli %arg1, %mul3A_22 : i32
    %add3A_24 = arith.constant 512 : i32
    %add3A_25 = arith.addi %mul3A_23, %add3A_24 : i32
    "tpu.region"() ({
      %run_scoped3A = tpu.sem_alloc : memref<!tpu.dma_semaphore, #tpu.memory_space<semaphore_mem>>
      %dma_start3A = arith.constant 0 : i32
      %dma_start3A_46 = tpu.memref_slice %arg10[%add3A_25, %dma_start3A] : memref<10240x128xf32, #tpu.memory_space<vmem_shared>> -> memref<128x128xf32, #tpu.memory_space<vmem_shared>>
      %dma_start3A_47 = arith.constant 0 : i32
      %dma_start3A_48 = tpu.memref_slice %arg10[%add3A_25, %dma_start3A_47] : memref<10240x128xf32, #tpu.memory_space<vmem_shared>> -> memref<128x128xf32, #tpu.memory_space<vmem_shared>>
      tpu.enqueue_dma source(%arg9 : memref<128x128xf32, #tpu.memory_space<vmem>>) target(%dma_start3A_48 : memref<128x128xf32, #tpu.memory_space<vmem_shared>>) target_semaphore(%run_scoped3A : memref<!tpu.dma_semaphore, #tpu.memory_space<semaphore_mem>>)
      %dma_wait3A = arith.constant 0 : i32
      %dma_wait3A_49 = tpu.memref_slice %arg10[%add3A_25, %dma_wait3A] : memref<10240x128xf32, #tpu.memory_space<vmem_shared>> -> memref<128x128xf32, #tpu.memory_space<vmem_shared>>
      %dma_wait3A_50 = arith.constant 0 : i32
      %dma_wait3A_51 = tpu.memref_slice %arg10[%add3A_25, %dma_wait3A_50] : memref<10240x128xf32, #tpu.memory_space<vmem_shared>> -> memref<128x128xf32, #tpu.memory_space<vmem_shared>>
      tpu.wait_dma2 semaphore(%run_scoped3A : memref<!tpu.dma_semaphore, #tpu.memory_space<semaphore_mem>>) src(%arg9 : memref<128x128xf32, #tpu.memory_space<vmem>>) dst(%dma_wait3A_51 : memref<128x128xf32, #tpu.memory_space<vmem_shared>>)
      tpu.yield
    }) : () -> ()
    "tpu.region"() ({
      %run_scoped3A = tpu.sem_alloc : memref<!tpu.dma_semaphore, #tpu.memory_space<semaphore_mem>>
      %dma_start3A = arith.constant 0 : i32
      %dma_start3A_46 = arith.constant 0 : i32
      %dma_start3A_47 = tpu.memref_slice %arg2[%add3A, %dma_start3A, %dma_start3A_46] : memref<32x140x128xi32, #tpu.memory_space<hbm>> -> memref<1x140x128xi32, #tpu.memory_space<hbm>>
      %dma_start3A_48 = tpu.memref_squeeze %dma_start3A_47 : memref<1x140x128xi32, #tpu.memory_space<hbm>> -> memref<140x128xi32, #tpu.memory_space<hbm>>
      %dma_start3A_49 = arith.constant 0 : i32
      %dma_start3A_50 = arith.constant 0 : i32
      %dma_start3A_51 = tpu.memref_slice %arg2[%add3A, %dma_start3A_49, %dma_start3A_50] : memref<32x140x128xi32, #tpu.memory_space<hbm>> -> memref<1x140x128xi32, #tpu.memory_space<hbm>>
      %dma_start3A_52 = tpu.memref_squeeze %dma_start3A_51 : memref<1x140x128xi32, #tpu.memory_space<hbm>> -> memref<140x128xi32, #tpu.memory_space<hbm>>
      tpu.enqueue_dma source(%dma_start3A_52 : memref<140x128xi32, #tpu.memory_space<hbm>>) target(%arg6 : memref<140x128xi32, #tpu.memory_space<vmem>>) target_semaphore(%run_scoped3A : memref<!tpu.dma_semaphore, #tpu.memory_space<semaphore_mem>>)
      %dma_wait3A = arith.constant 0 : i32
      %dma_wait3A_53 = arith.constant 0 : i32
      %dma_wait3A_54 = tpu.memref_slice %arg2[%add3A, %dma_wait3A, %dma_wait3A_53] : memref<32x140x128xi32, #tpu.memory_space<hbm>> -> memref<1x140x128xi32, #tpu.memory_space<hbm>>
      %dma_wait3A_55 = tpu.memref_squeeze %dma_wait3A_54 : memref<1x140x128xi32, #tpu.memory_space<hbm>> -> memref<140x128xi32, #tpu.memory_space<hbm>>
      %dma_wait3A_56 = arith.constant 0 : i32
      %dma_wait3A_57 = arith.constant 0 : i32
      %dma_wait3A_58 = tpu.memref_slice %arg2[%add3A, %dma_wait3A_56, %dma_wait3A_57] : memref<32x140x128xi32, #tpu.memory_space<hbm>> -> memref<1x140x128xi32, #tpu.memory_space<hbm>>
      %dma_wait3A_59 = tpu.memref_squeeze %dma_wait3A_58 : memref<1x140x128xi32, #tpu.memory_space<hbm>> -> memref<140x128xi32, #tpu.memory_space<hbm>>
      tpu.wait_dma2 semaphore(%run_scoped3A : memref<!tpu.dma_semaphore, #tpu.memory_space<semaphore_mem>>) src(%dma_wait3A_59 : memref<140x128xi32, #tpu.memory_space<hbm>>) dst(%arg6 : memref<140x128xi32, #tpu.memory_space<vmem>>)
      tpu.yield
    }) : () -> ()
    %barrier3A = arith.constant 0 : index
    tpu.barrier barrier_id(%barrier3A)
    %eq3A = arith.constant 0 : i32
    %eq3A_26 = arith.cmpi eq, %arg0, %eq3A : i32
    %jit3A = arith.constant 140 : i32
    %jit3A_27 = arith.constant 20 : i32
    %select_n3A = arith.select %eq3A_26, %jit3A, %jit3A_27 : i32
    %while3A = arith.constant 0 : i32
    %while3A_28 = arith.constant 0 : i32
    %while3A_29 = arith.subi %select_n3A, %while3A_28 : i32
    %while3A_30 = arith.addi %while3A_28, %while3A_29 : i32
    %while3A_31 = arith.constant 1 : i32
    %while3A_32 = arith.divsi %while3A_29, %while3A_31 : i32
    %while3A_33 = arith.muli %while3A_32, %while3A_31 : i32
    %while3A_34 = arith.addi %while3A_28, %while3A_33 : i32
    %while3A_35 = arith.constant 1 : i32
    scf.for %while3A_46 = %while3A_28 to %while3A_34 step %while3A_35  : i32 {
      %get3A = arith.index_cast %while3A_46 : i32 to index
      %get3A_47 = arith.constant 0 : index
      %get3A_48 = tpu.vector_load %arg6[%get3A, %get3A_47] {strides = array<i32>} : memref<140x128xi32, #tpu.memory_space<vmem>>, vector<1x16xi32>,
      %get3A_49 = vector.shape_cast %get3A_48 : vector<1x16xi32> to vector<16xi32>
      %and3A = arith.constant 16383 : i32
      %and3A_50 = vector.broadcast %and3A : i32 to vector<16xi32>
      %and3A_51 = arith.andi %get3A_49, %and3A_50 : vector<16xi32>
      %swap3A = arith.constant 0 : index
      %swap3A_52 = tpu.vector_load %arg7[%swap3A] {strides = array<i32>} : memref<128xi32, #tpu.memory_space<vmem>>, vector<16xi32>,
      %swap3A_53 = vector.shape_cast %swap3A_52 : vector<16xi32> to vector<16xi32>
      %swap3A_54 = vector.shape_cast %and3A_51 : vector<16xi32> to vector<16xi32>
      tpu.vector_store %arg7[%swap3A], %swap3A_54 {strides = array<i32>} : memref<128xi32, #tpu.memory_space<vmem>>, vector<16xi32>,
      %shift_right_arithmetic3A = arith.constant 14 : i32
      %shift_right_arithmetic3A_55 = vector.broadcast %shift_right_arithmetic3A : i32 to vector<16xi32>
      %shift_right_arithmetic3A_56 = arith.shrsi %get3A_49, %shift_right_arithmetic3A_55 : vector<16xi32>
      %swap3A_57 = arith.constant 0 : index
      %swap3A_58 = tpu.vector_load %arg8[%swap3A_57] {strides = array<i32>} : memref<128xi32, #tpu.memory_space<vmem>>, vector<16xi32>,
      %swap3A_59 = vector.shape_cast %swap3A_58 : vector<16xi32> to vector<16xi32>
      %swap3A_60 = vector.shape_cast %shift_right_arithmetic3A_56 : vector<16xi32> to vector<16xi32>
      tpu.vector_store %arg8[%swap3A_57], %swap3A_60 {strides = array<i32>} : memref<128xi32, #tpu.memory_space<vmem>>, vector<16xi32>,
      %get3A_61 = arith.index_cast %while3A_46 : i32 to index
      %get3A_62 = arith.constant 16 : index
      %get3A_63 = tpu.vector_load %arg6[%get3A_61, %get3A_62] {strides = array<i32>} : memref<140x128xi32, #tpu.memory_space<vmem>>, vector<1x16xi32>,
      %get3A_64 = vector.shape_cast %get3A_63 : vector<1x16xi32> to vector<16xi32>
      %and3A_65 = arith.constant 16383 : i32
      %and3A_66 = vector.broadcast %and3A_65 : i32 to vector<16xi32>
      %and3A_67 = arith.andi %get3A_64, %and3A_66 : vector<16xi32>
      %swap3A_68 = arith.constant 16 : index
      %swap3A_69 = tpu.vector_load %arg7[%swap3A_68] {strides = array<i32>} : memref<128xi32, #tpu.memory_space<vmem>>, vector<16xi32>,
      %swap3A_70 = vector.shape_cast %swap3A_69 : vector<16xi32> to vector<16xi32>
      %swap3A_71 = vector.shape_cast %and3A_67 : vector<16xi32> to vector<16xi32>
      tpu.vector_store %arg7[%swap3A_68], %swap3A_71 {strides = array<i32>} : memref<128xi32, #tpu.memory_space<vmem>>, vector<16xi32>,
      %shift_right_arithmetic3A_72 = arith.constant 14 : i32
      %shift_right_arithmetic3A_73 = vector.broadcast %shift_right_arithmetic3A_72 : i32 to vector<16xi32>
      %shift_right_arithmetic3A_74 = arith.shrsi %get3A_64, %shift_right_arithmetic3A_73 : vector<16xi32>
      %swap3A_75 = arith.constant 16 : index
      %swap3A_76 = tpu.vector_load %arg8[%swap3A_75] {strides = array<i32>} : memref<128xi32, #tpu.memory_space<vmem>>, vector<16xi32>,
      %swap3A_77 = vector.shape_cast %swap3A_76 : vector<16xi32> to vector<16xi32>
      %swap3A_78 = vector.shape_cast %shift_right_arithmetic3A_74 : vector<16xi32> to vector<16xi32>
      tpu.vector_store %arg8[%swap3A_75], %swap3A_78 {strides = array<i32>} : memref<128xi32, #tpu.memory_space<vmem>>, vector<16xi32>,
      %get3A_79 = arith.index_cast %while3A_46 : i32 to index
      %get3A_80 = arith.constant 32 : index
      %get3A_81 = tpu.vector_load %arg6[%get3A_79, %get3A_80] {strides = array<i32>} : memref<140x128xi32, #tpu.memory_space<vmem>>, vector<1x16xi32>,
      %get3A_82 = vector.shape_cast %get3A_81 : vector<1x16xi32> to vector<16xi32>
      %and3A_83 = arith.constant 16383 : i32
      %and3A_84 = vector.broadcast %and3A_83 : i32 to vector<16xi32>
      %and3A_85 = arith.andi %get3A_82, %and3A_84 : vector<16xi32>
      %swap3A_86 = arith.constant 32 : index
      %swap3A_87 = tpu.vector_load %arg7[%swap3A_86] {strides = array<i32>} : memref<128xi32, #tpu.memory_space<vmem>>, vector<16xi32>,
      %swap3A_88 = vector.shape_cast %swap3A_87 : vector<16xi32> to vector<16xi32>
      %swap3A_89 = vector.shape_cast %and3A_85 : vector<16xi32> to vector<16xi32>
      tpu.vector_store %arg7[%swap3A_86], %swap3A_89 {strides = array<i32>} : memref<128xi32, #tpu.memory_space<vmem>>, vector<16xi32>,
      %shift_right_arithmetic3A_90 = arith.constant 14 : i32
      %shift_right_arithmetic3A_91 = vector.broadcast %shift_right_arithmetic3A_90 : i32 to vector<16xi32>
      %shift_right_arithmetic3A_92 = arith.shrsi %get3A_82, %shift_right_arithmetic3A_91 : vector<16xi32>
      %swap3A_93 = arith.constant 32 : index
      %swap3A_94 = tpu.vector_load %arg8[%swap3A_93] {strides = array<i32>} : memref<128xi32, #tpu.memory_space<vmem>>, vector<16xi32>,
      %swap3A_95 = vector.shape_cast %swap3A_94 : vector<16xi32> to vector<16xi32>
      %swap3A_96 = vector.shape_cast %shift_right_arithmetic3A_92 : vector<16xi32> to vector<16xi32>
      tpu.vector_store %arg8[%swap3A_93], %swap3A_96 {strides = array<i32>} : memref<128xi32, #tpu.memory_space<vmem>>, vector<16xi32>,
      %get3A_97 = arith.index_cast %while3A_46 : i32 to index
      %get3A_98 = arith.constant 48 : index
      %get3A_99 = tpu.vector_load %arg6[%get3A_97, %get3A_98] {strides = array<i32>} : memref<140x128xi32, #tpu.memory_space<vmem>>, vector<1x16xi32>,
      %get3A_100 = vector.shape_cast %get3A_99 : vector<1x16xi32> to vector<16xi32>
      %and3A_101 = arith.constant 16383 : i32
      %and3A_102 = vector.broadcast %and3A_101 : i32 to vector<16xi32>
      %and3A_103 = arith.andi %get3A_100, %and3A_102 : vector<16xi32>
      %swap3A_104 = arith.constant 48 : index
      %swap3A_105 = tpu.vector_load %arg7[%swap3A_104] {strides = array<i32>} : memref<128xi32, #tpu.memory_space<vmem>>, vector<16xi32>,
      %swap3A_106 = vector.shape_cast %swap3A_105 : vector<16xi32> to vector<16xi32>
      %swap3A_107 = vector.shape_cast %and3A_103 : vector<16xi32> to vector<16xi32>
      tpu.vector_store %arg7[%swap3A_104], %swap3A_107 {strides = array<i32>} : memref<128xi32, #tpu.memory_space<vmem>>, vector<16xi32>,
      %shift_right_arithmetic3A_108 = arith.constant 14 : i32
      %shift_right_arithmetic3A_109 = vector.broadcast %shift_right_arithmetic3A_108 : i32 to vector<16xi32>
      %shift_right_arithmetic3A_110 = arith.shrsi %get3A_100, %shift_right_arithmetic3A_109 : vector<16xi32>
      %swap3A_111 = arith.constant 48 : index
      %swap3A_112 = tpu.vector_load %arg8[%swap3A_111] {strides = array<i32>} : memref<128xi32, #tpu.memory_space<vmem>>, vector<16xi32>,
      %swap3A_113 = vector.shape_cast %swap3A_112 : vector<16xi32> to vector<16xi32>
      %swap3A_114 = vector.shape_cast %shift_right_arithmetic3A_110 : vector<16xi32> to vector<16xi32>
      tpu.vector_store %arg8[%swap3A_111], %swap3A_114 {strides = array<i32>} : memref<128xi32, #tpu.memory_space<vmem>>, vector<16xi32>,
      %get3A_115 = arith.index_cast %while3A_46 : i32 to index
      %get3A_116 = arith.constant 64 : index
      %get3A_117 = tpu.vector_load %arg6[%get3A_115, %get3A_116] {strides = array<i32>} : memref<140x128xi32, #tpu.memory_space<vmem>>, vector<1x16xi32>,
      %get3A_118 = vector.shape_cast %get3A_117 : vector<1x16xi32> to vector<16xi32>
      %and3A_119 = arith.constant 16383 : i32
      %and3A_120 = vector.broadcast %and3A_119 : i32 to vector<16xi32>
      %and3A_121 = arith.andi %get3A_118, %and3A_120 : vector<16xi32>
      %swap3A_122 = arith.constant 64 : index
      %swap3A_123 = tpu.vector_load %arg7[%swap3A_122] {strides = array<i32>} : memref<128xi32, #tpu.memory_space<vmem>>, vector<16xi32>,
      %swap3A_124 = vector.shape_cast %swap3A_123 : vector<16xi32> to vector<16xi32>
      %swap3A_125 = vector.shape_cast %and3A_121 : vector<16xi32> to vector<16xi32>
      tpu.vector_store %arg7[%swap3A_122], %swap3A_125 {strides = array<i32>} : memref<128xi32, #tpu.memory_space<vmem>>, vector<16xi32>,
      %shift_right_arithmetic3A_126 = arith.constant 14 : i32
      %shift_right_arithmetic3A_127 = vector.broadcast %shift_right_arithmetic3A_126 : i32 to vector<16xi32>
      %shift_right_arithmetic3A_128 = arith.shrsi %get3A_118, %shift_right_arithmetic3A_127 : vector<16xi32>
      %swap3A_129 = arith.constant 64 : index
      %swap3A_130 = tpu.vector_load %arg8[%swap3A_129] {strides = array<i32>} : memref<128xi32, #tpu.memory_space<vmem>>, vector<16xi32>,
      %swap3A_131 = vector.shape_cast %swap3A_130 : vector<16xi32> to vector<16xi32>
      %swap3A_132 = vector.shape_cast %shift_right_arithmetic3A_128 : vector<16xi32> to vector<16xi32>
      tpu.vector_store %arg8[%swap3A_129], %swap3A_132 {strides = array<i32>} : memref<128xi32, #tpu.memory_space<vmem>>, vector<16xi32>,
      %get3A_133 = arith.index_cast %while3A_46 : i32 to index
      %get3A_134 = arith.constant 80 : index
      %get3A_135 = tpu.vector_load %arg6[%get3A_133, %get3A_134] {strides = array<i32>} : memref<140x128xi32, #tpu.memory_space<vmem>>, vector<1x16xi32>,
      %get3A_136 = vector.shape_cast %get3A_135 : vector<1x16xi32> to vector<16xi32>
      %and3A_137 = arith.constant 16383 : i32
      %and3A_138 = vector.broadcast %and3A_137 : i32 to vector<16xi32>
      %and3A_139 = arith.andi %get3A_136, %and3A_138 : vector<16xi32>
      %swap3A_140 = arith.constant 80 : index
      %swap3A_141 = tpu.vector_load %arg7[%swap3A_140] {strides = array<i32>} : memref<128xi32, #tpu.memory_space<vmem>>, vector<16xi32>,
      %swap3A_142 = vector.shape_cast %swap3A_141 : vector<16xi32> to vector<16xi32>
      %swap3A_143 = vector.shape_cast %and3A_139 : vector<16xi32> to vector<16xi32>
      tpu.vector_store %arg7[%swap3A_140], %swap3A_143 {strides = array<i32>} : memref<128xi32, #tpu.memory_space<vmem>>, vector<16xi32>,
      %shift_right_arithmetic3A_144 = arith.constant 14 : i32
      %shift_right_arithmetic3A_145 = vector.broadcast %shift_right_arithmetic3A_144 : i32 to vector<16xi32>
      %shift_right_arithmetic3A_146 = arith.shrsi %get3A_136, %shift_right_arithmetic3A_145 : vector<16xi32>
      %swap3A_147 = arith.constant 80 : index
      %swap3A_148 = tpu.vector_load %arg8[%swap3A_147] {strides = array<i32>} : memref<128xi32, #tpu.memory_space<vmem>>, vector<16xi32>,
      %swap3A_149 = vector.shape_cast %swap3A_148 : vector<16xi32> to vector<16xi32>
      %swap3A_150 = vector.shape_cast %shift_right_arithmetic3A_146 : vector<16xi32> to vector<16xi32>
      tpu.vector_store %arg8[%swap3A_147], %swap3A_150 {strides = array<i32>} : memref<128xi32, #tpu.memory_space<vmem>>, vector<16xi32>,
      %get3A_151 = arith.index_cast %while3A_46 : i32 to index
      %get3A_152 = arith.constant 96 : index
      %get3A_153 = tpu.vector_load %arg6[%get3A_151, %get3A_152] {strides = array<i32>} : memref<140x128xi32, #tpu.memory_space<vmem>>, vector<1x16xi32>,
      %get3A_154 = vector.shape_cast %get3A_153 : vector<1x16xi32> to vector<16xi32>
      %and3A_155 = arith.constant 16383 : i32
      %and3A_156 = vector.broadcast %and3A_155 : i32 to vector<16xi32>
      %and3A_157 = arith.andi %get3A_154, %and3A_156 : vector<16xi32>
      %swap3A_158 = arith.constant 96 : index
      %swap3A_159 = tpu.vector_load %arg7[%swap3A_158] {strides = array<i32>} : memref<128xi32, #tpu.memory_space<vmem>>, vector<16xi32>,
      %swap3A_160 = vector.shape_cast %swap3A_159 : vector<16xi32> to vector<16xi32>
      %swap3A_161 = vector.shape_cast %and3A_157 : vector<16xi32> to vector<16xi32>
      tpu.vector_store %arg7[%swap3A_158], %swap3A_161 {strides = array<i32>} : memref<128xi32, #tpu.memory_space<vmem>>, vector<16xi32>,
      %shift_right_arithmetic3A_162 = arith.constant 14 : i32
      %shift_right_arithmetic3A_163 = vector.broadcast %shift_right_arithmetic3A_162 : i32 to vector<16xi32>
      %shift_right_arithmetic3A_164 = arith.shrsi %get3A_154, %shift_right_arithmetic3A_163 : vector<16xi32>
      %swap3A_165 = arith.constant 96 : index
      %swap3A_166 = tpu.vector_load %arg8[%swap3A_165] {strides = array<i32>} : memref<128xi32, #tpu.memory_space<vmem>>, vector<16xi32>,
      %swap3A_167 = vector.shape_cast %swap3A_166 : vector<16xi32> to vector<16xi32>
      %swap3A_168 = vector.shape_cast %shift_right_arithmetic3A_164 : vector<16xi32> to vector<16xi32>
      tpu.vector_store %arg8[%swap3A_165], %swap3A_168 {strides = array<i32>} : memref<128xi32, #tpu.memory_space<vmem>>, vector<16xi32>,
      %get3A_169 = arith.index_cast %while3A_46 : i32 to index
      %get3A_170 = arith.constant 112 : index
      %get3A_171 = tpu.vector_load %arg6[%get3A_169, %get3A_170] {strides = array<i32>} : memref<140x128xi32, #tpu.memory_space<vmem>>, vector<1x16xi32>,
      %get3A_172 = vector.shape_cast %get3A_171 : vector<1x16xi32> to vector<16xi32>
      %and3A_173 = arith.constant 16383 : i32
      %and3A_174 = vector.broadcast %and3A_173 : i32 to vector<16xi32>
      %and3A_175 = arith.andi %get3A_172, %and3A_174 : vector<16xi32>
      %swap3A_176 = arith.constant 112 : index
      %swap3A_177 = tpu.vector_load %arg7[%swap3A_176] {strides = array<i32>} : memref<128xi32, #tpu.memory_space<vmem>>, vector<16xi32>,
      %swap3A_178 = vector.shape_cast %swap3A_177 : vector<16xi32> to vector<16xi32>
      %swap3A_179 = vector.shape_cast %and3A_175 : vector<16xi32> to vector<16xi32>
      tpu.vector_store %arg7[%swap3A_176], %swap3A_179 {strides = array<i32>} : memref<128xi32, #tpu.memory_space<vmem>>, vector<16xi32>,
      %shift_right_arithmetic3A_180 = arith.constant 14 : i32
      %shift_right_arithmetic3A_181 = vector.broadcast %shift_right_arithmetic3A_180 : i32 to vector<16xi32>
      %shift_right_arithmetic3A_182 = arith.shrsi %get3A_172, %shift_right_arithmetic3A_181 : vector<16xi32>
      %swap3A_183 = arith.constant 112 : index
      %swap3A_184 = tpu.vector_load %arg8[%swap3A_183] {strides = array<i32>} : memref<128xi32, #tpu.memory_space<vmem>>, vector<16xi32>,
      %swap3A_185 = vector.shape_cast %swap3A_184 : vector<16xi32> to vector<16xi32>
      %swap3A_186 = vector.shape_cast %shift_right_arithmetic3A_182 : vector<16xi32> to vector<16xi32>
      tpu.vector_store %arg8[%swap3A_183], %swap3A_186 {strides = array<i32>} : memref<128xi32, #tpu.memory_space<vmem>>, vector<16xi32>,
      "tpu.region"() ({
        %run_scoped3A = tpu.sem_alloc : memref<!tpu.dma_semaphore, #tpu.memory_space<semaphore_mem>>
        %dma_start3A = arith.constant 0 : i32
        %dma_start3A_187 = arith.constant 0 : i32
        %dma_start3A_188 = tpu.memref_slice %arg3[%dma_start3A, %dma_start3A_187] : memref<10240x128xf32, #tpu.memory_space<hbm>> -> memref<10240x128xf32, #tpu.memory_space<hbm>>
        tpu.enqueue_indirect_dma source(%dma_start3A_188 : memref<10240x128xf32, #tpu.memory_space<hbm>>) target(%arg9 : memref<128x128xf32, #tpu.memory_space<vmem>>) offsets(%arg7 : memref<128xi32, #tpu.memory_space<vmem>>) semaphore(%run_scoped3A : memref<!tpu.dma_semaphore, #tpu.memory_space<semaphore_mem>>)
        %dma_wait3A = arith.constant 0 : i32
        %dma_wait3A_189 = arith.constant 0 : i32
        %dma_wait3A_190 = tpu.memref_slice %arg3[%dma_wait3A, %dma_wait3A_189] : memref<10240x128xf32, #tpu.memory_space<hbm>> -> memref<10240x128xf32, #tpu.memory_space<hbm>>
        tpu.wait_indirect_dma semaphore(%run_scoped3A : memref<!tpu.dma_semaphore, #tpu.memory_space<semaphore_mem>>) src(%dma_wait3A_190 : memref<10240x128xf32, #tpu.memory_space<hbm>>) dst(%arg9 : memref<128x128xf32, #tpu.memory_space<vmem>>)
        tpu.yield
      }) : () -> ()
      "tpu.region"() ({
        %run_scoped3A = tpu.sem_alloc : memref<!tpu.dma_semaphore, #tpu.memory_space<semaphore_mem>>
        %dma_start3A = arith.constant 0 : i32
        %dma_start3A_187 = arith.constant 0 : i32
        %dma_start3A_188 = tpu.memref_slice %arg10[%dma_start3A, %dma_start3A_187] : memref<10240x128xf32, #tpu.memory_space<vmem_shared>> -> memref<10240x128xf32, #tpu.memory_space<vmem_shared>>
        tpu.enqueue_indirect_dma source(%arg9 : memref<128x128xf32, #tpu.memory_space<vmem>>) target(%dma_start3A_188 : memref<10240x128xf32, #tpu.memory_space<vmem_shared>>) offsets(%arg8 : memref<128xi32, #tpu.memory_space<vmem>>) semaphore(%run_scoped3A : memref<!tpu.dma_semaphore, #tpu.memory_space<semaphore_mem>>) {add = true}
        %dma_wait3A = arith.constant 0 : i32
        %dma_wait3A_189 = arith.constant 0 : i32
        %dma_wait3A_190 = tpu.memref_slice %arg10[%dma_wait3A, %dma_wait3A_189] : memref<10240x128xf32, #tpu.memory_space<vmem_shared>> -> memref<10240x128xf32, #tpu.memory_space<vmem_shared>>
        tpu.wait_indirect_dma semaphore(%run_scoped3A : memref<!tpu.dma_semaphore, #tpu.memory_space<semaphore_mem>>) src(%arg9 : memref<128x128xf32, #tpu.memory_space<vmem>>) dst(%dma_wait3A_190 : memref<10240x128xf32, #tpu.memory_space<vmem_shared>>)
        tpu.yield
      }) : () -> ()
    }
    %while3A_36 = arith.constant 1 : i32
    scf.for %while3A_46 = %while3A_34 to %while3A_30 step %while3A_36  : i32 {
      %get3A = arith.index_cast %while3A_46 : i32 to index
      %get3A_47 = arith.constant 0 : index
      %get3A_48 = tpu.vector_load %arg6[%get3A, %get3A_47] {strides = array<i32>} : memref<140x128xi32, #tpu.memory_space<vmem>>, vector<1x16xi32>,
      %get3A_49 = vector.shape_cast %get3A_48 : vector<1x16xi32> to vector<16xi32>
      %and3A = arith.constant 16383 : i32
      %and3A_50 = vector.broadcast %and3A : i32 to vector<16xi32>
      %and3A_51 = arith.andi %get3A_49, %and3A_50 : vector<16xi32>
      %swap3A = arith.constant 0 : index
      %swap3A_52 = tpu.vector_load %arg7[%swap3A] {strides = array<i32>} : memref<128xi32, #tpu.memory_space<vmem>>, vector<16xi32>,
      %swap3A_53 = vector.shape_cast %swap3A_52 : vector<16xi32> to vector<16xi32>
      %swap3A_54 = vector.shape_cast %and3A_51 : vector<16xi32> to vector<16xi32>
      tpu.vector_store %arg7[%swap3A], %swap3A_54 {strides = array<i32>} : memref<128xi32, #tpu.memory_space<vmem>>, vector<16xi32>,
      %shift_right_arithmetic3A = arith.constant 14 : i32
      %shift_right_arithmetic3A_55 = vector.broadcast %shift_right_arithmetic3A : i32 to vector<16xi32>
      %shift_right_arithmetic3A_56 = arith.shrsi %get3A_49, %shift_right_arithmetic3A_55 : vector<16xi32>
      %swap3A_57 = arith.constant 0 : index
      %swap3A_58 = tpu.vector_load %arg8[%swap3A_57] {strides = array<i32>} : memref<128xi32, #tpu.memory_space<vmem>>, vector<16xi32>,
      %swap3A_59 = vector.shape_cast %swap3A_58 : vector<16xi32> to vector<16xi32>
      %swap3A_60 = vector.shape_cast %shift_right_arithmetic3A_56 : vector<16xi32> to vector<16xi32>
      tpu.vector_store %arg8[%swap3A_57], %swap3A_60 {strides = array<i32>} : memref<128xi32, #tpu.memory_space<vmem>>, vector<16xi32>,
      %get3A_61 = arith.index_cast %while3A_46 : i32 to index
      %get3A_62 = arith.constant 16 : index
      %get3A_63 = tpu.vector_load %arg6[%get3A_61, %get3A_62] {strides = array<i32>} : memref<140x128xi32, #tpu.memory_space<vmem>>, vector<1x16xi32>,
      %get3A_64 = vector.shape_cast %get3A_63 : vector<1x16xi32> to vector<16xi32>
      %and3A_65 = arith.constant 16383 : i32
      %and3A_66 = vector.broadcast %and3A_65 : i32 to vector<16xi32>
      %and3A_67 = arith.andi %get3A_64, %and3A_66 : vector<16xi32>
      %swap3A_68 = arith.constant 16 : index
      %swap3A_69 = tpu.vector_load %arg7[%swap3A_68] {strides = array<i32>} : memref<128xi32, #tpu.memory_space<vmem>>, vector<16xi32>,
      %swap3A_70 = vector.shape_cast %swap3A_69 : vector<16xi32> to vector<16xi32>
      %swap3A_71 = vector.shape_cast %and3A_67 : vector<16xi32> to vector<16xi32>
      tpu.vector_store %arg7[%swap3A_68], %swap3A_71 {strides = array<i32>} : memref<128xi32, #tpu.memory_space<vmem>>, vector<16xi32>,
      %shift_right_arithmetic3A_72 = arith.constant 14 : i32
      %shift_right_arithmetic3A_73 = vector.broadcast %shift_right_arithmetic3A_72 : i32 to vector<16xi32>
      %shift_right_arithmetic3A_74 = arith.shrsi %get3A_64, %shift_right_arithmetic3A_73 : vector<16xi32>
      %swap3A_75 = arith.constant 16 : index
      %swap3A_76 = tpu.vector_load %arg8[%swap3A_75] {strides = array<i32>} : memref<128xi32, #tpu.memory_space<vmem>>, vector<16xi32>,
      %swap3A_77 = vector.shape_cast %swap3A_76 : vector<16xi32> to vector<16xi32>
      %swap3A_78 = vector.shape_cast %shift_right_arithmetic3A_74 : vector<16xi32> to vector<16xi32>
      tpu.vector_store %arg8[%swap3A_75], %swap3A_78 {strides = array<i32>} : memref<128xi32, #tpu.memory_space<vmem>>, vector<16xi32>,
      %get3A_79 = arith.index_cast %while3A_46 : i32 to index
      %get3A_80 = arith.constant 32 : index
      %get3A_81 = tpu.vector_load %arg6[%get3A_79, %get3A_80] {strides = array<i32>} : memref<140x128xi32, #tpu.memory_space<vmem>>, vector<1x16xi32>,
      %get3A_82 = vector.shape_cast %get3A_81 : vector<1x16xi32> to vector<16xi32>
      %and3A_83 = arith.constant 16383 : i32
      %and3A_84 = vector.broadcast %and3A_83 : i32 to vector<16xi32>
      %and3A_85 = arith.andi %get3A_82, %and3A_84 : vector<16xi32>
      %swap3A_86 = arith.constant 32 : index
      %swap3A_87 = tpu.vector_load %arg7[%swap3A_86] {strides = array<i32>} : memref<128xi32, #tpu.memory_space<vmem>>, vector<16xi32>,
      %swap3A_88 = vector.shape_cast %swap3A_87 : vector<16xi32> to vector<16xi32>
      %swap3A_89 = vector.shape_cast %and3A_85 : vector<16xi32> to vector<16xi32>
      tpu.vector_store %arg7[%swap3A_86], %swap3A_89 {strides = array<i32>} : memref<128xi32, #tpu.memory_space<vmem>>, vector<16xi32>,
      %shift_right_arithmetic3A_90 = arith.constant 14 : i32
      %shift_right_arithmetic3A_91 = vector.broadcast %shift_right_arithmetic3A_90 : i32 to vector<16xi32>
      %shift_right_arithmetic3A_92 = arith.shrsi %get3A_82, %shift_right_arithmetic3A_91 : vector<16xi32>
      %swap3A_93 = arith.constant 32 : index
      %swap3A_94 = tpu.vector_load %arg8[%swap3A_93] {strides = array<i32>} : memref<128xi32, #tpu.memory_space<vmem>>, vector<16xi32>,
      %swap3A_95 = vector.shape_cast %swap3A_94 : vector<16xi32> to vector<16xi32>
      %swap3A_96 = vector.shape_cast %shift_right_arithmetic3A_92 : vector<16xi32> to vector<16xi32>
      tpu.vector_store %arg8[%swap3A_93], %swap3A_96 {strides = array<i32>} : memref<128xi32, #tpu.memory_space<vmem>>, vector<16xi32>,
      %get3A_97 = arith.index_cast %while3A_46 : i32 to index
      %get3A_98 = arith.constant 48 : index
      %get3A_99 = tpu.vector_load %arg6[%get3A_97, %get3A_98] {strides = array<i32>} : memref<140x128xi32, #tpu.memory_space<vmem>>, vector<1x16xi32>,
      %get3A_100 = vector.shape_cast %get3A_99 : vector<1x16xi32> to vector<16xi32>
      %and3A_101 = arith.constant 16383 : i32
      %and3A_102 = vector.broadcast %and3A_101 : i32 to vector<16xi32>
      %and3A_103 = arith.andi %get3A_100, %and3A_102 : vector<16xi32>
      %swap3A_104 = arith.constant 48 : index
      %swap3A_105 = tpu.vector_load %arg7[%swap3A_104] {strides = array<i32>} : memref<128xi32, #tpu.memory_space<vmem>>, vector<16xi32>,
      %swap3A_106 = vector.shape_cast %swap3A_105 : vector<16xi32> to vector<16xi32>
      %swap3A_107 = vector.shape_cast %and3A_103 : vector<16xi32> to vector<16xi32>
      tpu.vector_store %arg7[%swap3A_104], %swap3A_107 {strides = array<i32>} : memref<128xi32, #tpu.memory_space<vmem>>, vector<16xi32>,
      %shift_right_arithmetic3A_108 = arith.constant 14 : i32
      %shift_right_arithmetic3A_109 = vector.broadcast %shift_right_arithmetic3A_108 : i32 to vector<16xi32>
      %shift_right_arithmetic3A_110 = arith.shrsi %get3A_100, %shift_right_arithmetic3A_109 : vector<16xi32>
      %swap3A_111 = arith.constant 48 : index
      %swap3A_112 = tpu.vector_load %arg8[%swap3A_111] {strides = array<i32>} : memref<128xi32, #tpu.memory_space<vmem>>, vector<16xi32>,
      %swap3A_113 = vector.shape_cast %swap3A_112 : vector<16xi32> to vector<16xi32>
      %swap3A_114 = vector.shape_cast %shift_right_arithmetic3A_110 : vector<16xi32> to vector<16xi32>
      tpu.vector_store %arg8[%swap3A_111], %swap3A_114 {strides = array<i32>} : memref<128xi32, #tpu.memory_space<vmem>>, vector<16xi32>,
      %get3A_115 = arith.index_cast %while3A_46 : i32 to index
      %get3A_116 = arith.constant 64 : index
      %get3A_117 = tpu.vector_load %arg6[%get3A_115, %get3A_116] {strides = array<i32>} : memref<140x128xi32, #tpu.memory_space<vmem>>, vector<1x16xi32>,
      %get3A_118 = vector.shape_cast %get3A_117 : vector<1x16xi32> to vector<16xi32>
      %and3A_119 = arith.constant 16383 : i32
      %and3A_120 = vector.broadcast %and3A_119 : i32 to vector<16xi32>
      %and3A_121 = arith.andi %get3A_118, %and3A_120 : vector<16xi32>
      %swap3A_122 = arith.constant 64 : index
      %swap3A_123 = tpu.vector_load %arg7[%swap3A_122] {strides = array<i32>} : memref<128xi32, #tpu.memory_space<vmem>>, vector<16xi32>,
      %swap3A_124 = vector.shape_cast %swap3A_123 : vector<16xi32> to vector<16xi32>
      %swap3A_125 = vector.shape_cast %and3A_121 : vector<16xi32> to vector<16xi32>
      tpu.vector_store %arg7[%swap3A_122], %swap3A_125 {strides = array<i32>} : memref<128xi32, #tpu.memory_space<vmem>>, vector<16xi32>,
      %shift_right_arithmetic3A_126 = arith.constant 14 : i32
      %shift_right_arithmetic3A_127 = vector.broadcast %shift_right_arithmetic3A_126 : i32 to vector<16xi32>
      %shift_right_arithmetic3A_128 = arith.shrsi %get3A_118, %shift_right_arithmetic3A_127 : vector<16xi32>
      %swap3A_129 = arith.constant 64 : index
      %swap3A_130 = tpu.vector_load %arg8[%swap3A_129] {strides = array<i32>} : memref<128xi32, #tpu.memory_space<vmem>>, vector<16xi32>,
      %swap3A_131 = vector.shape_cast %swap3A_130 : vector<16xi32> to vector<16xi32>
      %swap3A_132 = vector.shape_cast %shift_right_arithmetic3A_128 : vector<16xi32> to vector<16xi32>
      tpu.vector_store %arg8[%swap3A_129], %swap3A_132 {strides = array<i32>} : memref<128xi32, #tpu.memory_space<vmem>>, vector<16xi32>,
      %get3A_133 = arith.index_cast %while3A_46 : i32 to index
      %get3A_134 = arith.constant 80 : index
      %get3A_135 = tpu.vector_load %arg6[%get3A_133, %get3A_134] {strides = array<i32>} : memref<140x128xi32, #tpu.memory_space<vmem>>, vector<1x16xi32>,
      %get3A_136 = vector.shape_cast %get3A_135 : vector<1x16xi32> to vector<16xi32>
      %and3A_137 = arith.constant 16383 : i32
      %and3A_138 = vector.broadcast %and3A_137 : i32 to vector<16xi32>
      %and3A_139 = arith.andi %get3A_136, %and3A_138 : vector<16xi32>
      %swap3A_140 = arith.constant 80 : index
      %swap3A_141 = tpu.vector_load %arg7[%swap3A_140] {strides = array<i32>} : memref<128xi32, #tpu.memory_space<vmem>>, vector<16xi32>,
      %swap3A_142 = vector.shape_cast %swap3A_141 : vector<16xi32> to vector<16xi32>
      %swap3A_143 = vector.shape_cast %and3A_139 : vector<16xi32> to vector<16xi32>
      tpu.vector_store %arg7[%swap3A_140], %swap3A_143 {strides = array<i32>} : memref<128xi32, #tpu.memory_space<vmem>>, vector<16xi32>,
      %shift_right_arithmetic3A_144 = arith.constant 14 : i32
      %shift_right_arithmetic3A_145 = vector.broadcast %shift_right_arithmetic3A_144 : i32 to vector<16xi32>
      %shift_right_arithmetic3A_146 = arith.shrsi %get3A_136, %shift_right_arithmetic3A_145 : vector<16xi32>
      %swap3A_147 = arith.constant 80 : index
      %swap3A_148 = tpu.vector_load %arg8[%swap3A_147] {strides = array<i32>} : memref<128xi32, #tpu.memory_space<vmem>>, vector<16xi32>,
      %swap3A_149 = vector.shape_cast %swap3A_148 : vector<16xi32> to vector<16xi32>
      %swap3A_150 = vector.shape_cast %shift_right_arithmetic3A_146 : vector<16xi32> to vector<16xi32>
      tpu.vector_store %arg8[%swap3A_147], %swap3A_150 {strides = array<i32>} : memref<128xi32, #tpu.memory_space<vmem>>, vector<16xi32>,
      %get3A_151 = arith.index_cast %while3A_46 : i32 to index
      %get3A_152 = arith.constant 96 : index
      %get3A_153 = tpu.vector_load %arg6[%get3A_151, %get3A_152] {strides = array<i32>} : memref<140x128xi32, #tpu.memory_space<vmem>>, vector<1x16xi32>,
      %get3A_154 = vector.shape_cast %get3A_153 : vector<1x16xi32> to vector<16xi32>
      %and3A_155 = arith.constant 16383 : i32
      %and3A_156 = vector.broadcast %and3A_155 : i32 to vector<16xi32>
      %and3A_157 = arith.andi %get3A_154, %and3A_156 : vector<16xi32>
      %swap3A_158 = arith.constant 96 : index
      %swap3A_159 = tpu.vector_load %arg7[%swap3A_158] {strides = array<i32>} : memref<128xi32, #tpu.memory_space<vmem>>, vector<16xi32>,
      %swap3A_160 = vector.shape_cast %swap3A_159 : vector<16xi32> to vector<16xi32>
      %swap3A_161 = vector.shape_cast %and3A_157 : vector<16xi32> to vector<16xi32>
      tpu.vector_store %arg7[%swap3A_158], %swap3A_161 {strides = array<i32>} : memref<128xi32, #tpu.memory_space<vmem>>, vector<16xi32>,
      %shift_right_arithmetic3A_162 = arith.constant 14 : i32
      %shift_right_arithmetic3A_163 = vector.broadcast %shift_right_arithmetic3A_162 : i32 to vector<16xi32>
      %shift_right_arithmetic3A_164 = arith.shrsi %get3A_154, %shift_right_arithmetic3A_163 : vector<16xi32>
      %swap3A_165 = arith.constant 96 : index
      %swap3A_166 = tpu.vector_load %arg8[%swap3A_165] {strides = array<i32>} : memref<128xi32, #tpu.memory_space<vmem>>, vector<16xi32>,
      %swap3A_167 = vector.shape_cast %swap3A_166 : vector<16xi32> to vector<16xi32>
      %swap3A_168 = vector.shape_cast %shift_right_arithmetic3A_164 : vector<16xi32> to vector<16xi32>
      tpu.vector_store %arg8[%swap3A_165], %swap3A_168 {strides = array<i32>} : memref<128xi32, #tpu.memory_space<vmem>>, vector<16xi32>,
      %get3A_169 = arith.index_cast %while3A_46 : i32 to index
      %get3A_170 = arith.constant 112 : index
      %get3A_171 = tpu.vector_load %arg6[%get3A_169, %get3A_170] {strides = array<i32>} : memref<140x128xi32, #tpu.memory_space<vmem>>, vector<1x16xi32>,
      %get3A_172 = vector.shape_cast %get3A_171 : vector<1x16xi32> to vector<16xi32>
      %and3A_173 = arith.constant 16383 : i32
      %and3A_174 = vector.broadcast %and3A_173 : i32 to vector<16xi32>
      %and3A_175 = arith.andi %get3A_172, %and3A_174 : vector<16xi32>
      %swap3A_176 = arith.constant 112 : index
      %swap3A_177 = tpu.vector_load %arg7[%swap3A_176] {strides = array<i32>} : memref<128xi32, #tpu.memory_space<vmem>>, vector<16xi32>,
      %swap3A_178 = vector.shape_cast %swap3A_177 : vector<16xi32> to vector<16xi32>
      %swap3A_179 = vector.shape_cast %and3A_175 : vector<16xi32> to vector<16xi32>
      tpu.vector_store %arg7[%swap3A_176], %swap3A_179 {strides = array<i32>} : memref<128xi32, #tpu.memory_space<vmem>>, vector<16xi32>,
      %shift_right_arithmetic3A_180 = arith.constant 14 : i32
      %shift_right_arithmetic3A_181 = vector.broadcast %shift_right_arithmetic3A_180 : i32 to vector<16xi32>
      %shift_right_arithmetic3A_182 = arith.shrsi %get3A_172, %shift_right_arithmetic3A_181 : vector<16xi32>
      %swap3A_183 = arith.constant 112 : index
      %swap3A_184 = tpu.vector_load %arg8[%swap3A_183] {strides = array<i32>} : memref<128xi32, #tpu.memory_space<vmem>>, vector<16xi32>,
      %swap3A_185 = vector.shape_cast %swap3A_184 : vector<16xi32> to vector<16xi32>
      %swap3A_186 = vector.shape_cast %shift_right_arithmetic3A_182 : vector<16xi32> to vector<16xi32>
      tpu.vector_store %arg8[%swap3A_183], %swap3A_186 {strides = array<i32>} : memref<128xi32, #tpu.memory_space<vmem>>, vector<16xi32>,
      "tpu.region"() ({
        %run_scoped3A = tpu.sem_alloc : memref<!tpu.dma_semaphore, #tpu.memory_space<semaphore_mem>>
        %dma_start3A = arith.constant 0 : i32
        %dma_start3A_187 = arith.constant 0 : i32
        %dma_start3A_188 = tpu.memref_slice %arg3[%dma_start3A, %dma_start3A_187] : memref<10240x128xf32, #tpu.memory_space<hbm>> -> memref<10240x128xf32, #tpu.memory_space<hbm>>
        tpu.enqueue_indirect_dma source(%dma_start3A_188 : memref<10240x128xf32, #tpu.memory_space<hbm>>) target(%arg9 : memref<128x128xf32, #tpu.memory_space<vmem>>) offsets(%arg7 : memref<128xi32, #tpu.memory_space<vmem>>) semaphore(%run_scoped3A : memref<!tpu.dma_semaphore, #tpu.memory_space<semaphore_mem>>)
        %dma_wait3A = arith.constant 0 : i32
        %dma_wait3A_189 = arith.constant 0 : i32
        %dma_wait3A_190 = tpu.memref_slice %arg3[%dma_wait3A, %dma_wait3A_189] : memref<10240x128xf32, #tpu.memory_space<hbm>> -> memref<10240x128xf32, #tpu.memory_space<hbm>>
        tpu.wait_indirect_dma semaphore(%run_scoped3A : memref<!tpu.dma_semaphore, #tpu.memory_space<semaphore_mem>>) src(%dma_wait3A_190 : memref<10240x128xf32, #tpu.memory_space<hbm>>) dst(%arg9 : memref<128x128xf32, #tpu.memory_space<vmem>>)
        tpu.yield
      }) : () -> ()
      "tpu.region"() ({
        %run_scoped3A = tpu.sem_alloc : memref<!tpu.dma_semaphore, #tpu.memory_space<semaphore_mem>>
        %dma_start3A = arith.constant 0 : i32
        %dma_start3A_187 = arith.constant 0 : i32
        %dma_start3A_188 = tpu.memref_slice %arg10[%dma_start3A, %dma_start3A_187] : memref<10240x128xf32, #tpu.memory_space<vmem_shared>> -> memref<10240x128xf32, #tpu.memory_space<vmem_shared>>
        tpu.enqueue_indirect_dma source(%arg9 : memref<128x128xf32, #tpu.memory_space<vmem>>) target(%dma_start3A_188 : memref<10240x128xf32, #tpu.memory_space<vmem_shared>>) offsets(%arg8 : memref<128xi32, #tpu.memory_space<vmem>>) semaphore(%run_scoped3A : memref<!tpu.dma_semaphore, #tpu.memory_space<semaphore_mem>>) {add = true}
        %dma_wait3A = arith.constant 0 : i32
        %dma_wait3A_189 = arith.constant 0 : i32
        %dma_wait3A_190 = tpu.memref_slice %arg10[%dma_wait3A, %dma_wait3A_189] : memref<10240x128xf32, #tpu.memory_space<vmem_shared>> -> memref<10240x128xf32, #tpu.memory_space<vmem_shared>>
        tpu.wait_indirect_dma semaphore(%run_scoped3A : memref<!tpu.dma_semaphore, #tpu.memory_space<semaphore_mem>>) src(%arg9 : memref<128x128xf32, #tpu.memory_space<vmem>>) dst(%dma_wait3A_190 : memref<10240x128xf32, #tpu.memory_space<vmem_shared>>)
        tpu.yield
      }) : () -> ()
    }
    %barrier3A_37 = arith.constant 0 : index
    tpu.barrier barrier_id(%barrier3A_37)
    %eq3A_38 = arith.constant 0 : i32
    %eq3A_39 = arith.cmpi eq, %arg0, %eq3A_38 : i32
    %convert_element_type3A = arith.extui %eq3A_39 : i1 to i32
    %cond3A = arith.constant 0 : i32
    %cond3A_40 = arith.cmpi ne, %convert_element_type3A, %cond3A : i32
    scf.if %cond3A_40 {
      %mul3A_46 = arith.constant 640 : i32
      %mul3A_47 = arith.muli %arg1, %mul3A_46 : i32
      %mul3A_48 = arith.constant 640 : i32
      %mul3A_49 = arith.muli %arg1, %mul3A_48 : i32
      "tpu.region"() ({
        %run_scoped3A = tpu.sem_alloc : memref<!tpu.dma_semaphore, #tpu.memory_space<semaphore_mem>>
        %dma_start3A = arith.constant 0 : i32
        %dma_start3A_50 = tpu.memref_slice %arg4[%mul3A_49, %dma_start3A] : memref<10240x128xf32, #tpu.memory_space<hbm>> -> memref<640x128xf32, #tpu.memory_space<hbm>>
        %dma_start3A_51 = arith.constant 0 : i32
        %dma_start3A_52 = tpu.memref_slice %arg10[%mul3A_47, %dma_start3A_51] : memref<10240x128xf32, #tpu.memory_space<vmem_shared>> -> memref<640x128xf32, #tpu.memory_space<vmem_shared>>
        tpu.enqueue_dma source(%dma_start3A_52 : memref<640x128xf32, #tpu.memory_space<vmem_shared>>) target(%dma_start3A_50 : memref<640x128xf32, #tpu.memory_space<hbm>>) target_semaphore(%run_scoped3A : memref<!tpu.dma_semaphore, #tpu.memory_space<semaphore_mem>>)
        %dma_wait3A = arith.constant 0 : i32
        %dma_wait3A_53 = tpu.memref_slice %arg4[%mul3A_49, %dma_wait3A] : memref<10240x128xf32, #tpu.memory_space<hbm>> -> memref<640x128xf32, #tpu.memory_space<hbm>>
        %dma_wait3A_54 = arith.constant 0 : i32
        %dma_wait3A_55 = tpu.memref_slice %arg10[%mul3A_47, %dma_wait3A_54] : memref<10240x128xf32, #tpu.memory_space<vmem_shared>> -> memref<640x128xf32, #tpu.memory_space<vmem_shared>>
        tpu.wait_dma2 semaphore(%run_scoped3A : memref<!tpu.dma_semaphore, #tpu.memory_space<semaphore_mem>>) src(%dma_wait3A_55 : memref<640x128xf32, #tpu.memory_space<vmem_shared>>) dst(%dma_wait3A_53 : memref<640x128xf32, #tpu.memory_space<hbm>>)
        tpu.yield
      }) : () -> ()
    } else {
    }
    %eq3A_41 = arith.constant 1 : i32
    %eq3A_42 = arith.cmpi eq, %arg0, %eq3A_41 : i32
    %convert_element_type3A_43 = arith.extui %eq3A_42 : i1 to i32
    %cond3A_44 = arith.constant 0 : i32
    %cond3A_45 = arith.cmpi ne, %convert_element_type3A_43, %cond3A_44 : i32
    scf.if %cond3A_45 {
      %mul3A_46 = arith.constant 640 : i32
      %mul3A_47 = arith.muli %arg1, %mul3A_46 : i32
      %mul3A_48 = arith.constant 640 : i32
      %mul3A_49 = arith.muli %arg1, %mul3A_48 : i32
      "tpu.region"() ({
        %run_scoped3A = tpu.sem_alloc : memref<!tpu.dma_semaphore, #tpu.memory_space<semaphore_mem>>
        %dma_start3A = arith.constant 0 : i32
        %dma_start3A_50 = tpu.memref_slice %arg5[%mul3A_49, %dma_start3A] : memref<10240x128xf32, #tpu.memory_space<hbm>> -> memref<640x128xf32, #tpu.memory_space<hbm>>
        %dma_start3A_51 = arith.constant 0 : i32
        %dma_start3A_52 = tpu.memref_slice %arg10[%mul3A_47, %dma_start3A_51] : memref<10240x128xf32, #tpu.memory_space<vmem_shared>> -> memref<640x128xf32, #tpu.memory_space<vmem_shared>>
        tpu.enqueue_dma source(%dma_start3A_52 : memref<640x128xf32, #tpu.memory_space<vmem_shared>>) target(%dma_start3A_50 : memref<640x128xf32, #tpu.memory_space<hbm>>) target_semaphore(%run_scoped3A : memref<!tpu.dma_semaphore, #tpu.memory_space<semaphore_mem>>)
        %dma_wait3A = arith.constant 0 : i32
        %dma_wait3A_53 = tpu.memref_slice %arg5[%mul3A_49, %dma_wait3A] : memref<10240x128xf32, #tpu.memory_space<hbm>> -> memref<640x128xf32, #tpu.memory_space<hbm>>
        %dma_wait3A_54 = arith.constant 0 : i32
        %dma_wait3A_55 = tpu.memref_slice %arg10[%mul3A_47, %dma_wait3A_54] : memref<10240x128xf32, #tpu.memory_space<vmem_shared>> -> memref<640x128xf32, #tpu.memory_space<vmem_shared>>
        tpu.wait_dma2 semaphore(%run_scoped3A : memref<!tpu.dma_semaphore, #tpu.memory_space<semaphore_mem>>) src(%dma_wait3A_55 : memref<640x128xf32, #tpu.memory_space<vmem_shared>>) dst(%dma_wait3A_53 : memref<640x128xf32, #tpu.memory_space<hbm>>)
        tpu.yield
      }) : () -> ()
    } else {
    }
    return
  }
}

module attributes {stable_mosaic.version = 14 : i64} {
  func.func @_tc1_body(%arg0: i32, %arg1: memref<2x1024x1xf32, #tpu.memory_space<vmem>>, %arg2: memref<1024x128xf32, #tpu.memory_space<vmem>>, %arg3: memref<128x128xf32, #tpu.memory_space<vmem>>, %arg4: memref<1024x128xf32, #tpu.memory_space<vmem>>, %arg5: memref<1024x1xf32, #tpu.memory_space<vmem>>) attributes {dimension_semantics = [#tpu.dimension_semantics<arbitrary>], iteration_bounds = array<i64: 10>, scalar_prefetch = 0 : i64, scratch_operands = 0 : i64, tpu.core_type = #tpu.core_type<tc>, window_params = [{transform_indices = @transform_0, window_bounds = array<i64: 2, 1024, 1>}, {transform_indices = @transform_1, window_bounds = array<i64: 1024, 128>}, {pipeline_mode = #tpu.pipeline_mode<synchronous>, transform_indices = @transform_2, window_bounds = array<i64: 128, 128>}, {transform_indices = @transform_3, window_bounds = array<i64: 1024, 128>}, {transform_indices = @transform_4, window_bounds = array<i64: 1024, 1>}]} {
    %get3A = arith.constant 0 : index
    %get3A_0 = arith.constant 0 : index
    %get3A_1 = arith.constant 0 : index
    %get3A_2 = vector.load %arg1[%get3A, %get3A_0, %get3A_1] : memref<2x1024x1xf32, #tpu.memory_space<vmem>>, vector<1x1024x1xf32>
    %get3A_3 = vector.shape_cast %get3A_2 : vector<1x1024x1xf32> to vector<1024x1xf32>
    %get3A_4 = arith.constant 1 : index
    %get3A_5 = arith.constant 0 : index
    %get3A_6 = arith.constant 0 : index
    %get3A_7 = vector.load %arg1[%get3A_4, %get3A_5, %get3A_6] : memref<2x1024x1xf32, #tpu.memory_space<vmem>>, vector<1x1024x1xf32>
    %get3A_8 = vector.shape_cast %get3A_7 : vector<1x1024x1xf32> to vector<1024x1xf32>
    %add3A = arith.addf %get3A_3, %get3A_8 : vector<1024x1xf32>
    %add3A_9 = arith.constant 1.000000e+00 : f32
    %add3A_10 = vector.broadcast %add3A_9 : f32 to vector<1024x1xf32>
    %add3A_11 = arith.addf %add3A, %add3A_10 : vector<1024x1xf32>
    %rsqrt3A = math.rsqrt %add3A_11 : vector<1024x1xf32>
    %swap3A = arith.constant 0 : index
    %swap3A_12 = arith.constant 0 : index
    %swap3A_13 = vector.load %arg5[%swap3A, %swap3A_12] : memref<1024x1xf32, #tpu.memory_space<vmem>>, vector<1024x1xf32>
    tpu.vector_store %arg5[%swap3A, %swap3A_12], %rsqrt3A {strides = array<i32>} : memref<1024x1xf32, #tpu.memory_space<vmem>>, vector<1024x1xf32>,
    %get3A_14 = arith.constant 0 : index
    %get3A_15 = arith.constant 0 : index
    %get3A_16 = vector.load %arg2[%get3A_14, %get3A_15] : memref<1024x128xf32, #tpu.memory_space<vmem>>, vector<1024x128xf32>
    %mul3A = vector.broadcast %rsqrt3A : vector<1024x1xf32> to vector<1024x128xf32>
    %mul3A_17 = arith.mulf %get3A_16, %mul3A : vector<1024x128xf32>
    %get3A_18 = arith.constant 0 : index
    %get3A_19 = arith.constant 0 : index
    %get3A_20 = vector.load %arg3[%get3A_18, %get3A_19] : memref<128x128xf32, #tpu.memory_space<vmem>>, vector<128x128xf32>
    %dot_general3A = arith.constant dense<0.000000e+00> : vector<1024x128xf32>
    %dot_general3A_21 = tpu.matmul %mul3A_17, %get3A_20, %dot_general3A {dimension_numbers = #tpu.dot_dimension_numbers<[1], [0], [0], [1], [0, 0, 1, 1], [], []>, transpose_lhs_hint = false} : vector<1024x128xf32>, vector<128x128xf32>, vector<1024x128xf32> -> vector<1024x128xf32>
    %swap3A_22 = arith.constant 0 : index
    %swap3A_23 = arith.constant 0 : index
    %swap3A_24 = vector.load %arg4[%swap3A_22, %swap3A_23] : memref<1024x128xf32, #tpu.memory_space<vmem>>, vector<1024x128xf32>
    tpu.vector_store %arg4[%swap3A_22, %swap3A_23], %dot_general3A_21 {strides = array<i32>} : memref<1024x128xf32, #tpu.memory_space<vmem>>, vector<1024x128xf32>,
    return
  }
  func.func @transform_0(%arg0: i32) -> (i32, i32, i32) {
    %c0_i32 = arith.constant 0 : i32
    %c0_i32_0 = arith.constant 0 : i32
    %c0_i32_1 = arith.constant 0 : i32
    return %c0_i32, %arg0, %c0_i32_0 : i32, i32, i32
  }
  func.func @transform_1(%arg0: i32) -> (i32, i32) {
    %c0_i32 = arith.constant 0 : i32
    %c0_i32_0 = arith.constant 0 : i32
    return %arg0, %c0_i32 : i32, i32
  }
  func.func @transform_2(%arg0: i32) -> (i32, i32) {
    %c0_i32 = arith.constant 0 : i32
    %c0_i32_0 = arith.constant 0 : i32
    %c0_i32_1 = arith.constant 0 : i32
    return %c0_i32, %c0_i32_0 : i32, i32
  }
  func.func @transform_3(%arg0: i32) -> (i32, i32) {
    %c0_i32 = arith.constant 0 : i32
    %c0_i32_0 = arith.constant 0 : i32
    return %arg0, %c0_i32 : i32, i32
  }
  func.func @transform_4(%arg0: i32) -> (i32, i32) {
    %c0_i32 = arith.constant 0 : i32
    %c0_i32_0 = arith.constant 0 : i32
    return %arg0, %c0_i32 : i32, i32
  }
}

module attributes {stable_mosaic.version = 14 : i64} {
  func.func @_tc_mid_body(%arg0: i32, %arg1: memref<1024x128xf32, #tpu.memory_space<vmem>>, %arg2: memref<1024x128xf32, #tpu.memory_space<vmem>>, %arg3: memref<1024x128xf32, #tpu.memory_space<vmem>>, %arg4: memref<1024x1xf32, #tpu.memory_space<vmem>>, %arg5: memref<1x128xf32, #tpu.memory_space<vmem>>, %arg6: memref<128x128xf32, #tpu.memory_space<vmem>>, %arg7: memref<1024x128xf32, #tpu.memory_space<vmem>>) attributes {dimension_semantics = [#tpu.dimension_semantics<arbitrary>], iteration_bounds = array<i64: 10>, scalar_prefetch = 0 : i64, scratch_operands = 0 : i64, tpu.core_type = #tpu.core_type<tc>, window_params = [{transform_indices = @transform_0, window_bounds = array<i64: 1024, 128>}, {transform_indices = @transform_1, window_bounds = array<i64: 1024, 128>}, {transform_indices = @transform_2, window_bounds = array<i64: 1024, 128>}, {transform_indices = @transform_3, window_bounds = array<i64: 1024, 1>}, {pipeline_mode = #tpu.pipeline_mode<synchronous>, transform_indices = @transform_4, window_bounds = array<i64: 1, 128>}, {pipeline_mode = #tpu.pipeline_mode<synchronous>, transform_indices = @transform_5, window_bounds = array<i64: 128, 128>}, {transform_indices = @transform_6, window_bounds = array<i64: 1024, 128>}]} {
    %get3A = arith.constant 0 : index
    %get3A_0 = arith.constant 0 : index
    %get3A_1 = vector.load %arg4[%get3A, %get3A_0] : memref<1024x1xf32, #tpu.memory_space<vmem>>, vector<1024x1xf32>
    %get3A_2 = arith.constant 0 : index
    %get3A_3 = arith.constant 0 : index
    %get3A_4 = vector.load %arg1[%get3A_2, %get3A_3] : memref<1024x128xf32, #tpu.memory_space<vmem>>, vector<1024x128xf32>
    %get3A_5 = arith.constant 0 : index
    %get3A_6 = arith.constant 0 : index
    %get3A_7 = vector.load %arg2[%get3A_5, %get3A_6] : memref<1024x128xf32, #tpu.memory_space<vmem>>, vector<1024x128xf32>
    %add3A = arith.addf %get3A_4, %get3A_7 : vector<1024x128xf32>
    %get3A_8 = arith.constant 0 : index
    %get3A_9 = arith.constant 0 : index
    %get3A_10 = vector.load %arg3[%get3A_8, %get3A_9] : memref<1024x128xf32, #tpu.memory_space<vmem>>, vector<1024x128xf32>
    %add3A_11 = arith.addf %add3A, %get3A_10 : vector<1024x128xf32>
    %mul3A = vector.broadcast %get3A_1 : vector<1024x1xf32> to vector<1024x128xf32>
    %mul3A_12 = arith.mulf %add3A_11, %mul3A : vector<1024x128xf32>
    %get3A_13 = arith.constant 0 : index
    %get3A_14 = arith.constant 0 : index
    %get3A_15 = vector.load %arg5[%get3A_13, %get3A_14] : memref<1x128xf32, #tpu.memory_space<vmem>>, vector<1x128xf32>
    %add3A_16 = vector.broadcast %get3A_15 : vector<1x128xf32> to vector<1024x128xf32>
    %add3A_17 = arith.addf %mul3A_12, %add3A_16 : vector<1024x128xf32>
    %max3A = arith.constant 0.000000e+00 : f32
    %max3A_18 = vector.broadcast %max3A : f32 to vector<1024x128xf32>
    %max3A_19 = arith.maximumf %add3A_17, %max3A_18 : vector<1024x128xf32>
    %mul3A_20 = vector.broadcast %get3A_1 : vector<1024x1xf32> to vector<1024x128xf32>
    %mul3A_21 = arith.mulf %max3A_19, %mul3A_20 : vector<1024x128xf32>
    %get3A_22 = arith.constant 0 : index
    %get3A_23 = arith.constant 0 : index
    %get3A_24 = vector.load %arg6[%get3A_22, %get3A_23] : memref<128x128xf32, #tpu.memory_space<vmem>>, vector<128x128xf32>
    %dot_general3A = arith.constant dense<0.000000e+00> : vector<1024x128xf32>
    %dot_general3A_25 = tpu.matmul %mul3A_21, %get3A_24, %dot_general3A {dimension_numbers = #tpu.dot_dimension_numbers<[1], [0], [0], [1], [0, 0, 1, 1], [], []>, transpose_lhs_hint = false} : vector<1024x128xf32>, vector<128x128xf32>, vector<1024x128xf32> -> vector<1024x128xf32>
    %swap3A = arith.constant 0 : index
    %swap3A_26 = arith.constant 0 : index
    %swap3A_27 = vector.load %arg7[%swap3A, %swap3A_26] : memref<1024x128xf32, #tpu.memory_space<vmem>>, vector<1024x128xf32>
    tpu.vector_store %arg7[%swap3A, %swap3A_26], %dot_general3A_25 {strides = array<i32>} : memref<1024x128xf32, #tpu.memory_space<vmem>>, vector<1024x128xf32>,
    return
  }
  func.func @transform_0(%arg0: i32) -> (i32, i32) {
    %c0_i32 = arith.constant 0 : i32
    %c0_i32_0 = arith.constant 0 : i32
    return %arg0, %c0_i32 : i32, i32
  }
  func.func @transform_1(%arg0: i32) -> (i32, i32) {
    %c0_i32 = arith.constant 0 : i32
    %c0_i32_0 = arith.constant 0 : i32
    return %arg0, %c0_i32 : i32, i32
  }
  func.func @transform_2(%arg0: i32) -> (i32, i32) {
    %c0_i32 = arith.constant 0 : i32
    %c0_i32_0 = arith.constant 0 : i32
    return %arg0, %c0_i32 : i32, i32
  }
  func.func @transform_3(%arg0: i32) -> (i32, i32) {
    %c0_i32 = arith.constant 0 : i32
    %c0_i32_0 = arith.constant 0 : i32
    return %arg0, %c0_i32 : i32, i32
  }
  func.func @transform_4(%arg0: i32) -> (i32, i32) {
    %c0_i32 = arith.constant 0 : i32
    %c0_i32_0 = arith.constant 0 : i32
    %c0_i32_1 = arith.constant 0 : i32
    return %c0_i32, %c0_i32_0 : i32, i32
  }
  func.func @transform_5(%arg0: i32) -> (i32, i32) {
    %c0_i32 = arith.constant 0 : i32
    %c0_i32_0 = arith.constant 0 : i32
    %c0_i32_1 = arith.constant 0 : i32
    return %c0_i32, %c0_i32_0 : i32, i32
  }
  func.func @transform_6(%arg0: i32) -> (i32, i32) {
    %c0_i32 = arith.constant 0 : i32
    %c0_i32_0 = arith.constant 0 : i32
    return %arg0, %c0_i32 : i32, i32
  }
}

module attributes {stable_mosaic.version = 14 : i64} {
  func.func @_tc_mid_body(%arg0: i32, %arg1: memref<1024x128xf32, #tpu.memory_space<vmem>>, %arg2: memref<1024x128xf32, #tpu.memory_space<vmem>>, %arg3: memref<1024x128xf32, #tpu.memory_space<vmem>>, %arg4: memref<1024x1xf32, #tpu.memory_space<vmem>>, %arg5: memref<1x128xf32, #tpu.memory_space<vmem>>, %arg6: memref<128x64xf32, #tpu.memory_space<vmem>>, %arg7: memref<1024x64xf32, #tpu.memory_space<vmem>>) attributes {dimension_semantics = [#tpu.dimension_semantics<arbitrary>], iteration_bounds = array<i64: 10>, scalar_prefetch = 0 : i64, scratch_operands = 0 : i64, tpu.core_type = #tpu.core_type<tc>, window_params = [{transform_indices = @transform_0, window_bounds = array<i64: 1024, 128>}, {transform_indices = @transform_1, window_bounds = array<i64: 1024, 128>}, {transform_indices = @transform_2, window_bounds = array<i64: 1024, 128>}, {transform_indices = @transform_3, window_bounds = array<i64: 1024, 1>}, {pipeline_mode = #tpu.pipeline_mode<synchronous>, transform_indices = @transform_4, window_bounds = array<i64: 1, 128>}, {pipeline_mode = #tpu.pipeline_mode<synchronous>, transform_indices = @transform_5, window_bounds = array<i64: 128, 64>}, {transform_indices = @transform_6, window_bounds = array<i64: 1024, 64>}]} {
    %get3A = arith.constant 0 : index
    %get3A_0 = arith.constant 0 : index
    %get3A_1 = vector.load %arg4[%get3A, %get3A_0] : memref<1024x1xf32, #tpu.memory_space<vmem>>, vector<1024x1xf32>
    %get3A_2 = arith.constant 0 : index
    %get3A_3 = arith.constant 0 : index
    %get3A_4 = vector.load %arg1[%get3A_2, %get3A_3] : memref<1024x128xf32, #tpu.memory_space<vmem>>, vector<1024x128xf32>
    %get3A_5 = arith.constant 0 : index
    %get3A_6 = arith.constant 0 : index
    %get3A_7 = vector.load %arg2[%get3A_5, %get3A_6] : memref<1024x128xf32, #tpu.memory_space<vmem>>, vector<1024x128xf32>
    %add3A = arith.addf %get3A_4, %get3A_7 : vector<1024x128xf32>
    %get3A_8 = arith.constant 0 : index
    %get3A_9 = arith.constant 0 : index
    %get3A_10 = vector.load %arg3[%get3A_8, %get3A_9] : memref<1024x128xf32, #tpu.memory_space<vmem>>, vector<1024x128xf32>
    %add3A_11 = arith.addf %add3A, %get3A_10 : vector<1024x128xf32>
    %mul3A = vector.broadcast %get3A_1 : vector<1024x1xf32> to vector<1024x128xf32>
    %mul3A_12 = arith.mulf %add3A_11, %mul3A : vector<1024x128xf32>
    %get3A_13 = arith.constant 0 : index
    %get3A_14 = arith.constant 0 : index
    %get3A_15 = vector.load %arg5[%get3A_13, %get3A_14] : memref<1x128xf32, #tpu.memory_space<vmem>>, vector<1x128xf32>
    %add3A_16 = vector.broadcast %get3A_15 : vector<1x128xf32> to vector<1024x128xf32>
    %add3A_17 = arith.addf %mul3A_12, %add3A_16 : vector<1024x128xf32>
    %max3A = arith.constant 0.000000e+00 : f32
    %max3A_18 = vector.broadcast %max3A : f32 to vector<1024x128xf32>
    %max3A_19 = arith.maximumf %add3A_17, %max3A_18 : vector<1024x128xf32>
    %mul3A_20 = vector.broadcast %get3A_1 : vector<1024x1xf32> to vector<1024x128xf32>
    %mul3A_21 = arith.mulf %max3A_19, %mul3A_20 : vector<1024x128xf32>
    %get3A_22 = arith.constant 0 : index
    %get3A_23 = arith.constant 0 : index
    %get3A_24 = vector.load %arg6[%get3A_22, %get3A_23] : memref<128x64xf32, #tpu.memory_space<vmem>>, vector<128x64xf32>
    %dot_general3A = arith.constant dense<0.000000e+00> : vector<1024x64xf32>
    %dot_general3A_25 = tpu.matmul %mul3A_21, %get3A_24, %dot_general3A {dimension_numbers = #tpu.dot_dimension_numbers<[1], [0], [0], [1], [0, 0, 1, 1], [], []>, transpose_lhs_hint = false} : vector<1024x128xf32>, vector<128x64xf32>, vector<1024x64xf32> -> vector<1024x64xf32>
    %swap3A = arith.constant 0 : index
    %swap3A_26 = arith.constant 0 : index
    %swap3A_27 = vector.load %arg7[%swap3A, %swap3A_26] : memref<1024x64xf32, #tpu.memory_space<vmem>>, vector<1024x64xf32>
    tpu.vector_store %arg7[%swap3A, %swap3A_26], %dot_general3A_25 {strides = array<i32>} : memref<1024x64xf32, #tpu.memory_space<vmem>>, vector<1024x64xf32>,
    return
  }
  func.func @transform_0(%arg0: i32) -> (i32, i32) {
    %c0_i32 = arith.constant 0 : i32
    %c0_i32_0 = arith.constant 0 : i32
    return %arg0, %c0_i32 : i32, i32
  }
  func.func @transform_1(%arg0: i32) -> (i32, i32) {
    %c0_i32 = arith.constant 0 : i32
    %c0_i32_0 = arith.constant 0 : i32
    return %arg0, %c0_i32 : i32, i32
  }
  func.func @transform_2(%arg0: i32) -> (i32, i32) {
    %c0_i32 = arith.constant 0 : i32
    %c0_i32_0 = arith.constant 0 : i32
    return %arg0, %c0_i32 : i32, i32
  }
  func.func @transform_3(%arg0: i32) -> (i32, i32) {
    %c0_i32 = arith.constant 0 : i32
    %c0_i32_0 = arith.constant 0 : i32
    return %arg0, %c0_i32 : i32, i32
  }
  func.func @transform_4(%arg0: i32) -> (i32, i32) {
    %c0_i32 = arith.constant 0 : i32
    %c0_i32_0 = arith.constant 0 : i32
    %c0_i32_1 = arith.constant 0 : i32
    return %c0_i32, %c0_i32_0 : i32, i32
  }
  func.func @transform_5(%arg0: i32) -> (i32, i32) {
    %c0_i32 = arith.constant 0 : i32
    %c0_i32_0 = arith.constant 0 : i32
    %c0_i32_1 = arith.constant 0 : i32
    return %c0_i32, %c0_i32_0 : i32, i32
  }
  func.func @transform_6(%arg0: i32) -> (i32, i32) {
    %c0_i32 = arith.constant 0 : i32
    %c0_i32_0 = arith.constant 0 : i32
    return %arg0, %c0_i32 : i32, i32
  }
}

module attributes {stable_mosaic.version = 14 : i64} {
  func.func @_tc_last_body(%arg0: i32, %arg1: memref<1024x64xf32, #tpu.memory_space<vmem>>, %arg2: memref<1024x64xf32, #tpu.memory_space<vmem>>, %arg3: memref<1024x64xf32, #tpu.memory_space<vmem>>, %arg4: memref<1024x1xf32, #tpu.memory_space<vmem>>, %arg5: memref<1x64xf32, #tpu.memory_space<vmem>>, %arg6: memref<1024x64xf32, #tpu.memory_space<vmem>>) attributes {dimension_semantics = [#tpu.dimension_semantics<arbitrary>], iteration_bounds = array<i64: 10>, scalar_prefetch = 0 : i64, scratch_operands = 0 : i64, tpu.core_type = #tpu.core_type<tc>, window_params = [{transform_indices = @transform_0, window_bounds = array<i64: 1024, 64>}, {transform_indices = @transform_1, window_bounds = array<i64: 1024, 64>}, {transform_indices = @transform_2, window_bounds = array<i64: 1024, 64>}, {transform_indices = @transform_3, window_bounds = array<i64: 1024, 1>}, {pipeline_mode = #tpu.pipeline_mode<synchronous>, transform_indices = @transform_4, window_bounds = array<i64: 1, 64>}, {transform_indices = @transform_5, window_bounds = array<i64: 1024, 64>}]} {
    %get3A = arith.constant 0 : index
    %get3A_0 = arith.constant 0 : index
    %get3A_1 = vector.load %arg1[%get3A, %get3A_0] : memref<1024x64xf32, #tpu.memory_space<vmem>>, vector<1024x64xf32>
    %get3A_2 = arith.constant 0 : index
    %get3A_3 = arith.constant 0 : index
    %get3A_4 = vector.load %arg2[%get3A_2, %get3A_3] : memref<1024x64xf32, #tpu.memory_space<vmem>>, vector<1024x64xf32>
    %add3A = arith.addf %get3A_1, %get3A_4 : vector<1024x64xf32>
    %get3A_5 = arith.constant 0 : index
    %get3A_6 = arith.constant 0 : index
    %get3A_7 = vector.load %arg3[%get3A_5, %get3A_6] : memref<1024x64xf32, #tpu.memory_space<vmem>>, vector<1024x64xf32>
    %add3A_8 = arith.addf %add3A, %get3A_7 : vector<1024x64xf32>
    %get3A_9 = arith.constant 0 : index
    %get3A_10 = arith.constant 0 : index
    %get3A_11 = vector.load %arg4[%get3A_9, %get3A_10] : memref<1024x1xf32, #tpu.memory_space<vmem>>, vector<1024x1xf32>
    %mul3A = vector.broadcast %get3A_11 : vector<1024x1xf32> to vector<1024x64xf32>
    %mul3A_12 = arith.mulf %add3A_8, %mul3A : vector<1024x64xf32>
    %get3A_13 = arith.constant 0 : index
    %get3A_14 = arith.constant 0 : index
    %get3A_15 = vector.load %arg5[%get3A_13, %get3A_14] : memref<1x64xf32, #tpu.memory_space<vmem>>, vector<1x64xf32>
    %add3A_16 = vector.broadcast %get3A_15 : vector<1x64xf32> to vector<1024x64xf32>
    %add3A_17 = arith.addf %mul3A_12, %add3A_16 : vector<1024x64xf32>
    %reduce_max3A = arith.constant dense<0xFF800000> : vector<1024xf32>
    %reduce_max3A_18 = vector.multi_reduction <maximumf>, %add3A_17, %reduce_max3A [1] : vector<1024x64xf32> to vector<1024xf32>
    %broadcast_in_dim3A = vector.shape_cast %reduce_max3A_18 : vector<1024xf32> to vector<1024x1xf32>
    %sub3A = vector.broadcast %broadcast_in_dim3A : vector<1024x1xf32> to vector<1024x64xf32>
    %sub3A_19 = arith.subf %add3A_17, %sub3A : vector<1024x64xf32>
    %exp3A = math.exp %sub3A_19 : vector<1024x64xf32>
    %reduce_sum3A = arith.constant dense<0.000000e+00> : vector<1024xf32>
    %reduce_sum3A_20 = vector.multi_reduction <add>, %exp3A, %reduce_sum3A [1] : vector<1024x64xf32> to vector<1024xf32>
    %broadcast_in_dim3A_21 = vector.shape_cast %reduce_sum3A_20 : vector<1024xf32> to vector<1024x1xf32>
    %log3A = math.log %broadcast_in_dim3A_21 : vector<1024x1xf32>
    %sub3A_22 = vector.broadcast %broadcast_in_dim3A : vector<1024x1xf32> to vector<1024x64xf32>
    %sub3A_23 = arith.subf %add3A_17, %sub3A_22 : vector<1024x64xf32>
    %sub3A_24 = vector.broadcast %log3A : vector<1024x1xf32> to vector<1024x64xf32>
    %sub3A_25 = arith.subf %sub3A_23, %sub3A_24 : vector<1024x64xf32>
    %swap3A = arith.constant 0 : index
    %swap3A_26 = arith.constant 0 : index
    %swap3A_27 = vector.load %arg6[%swap3A, %swap3A_26] : memref<1024x64xf32, #tpu.memory_space<vmem>>, vector<1024x64xf32>
    tpu.vector_store %arg6[%swap3A, %swap3A_26], %sub3A_25 {strides = array<i32>} : memref<1024x64xf32, #tpu.memory_space<vmem>>, vector<1024x64xf32>,
    return
  }
  func.func @transform_0(%arg0: i32) -> (i32, i32) {
    %c0_i32 = arith.constant 0 : i32
    %c0_i32_0 = arith.constant 0 : i32
    return %arg0, %c0_i32 : i32, i32
  }
  func.func @transform_1(%arg0: i32) -> (i32, i32) {
    %c0_i32 = arith.constant 0 : i32
    %c0_i32_0 = arith.constant 0 : i32
    return %arg0, %c0_i32 : i32, i32
  }
  func.func @transform_2(%arg0: i32) -> (i32, i32) {
    %c0_i32 = arith.constant 0 : i32
    %c0_i32_0 = arith.constant 0 : i32
    return %arg0, %c0_i32 : i32, i32
  }
  func.func @transform_3(%arg0: i32) -> (i32, i32) {
    %c0_i32 = arith.constant 0 : i32
    %c0_i32_0 = arith.constant 0 : i32
    return %arg0, %c0_i32 : i32, i32
  }
  func.func @transform_4(%arg0: i32) -> (i32, i32) {
    %c0_i32 = arith.constant 0 : i32
    %c0_i32_0 = arith.constant 0 : i32
    %c0_i32_1 = arith.constant 0 : i32
    return %c0_i32, %c0_i32_0 : i32, i32
  }
  func.func @transform_5(%arg0: i32) -> (i32, i32) {
    %c0_i32 = arith.constant 0 : i32
    %c0_i32_0 = arith.constant 0 : i32
    return %arg0, %c0_i32 : i32, i32
  }
}

</mosaic_0001>

<sc_bundles>
// kernel: kernel.10.cloned.1.call-start
scs
__scs_entry_jumppad:
0x0: {  	(pc) =	sbr.rel $0x88, $3  }
0x1: {  	(tag) =	ssettag $0x0;
	lr =	simm.s32 $0x1  }
0x2: {  	[smem:$0x3F99] =	sst lr;
	_ =	strace $0xD0000000  }
0x3: {  	_ = 	snop  }
0x4: {  	_ = 	snop  }
0x5: {  	_ = 	snop  }
0x6: {  	_ = 	snop  }
0x7: {  	_ = 	snop  }
__scs_overlays_trampoline_lowered:
0x8: {  	[smem:$0x3FA8] =	sst s0  }
0x9: {  	[smem:$0x3FA9] =	sst s1  }
0xa: {  	[smem:$0x3FAA] =	sst s2  }
0xb: {  	[smem:$0x3FAB] =	sst s3  }
0xc: {  	[smem:$0x3FAC] =	sst s4  }
0xd: {  	[smem:$0x3FAD] =	sst s5  }
0xe: {  	[smem:$0x3FAE] =	sst s6  }
0xf: {  	[smem:$0x3FAF] =	sst s7  }
0x10: {  	[smem:$0x3FB0] =	sst s8  }
0x11: {  	[smem:$0x3FB1] =	sst s9;
	s0 =	simm.s32 @!p0 $0x0  }
0x12: {  	s1 =	sld [smem:$0x3F97];
	s0 =	simm.s32 @p0 $0x1  }
0x13: {  	[smem:$0x3FB2] =	sst s0;
	s0 =	simm.s32 @!p1 $0x0  }
0x14: {  	s2 =	sld [smem:$0x3F96];
	s0 =	simm.s32 @p1 $0x1  }
0x15: {  	[smem:$0x3FB3] =	sst s0;
	s0 =	simm.s32 @!p2 $0x0  }
0x16: {  	s3 =	sld [smem:$0x3FDB];
	s0 =	simm.s32 @p2 $0x1  }
0x17: {  	s4 =	simm.s32 $0x1BF5;
	[smem:$0x3FB5] =	sst s0  }
0x18: {  	s0 =	sld [smem:$0x3F98];
	_ =	swait.ge [sflag:s4], $0x0  }
0x19: {  	s7 =	sld [smem:$0x3F99]  }
0x1a: {  	s8 =	sadd.s32 $0xFFFFE003, lr  }
0x1b: {  	s9 =	sadd.s32 $0xFFFFFEF7, lr;
	s5 =	simm.s32 $0xFFFFFFFF;
	p2 =	slt.u32 s8, $0xFFFFF086  }
0x1c: {  	p1 =	slt.u32 s9, $0xF7A;
	s5 =	simm.s32 @!p2 $0x0  }
0x1d: {  	s5 =	simm.s32 @p1 $0x1;
	p0 =	seq.s32 s7, s2  }
0x1e: {  	s7 =	smul.u32 @!p0 $0xF7A, s2;
	p2 =	seq.s32 @!p0 s5, $0x0  }
0x1f: {  	s9 =	smul.u32 $0xF7A, s1;
	s8 =	simm.s32 @!p0 $0x1BF5;
	p2 =	por !p2, p0  }
0x20: {  	[sflag:s8] =	ssyncset.s32 @!p0 $0xFFFFF086;
	s6 =	sadd.s32 @!p0 s3, s7;
	s7 =	simm.s32 @!p0 $0x108  }
0x21: {  	s3 =	sadd.s32 s3, s9;
	s6 =	sadd.s32 @!p0 $0x88, s6;
	s7 =	simm.s32 @p2 $0x1082  }
0x22: {  	[simem:s7], [sflag:s8] =	dma.local @!p0 [hbm:s6], $0xF7A  }
0x23: {  	s9 =	sor.u32 $0xD0000000, s2;
	s6 =	simm.s32 $0x108;
	_ =	swait.ge @!p0 [sflag:s8], $0x0  }
0x24: {  	s3 =	sadd.s32 $0x88, s3;
	s6 =	simm.s32 @!p1 $0x1082;
	[sflag:s4] =	ssyncset.s32 $0xFFFFF086  }
0x25: {  	[simem:s6], [sflag:s4] =	dma.local [hbm:s3], $0xF7A  }
0x26: {  	[smem:$0x3F99] =	sst s1;
	(tag) =	ssettag s2;
	_ =	strace s9  }
0x27: {  	s1 =	sld [smem:$0x3FA9]  }
0x28: {  	s2 =	sld [smem:$0x3FAA]  }
0x29: {  	s4 =	sld [smem:$0x3FAC]  }
0x2a: {  	p0 =	seq.s32 s5, $0x0;
	s5 =	sld [smem:$0x3FAD]  }
0x2b: {  	s6 =	sld [smem:$0x3FAE]  }
0x2c: {  	s7 =	sld [smem:$0x3FAF]  }
0x2d: {  	s3 =	simm.s32 $0x108;
	s8 =	sld [smem:$0x3FB0]  }
0x2e: {  	s3 =	simm.s32 @!p0 $0x1082;
	s9 =	sld [smem:$0x3FB1]  }
0x2f: {  	lr =	sadd.s32 s0, s3;
	s0 =	sld [smem:$0x3FA8]  }
0x30: {  	s3 =	sld [smem:$0x3FAB]  }
0x31: {  	[smem:$0x3FB4] =	sst s10  }
0x32: {  	s10 =	sld [smem:$0x3FB2];
	_ =	sdelay $0x3  }
0x33: {  	p0 =	seq.s32 s10, $0x1;
	s10 =	sld [smem:$0x3FB4];
	_ =	sdelay $0x3  }
0x34: {  	[smem:$0x3FB4] =	sst s10  }
0x35: {  	s10 =	sld [smem:$0x3FB3];
	_ =	sdelay $0x3  }
0x36: {  	p1 =	seq.s32 s10, $0x1;
	s10 =	sld [smem:$0x3FB4];
	_ =	sdelay $0x3  }
0x37: {  	[smem:$0x3FB4] =	sst s10  }
0x38: {  	s10 =	sld [smem:$0x3FB5]  }
0x39: {  	_ = 	snop;
	(pc) =	sbr.ind lr, $3  }
0x3a: {  	_ = 	snop  }
0x3b: {  	_ = 	snop  }
0x3c: {  	p2 =	seq.s32 s10, $0x1;
	s10 =	sld [smem:$0x3FB4]  }
0x3d: {  	_ =	shalt  }
0x3e: {  	_ =	shalt  }
0x3f: {  	_ =	shalt  }
0x40: {  	_ =	shalt  }
0x41: {  	_ =	shalt  }
0x42: {  	_ =	shalt  }
0x43: {  	_ =	shalt  }
0x44: {  	_ =	shalt  }
0x45: {  	_ =	shalt  }
0x46: {  	_ =	shalt  }
0x47: {  	_ =	shalt  }
0x48: {  	_ =	shalt  }
0x49: {  	_ =	shalt  }
0x4a: {  	_ =	shalt  }
0x4b: {  	_ =	shalt  }
0x4c: {  	_ =	shalt  }
0x4d: {  	_ =	shalt  }
0x4e: {  	_ =	shalt  }
0x4f: {  	_ =	shalt  }
0x50: {  	_ =	shalt  }
0x51: {  	_ =	shalt  }
0x52: {  	_ =	shalt  }
0x53: {  	_ =	shalt  }
0x54: {  	_ =	shalt  }
0x55: {  	_ =	shalt  }
0x56: {  	_ =	shalt  }
0x57: {  	_ =	shalt  }
0x58: {  	_ =	shalt  }
0x59: {  	_ =	shalt  }
0x5a: {  	_ =	shalt  }
0x5b: {  	_ =	shalt  }
0x5c: {  	_ =	shalt  }
0x5d: {  	_ =	shalt  }
0x5e: {  	_ =	shalt  }
0x5f: {  	_ =	shalt  }
0x60: {  	_ =	shalt  }
0x61: {  	_ =	shalt  }
0x62: {  	_ =	shalt  }
0x63: {  	_ =	shalt  }
0x64: {  	_ =	shalt  }
0x65: {  	_ =	shalt  }
0x66: {  	_ =	shalt  }
0x67: {  	_ =	shalt  }
0x68: {  	_ =	shalt  }
0x69: {  	_ =	shalt  }
0x6a: {  	_ =	shalt  }
0x6b: {  	_ =	shalt  }
0x6c: {  	_ =	shalt  }
0x6d: {  	_ =	shalt  }
0x6e: {  	_ =	shalt  }
0x6f: {  	_ =	shalt  }
0x70: {  	_ =	shalt  }
0x71: {  	_ =	shalt  }
0x72: {  	_ =	shalt  }
0x73: {  	_ =	shalt  }
0x74: {  	_ =	shalt  }
0x75: {  	_ =	shalt  }
0x76: {  	_ =	shalt  }
0x77: {  	_ =	shalt  }
0x78: {  	_ =	shalt  }
0x79: {  	_ =	shalt  }
0x7a: {  	_ =	shalt  }
0x7b: {  	_ =	shalt  }
0x7c: {  	_ =	shalt  }
0x7d: {  	_ =	shalt  }
0x7e: {  	_ =	shalt  }
0x7f: {  	_ =	shalt  }
0x80: {  	_ =	shalt  }
0x81: {  	_ =	shalt  }
0x82: {  	_ =	shalt  }
0x83: {  	_ =	shalt  }
0x84: {  	_ =	shalt  }
0x85: {  	_ =	shalt  }
0x86: {  	_ =	shalt  }
0x87: {  	_ =	shalt  }
.Lfunc_end0:
.L_simem_size_0:
called_computation_lowered:
.L_overlay_start_0:
0x88: {  	s2 =	sld [smem:$0x3FD9]  }
0x89: {  	s3 =	sld [smem:$0x3FFE];
	_ =	sdelay $0x1  }
0x8a: {  	s1 =	srdreg.scid  }
0x8b: {  	s0 =	sand.u32 $0x1, s1  }
0x8c: {  	s16 =	sshll.u32 s0, $0xA;
	s2 =	sadd.s32 s3, s2  }
0x8d: {  	s2 =	sadd.s32 s2, s16  }
0x8e: {  	[smem:$0x3FC0] =	sst s2  }
0x8f: {  	_ = 	snop  }
0x90: {  	(tm) =	ssettm $0x1  }
0x91: {  	s17 =	sld [smem:$0x3FFB];
	_ =	sdelay $0x3  }
0x92: {  	_ =	strace s17  }
0x93: {  	s2 =	sld [smem:$0x3FFC];
	_ =	sdelay $0x3  }
0x94: {  	_ =	strace s2  }
0x95: {  	s2 =	sld [smem:$0x3FFD];
	_ =	sdelay $0x3  }
0x96: {  	_ =	strace s2  }
0x97: {  	_ =	strace $0x8FFFFFFF  }
0x98: {  	s18 =	sld [smem:$0x3FDB];
	_ =	sdelay $0x1  }
0x99: {  	s19 =	simm.s32 $_scs_section_size  }
0x9a: {  	s4 =	simm.s32 $_size__tile_overlayer_lowered;
	s5 =	simm.s32 $_tile_overlayer_lowered  }
0x9b: {  	s22 =	simm.s32 $0x1BFF;
	s21 =	sshll.u32 s5, $0x1;
	s2 =	sadd.s32 s19, s18  }
0x9c: {  	s6 =	simm.s32 $0x0;
	s20 =	sshll.u32 s4, $0x1;
	s4 =	sadd.s32 s21, s2  }
0x9d: {  	[timem:s6], [sflag:s22] =	dma.local [hbm:s4], s20  }
0x9e: {  	_ =	swait.ge [sflag:s22], s20  }
0x9f: {  	s3 =	ssub.s32 $0x0, s20;
	[sflag:s22] =	ssyncset.done $0x0  }
0xa0: {  	[sflag:s22] =	ssyncadd.s32 s3;
	_ =	sdelay $0x1  }
0xa1: {  	s23 =	simm.s32 $0x1B8B  }
0xa2: {  	_ =	swait.ge [sflag:s23], $0x1  }
0xa3: {  	[sflag:s23] =	ssyncset.done $0x0  }
0xa4: {  	s25 =	simm.s32 $0x1B8E;
	s24 =	sld [smem:$0x3FFE];
	[sflag:s23] =	ssyncadd.s32 $0xFFFFFFFF  }
0xa5: {  	s26 =	simm.s32 $execute0_lowered;
	[smem:$0x3FD2] =	sst s25  }
0xa6: {  	s4 =	sshll.u32 s26, $0x1;
	_ =	strace $0x80000046;
	[dreg:$0x1] =	wrdreg $0xFFFFFFFF  }
0xa7: {  	s28 =	simm.s32 $_size_execute0_lowered;
	s2 =	sadd.s32 s2, s4;
	[dreg:$0x0] =	wrdreg $0x0  }
0xa8: {  	s4 =	sshll.u32 s28, $0x1;
	[dreg:$0x2] =	wrdreg s2  }
0xa9: {  	[dreg:$0x3] =	wrdreg s4  }
0xaa: {  	[dreg:$0x4] =	wrdreg $0xC0  }
0xab: {  	_ =	task [dreg:s6], $0x5FFFF  }
0xac: {  	[dreg:$0x1] =	wrdreg $0xFFFFFFFF  }
0xad: {  	[dreg:$0x0] =	wrdreg $0x60  }
0xae: {  	[dreg:$0x2] =	wrdreg s24  }
0xaf: {  	[dreg:$0x3] =	wrdreg $0x28800  }
0xb0: {  	[dreg:$0x4] =	wrdreg $0x9  }
0xb1: {  	_ =	task.clear_ibuf [dreg:s6], $0x5FFFF;
	_ =	strace $0x90000046  }
0xb2: {  	s29 =	simm.s32 $0x9;
	_ =	strace $0x80000048  }
0xb3: {  	_ =	swait.ge [sflag:s29], $0x1  }
0xb4: {  	[sflag:s29] =	ssyncadd.s32 $0xFFFFFFFF  }
0xb5: {  	_ =	strace $0x90000048  }
0xb6: {  	_ =	sfence  }
0xb7: {  	s30 =	sld [smem:$0x0];
	_ =	sdelay $0x2  }
0xb8: {  	s31 =	sshll.u32 s1, $0xD;
	s1 =	sshrl.u32 s1, $0x2  }
0xb9: {  	s3 =	sand.u32 $0x4000, s31;
	s1 =	sadd.s32 s1, s30  }
0xba: {  	s0 =	sor.u32 s3, s0;
	s1 =	sshll.u32 s1, $0x11  }
0xbb: {  	s0 =	sor.u32 s1, s0  }
0xbc: {  	s0 =	sadd.s32 $0x8F2B, s0  }
0xbd: {  	[sflag:s0] =	ssyncadd.remote.s32 $0x1  }
0xbe: {  	_ =	sfence.sel $0xFFFF  }
0xbf: {  	[dreg:$0x0] =	wrdreg $0xFFFFFFFF;
	(pc) =	sbr.abs _section_cstart, $3  }
0xc0: {  	[dreg:$0x1] =	wrdreg $0xFFFFFFFF  }
0xc1: {  	_ =	task.clear_ibuf [dreg:s6], $0x2FFFF;
	_ =	strace $0x9FFFFFFF  }
0xc2: {  	(tm) =	ssettm $0x7FFFFFFF  }
0xc3: {  	_ =	shalt  }
tec
execute0_lowered:
.L_overlay_start_1:
0x0: {  	(tag) =	ssettag $0x1  }
0x1: {  	s0 =	srdreg.scid;
	s5 =	rddreg [dreg:$0x0]  }
0x2: {  	s2 =	rddreg [dreg:$0x1];
	s3 =	simm.s32 $0x0;
	s12 =	simm.s32 $0x2800  }
0x3: {  	s13 =	simm.s32 $0x20;
	s4 =	sand.u32 $0x1, s0;
	s0 =	stileid.u32  }
0x4: {  	s14 =	simm.s32 $0x10;
	s15 =	simm.s32 $0x0;
	s7 =	smul.u32 $0x500, s0  }
0x5: {  	[smem:$0x7FF] =	sst s3;
	s1 =	sshll.u32 s4, $0x4;
	s8 =	smul.u32 $0x280, s0  }
0x6: {  	s9 =	sshll.u32 s4, $0x7;
	s4 =	ssub.s32 $0x2, s4;
	s1 =	sor.u32 s0, s1  }
0x7: {  	s31 =	sshll.u32 s0, $0x6;
	s30 =	sshrl.u32 s4, $0x1;
	s6 =	smul.u32 $0x500, s1  }
0x8: {  	s1 =	rddreg [dreg:$0x2];
	_ =	strace $0x80000047;
	s7 =	sor.u32 s9, s7  }
0x9: {  	s29 =	sshrl.u32 s8, $0x3;
	s10 =	ssub.s32 s4, s30;
	s11 =	sadd.s32 s8, s2  }
0xa: {  	s7 =	sshrl.u32 s7, $0x3;
	s9 =	sadd.s32 s29, s5;
	s8 =	smax.u32 s10, $0x1  }
0xb: {  	s10 =	simm.s32 $0x1;
	s6 =	sadd.s32 s6, s5;
	s7 =	sadd.s32 s7, s5  }
0xc: {  	s4 =	sadd.s32 $0xE800, s9;
	s5 =	sor.u32 $0x1C01, s31;
	s9 =	sshrl.u32 s11, $0x3  }
0xd: {  	v0 =	vimm.f32 $1.000000000e+00;
	s11 =	simm.s32 $0x80;
	s6 =	sadd.s32 $0x4800, s6;
	s7 =	sadd.s32 $0xEE00, s7  }
.LBB2_1:
0xe: {  	[spmem:s9], [sflag:s5] =	dma.local [hbm:s4], $0x50  }
0xf: {  	_ =	swait.ge [sflag:s10], $0x50  }
0x10: {  	[sflag:s10] =	ssyncset.done $0x0  }
0x11: {  	[sflag:s10] =	ssyncadd.s32 $0xFFFFFFB0  }
0x12: {  	[tilespmem:$0x2800] =	vst v0  }
0x13: {  	[tilespmem:$0x2810] =	vst v0  }
0x14: {  	[tilespmem:$0x2820] =	vst v0  }
0x15: {  	[tilespmem:$0x2830] =	vst v0  }
0x16: {  	[tilespmem:$0x2840] =	vst v0  }
0x17: {  	[tilespmem:$0x2850] =	vst v0  }
0x18: {  	[tilespmem:$0x2860] =	vst v0  }
0x19: {  	[tilespmem:$0x2870] =	vst v0  }
0x1a: {  	[tilespmem:s3], [sflag:$0x1] =	stream.linear.gather [hbm4b:s6+s3], $0x2800, $0x38;
	[tilespmem:$0x2B00] =	vst v63  }
0x1b: {  	_ =	swait.ge [sflag:s10], $0x2800  }
0x1c: {  	[sflag:s10] =	ssyncset.done $0x0  }
0x1d: {  	[sflag:s10] =	ssyncadd.s32 $0xFFFFD800  }
0x1e: {  	s16 =	simm.s32 $0x0;
	[bflag:$0x0] =	sbarrier.arrive $0xFFFF  }
0x1f: {  	[spmem:s2] =	stream.indirect.scatter.add.f32 [tilespmem:s12], [sflag:$0x1], $0x1, s16, s11, $0xb8;
	[tilespmem:$0x2B00] =	vst v63  }
0x20: {  	_ =	swait.ge [sflag:s10], $0x80  }
0x21: {  	s16 =	simm.s32 $0x200;
	[sflag:s10] =	ssyncset.done $0x0  }
.LBB2_2:
0x22: {  	s17 =	sshra.s32 s16, $0x2;
	[sflag:s10] =	ssyncadd.s32 $0xFFFFFF80;
	p0 =	sne.s32 s16, $0x9E00  }
0x23: {  	[spmem:s2] =	stream.indirect.scatter.add.f32 [tilespmem:s12], [sflag:$0x1], $0x1, s17, s11, $0xb8;
	[tilespmem:$0x2B00] =	vst v63  }
.Ltmp0:
0x24: {  	_ = 	snop;
	(pc) =	sbr.rel @p0 .LBB2_2-.Ltmp0, $4  }
0x25: {  	_ = 	snop  }
0x26: {  	s16 =	sadd.s32 $0x200, s16  }
0x27: {  	_ =	swait.ge [sflag:s10], $0x80  }
0x28: {  	[sflag:s10] =	ssyncset.done $0x0  }
0x29: {  	s15 =	sadd.s32 $0x1, s15  }
0x2a: {  	[sflag:s10] =	ssyncadd.s32 $0xFFFFFF80;
	p0 =	sne.s32 s15, s8  }
.Ltmp1:
0x2b: {  	[bflag:$0x0] =	sbarrier.arrive $0xFFFF;
	(pc) =	sbr.rel @p0 .LBB2_1-.Ltmp1, $4  }
0x2c: {  	[hbm:s7@s13], [sflag:s5] =	dma.strided [spmem:s9@s14], $0x50, s10, $0x10   }
0x2d: {  	_ =	swait.ge [sflag:s10], $0x50  }
0x2e: {  	[sflag:s10] =	ssyncset.done $0x0  }
0x2f: {  	[sflag:s10] =	ssyncadd.s32 $0xFFFFFFB0  }
0x30: {  	_ =	sfence.sel $0x180000  }
0x31: {  	[bflag:$0x0] =	sbarrier.arrive $0xFFFF  }
0x32: {  	p0 =	sne.s32 s0, $0x0;
	_ =	strace $0x90000047  }
0x33: {  	s0 =	sadd.s32 @!p0 $0x100000, s1;
	[bflag:$0x2] =	sbarrier.arrive $0xFFFF  }
0x34: {  	[sflag:s0] =	ssyncadd.tile.s32 @!p0 $0x1;
	_ =	shalt  }
.Lfunc_end2:
_tile_overlayer_lowered:
.L_overlay_start_2:
0x35: {  	(tag) =	ssettag $0x2  }
0x36: {  	s0 =	rddreg [dreg:$0x0];
	s2 =	stileid.u32  }
0x37: {  	s1 =	rddreg [dreg:$0x1];
	p0 =	sne.s32 s2, $0x0  }
0x38: {  	s3 =	rddreg [dreg:$0x2];
	[bflag:$0x3] =	sbarrier.arrive $0xFFFF;
	s2 =	simm.s32 @!p0 $0x1C01  }
0x39: {  	[timem:s3], [sflag:s2] =	dma.local @!p0 [hbm:s0], s1  }
0x3a: {  	s0 =	simm.s32 @!p0 $0x1  }
0x3b: {  	_ =	swait.ge @!p0 [sflag:s0], s1  }
0x3c: {  	s1 =	ssub.s32 @!p0 $0x0, s1;
	[sflag:s0] =	ssyncset.done @!p0 $0x0  }
0x3d: {  	[sflag:s0] =	ssyncadd.s32 @!p0 s1  }
0x3e: {  	[bflag:$0x3] =	sbarrier.arrive $0xFFFF  }
0x3f: {  	_ =	shalt  }

// kernel: kernel.13.cloned.1.call-start
scs
__scs_entry_jumppad:
0x0: {  	(pc) =	sbr.rel $0x88, $3  }
0x1: {  	(tag) =	ssettag $0x0;
	lr =	simm.s32 $0x1  }
0x2: {  	[smem:$0x3F99] =	sst lr;
	_ =	strace $0xD0000000  }
0x3: {  	_ = 	snop  }
0x4: {  	_ = 	snop  }
0x5: {  	_ = 	snop  }
0x6: {  	_ = 	snop  }
0x7: {  	_ = 	snop  }
__scs_overlays_trampoline_lowered:
0x8: {  	[smem:$0x3FA8] =	sst s0  }
0x9: {  	[smem:$0x3FA9] =	sst s1  }
0xa: {  	[smem:$0x3FAA] =	sst s2  }
0xb: {  	[smem:$0x3FAB] =	sst s3  }
0xc: {  	[smem:$0x3FAC] =	sst s4  }
0xd: {  	[smem:$0x3FAD] =	sst s5  }
0xe: {  	[smem:$0x3FAE] =	sst s6  }
0xf: {  	[smem:$0x3FAF] =	sst s7  }
0x10: {  	[smem:$0x3FB0] =	sst s8  }
0x11: {  	[smem:$0x3FB1] =	sst s9;
	s0 =	simm.s32 @!p0 $0x0  }
0x12: {  	s1 =	sld [smem:$0x3F97];
	s0 =	simm.s32 @p0 $0x1  }
0x13: {  	[smem:$0x3FB2] =	sst s0;
	s0 =	simm.s32 @!p1 $0x0  }
0x14: {  	s2 =	sld [smem:$0x3F96];
	s0 =	simm.s32 @p1 $0x1  }
0x15: {  	[smem:$0x3FB3] =	sst s0;
	s0 =	simm.s32 @!p2 $0x0  }
0x16: {  	s3 =	sld [smem:$0x3FDB];
	s0 =	simm.s32 @p2 $0x1  }
0x17: {  	s4 =	simm.s32 $0x1BF5;
	[smem:$0x3FB5] =	sst s0  }
0x18: {  	s0 =	sld [smem:$0x3F98];
	_ =	swait.ge [sflag:s4], $0x0  }
0x19: {  	s7 =	sld [smem:$0x3F99]  }
0x1a: {  	s8 =	sadd.s32 $0xFFFFE003, lr  }
0x1b: {  	s9 =	sadd.s32 $0xFFFFFEF7, lr;
	s5 =	simm.s32 $0xFFFFFFFF;
	p2 =	slt.u32 s8, $0xFFFFF086  }
0x1c: {  	p1 =	slt.u32 s9, $0xF7A;
	s5 =	simm.s32 @!p2 $0x0  }
0x1d: {  	s5 =	simm.s32 @p1 $0x1;
	p0 =	seq.s32 s7, s2  }
0x1e: {  	s7 =	smul.u32 @!p0 $0xF7A, s2;
	p2 =	seq.s32 @!p0 s5, $0x0  }
0x1f: {  	s9 =	smul.u32 $0xF7A, s1;
	s8 =	simm.s32 @!p0 $0x1BF5;
	p2 =	por !p2, p0  }
0x20: {  	[sflag:s8] =	ssyncset.s32 @!p0 $0xFFFFF086;
	s6 =	sadd.s32 @!p0 s3, s7;
	s7 =	simm.s32 @!p0 $0x108  }
0x21: {  	s3 =	sadd.s32 s3, s9;
	s6 =	sadd.s32 @!p0 $0x88, s6;
	s7 =	simm.s32 @p2 $0x1082  }
0x22: {  	[simem:s7], [sflag:s8] =	dma.local @!p0 [hbm:s6], $0xF7A  }
0x23: {  	s9 =	sor.u32 $0xD0000000, s2;
	s6 =	simm.s32 $0x108;
	_ =	swait.ge @!p0 [sflag:s8], $0x0  }
0x24: {  	s3 =	sadd.s32 $0x88, s3;
	s6 =	simm.s32 @!p1 $0x1082;
	[sflag:s4] =	ssyncset.s32 $0xFFFFF086  }
0x25: {  	[simem:s6], [sflag:s4] =	dma.local [hbm:s3], $0xF7A  }
0x26: {  	[smem:$0x3F99] =	sst s1;
	(tag) =	ssettag s2;
	_ =	strace s9  }
0x27: {  	s1 =	sld [smem:$0x3FA9]  }
0x28: {  	s2 =	sld [smem:$0x3FAA]  }
0x29: {  	s4 =	sld [smem:$0x3FAC]  }
0x2a: {  	p0 =	seq.s32 s5, $0x0;
	s5 =	sld [smem:$0x3FAD]  }
0x2b: {  	s6 =	sld [smem:$0x3FAE]  }
0x2c: {  	s7 =	sld [smem:$0x3FAF]  }
0x2d: {  	s3 =	simm.s32 $0x108;
	s8 =	sld [smem:$0x3FB0]  }
0x2e: {  	s3 =	simm.s32 @!p0 $0x1082;
	s9 =	sld [smem:$0x3FB1]  }
0x2f: {  	lr =	sadd.s32 s0, s3;
	s0 =	sld [smem:$0x3FA8]  }
0x30: {  	s3 =	sld [smem:$0x3FAB]  }
0x31: {  	[smem:$0x3FB4] =	sst s10  }
0x32: {  	s10 =	sld [smem:$0x3FB2];
	_ =	sdelay $0x3  }
0x33: {  	p0 =	seq.s32 s10, $0x1;
	s10 =	sld [smem:$0x3FB4];
	_ =	sdelay $0x3  }
0x34: {  	[smem:$0x3FB4] =	sst s10  }
0x35: {  	s10 =	sld [smem:$0x3FB3];
	_ =	sdelay $0x3  }
0x36: {  	p1 =	seq.s32 s10, $0x1;
	s10 =	sld [smem:$0x3FB4];
	_ =	sdelay $0x3  }
0x37: {  	[smem:$0x3FB4] =	sst s10  }
0x38: {  	s10 =	sld [smem:$0x3FB5]  }
0x39: {  	_ = 	snop;
	(pc) =	sbr.ind lr, $3  }
0x3a: {  	_ = 	snop  }
0x3b: {  	_ = 	snop  }
0x3c: {  	p2 =	seq.s32 s10, $0x1;
	s10 =	sld [smem:$0x3FB4]  }
0x3d: {  	_ =	shalt  }
0x3e: {  	_ =	shalt  }
0x3f: {  	_ =	shalt  }
0x40: {  	_ =	shalt  }
0x41: {  	_ =	shalt  }
0x42: {  	_ =	shalt  }
0x43: {  	_ =	shalt  }
0x44: {  	_ =	shalt  }
0x45: {  	_ =	shalt  }
0x46: {  	_ =	shalt  }
0x47: {  	_ =	shalt  }
0x48: {  	_ =	shalt  }
0x49: {  	_ =	shalt  }
0x4a: {  	_ =	shalt  }
0x4b: {  	_ =	shalt  }
0x4c: {  	_ =	shalt  }
0x4d: {  	_ =	shalt  }
0x4e: {  	_ =	shalt  }
0x4f: {  	_ =	shalt  }
0x50: {  	_ =	shalt  }
0x51: {  	_ =	shalt  }
0x52: {  	_ =	shalt  }
0x53: {  	_ =	shalt  }
0x54: {  	_ =	shalt  }
0x55: {  	_ =	shalt  }
0x56: {  	_ =	shalt  }
0x57: {  	_ =	shalt  }
0x58: {  	_ =	shalt  }
0x59: {  	_ =	shalt  }
0x5a: {  	_ =	shalt  }
0x5b: {  	_ =	shalt  }
0x5c: {  	_ =	shalt  }
0x5d: {  	_ =	shalt  }
0x5e: {  	_ =	shalt  }
0x5f: {  	_ =	shalt  }
0x60: {  	_ =	shalt  }
0x61: {  	_ =	shalt  }
0x62: {  	_ =	shalt  }
0x63: {  	_ =	shalt  }
0x64: {  	_ =	shalt  }
0x65: {  	_ =	shalt  }
0x66: {  	_ =	shalt  }
0x67: {  	_ =	shalt  }
0x68: {  	_ =	shalt  }
0x69: {  	_ =	shalt  }
0x6a: {  	_ =	shalt  }
0x6b: {  	_ =	shalt  }
0x6c: {  	_ =	shalt  }
0x6d: {  	_ =	shalt  }
0x6e: {  	_ =	shalt  }
0x6f: {  	_ =	shalt  }
0x70: {  	_ =	shalt  }
0x71: {  	_ =	shalt  }
0x72: {  	_ =	shalt  }
0x73: {  	_ =	shalt  }
0x74: {  	_ =	shalt  }
0x75: {  	_ =	shalt  }
0x76: {  	_ =	shalt  }
0x77: {  	_ =	shalt  }
0x78: {  	_ =	shalt  }
0x79: {  	_ =	shalt  }
0x7a: {  	_ =	shalt  }
0x7b: {  	_ =	shalt  }
0x7c: {  	_ =	shalt  }
0x7d: {  	_ =	shalt  }
0x7e: {  	_ =	shalt  }
0x7f: {  	_ =	shalt  }
0x80: {  	_ =	shalt  }
0x81: {  	_ =	shalt  }
0x82: {  	_ =	shalt  }
0x83: {  	_ =	shalt  }
0x84: {  	_ =	shalt  }
0x85: {  	_ =	shalt  }
0x86: {  	_ =	shalt  }
0x87: {  	_ =	shalt  }
.Lfunc_end0:
.L_simem_size_0:
called_computation.1_lowered:
.L_overlay_start_0:
0x88: {  	s2 =	sld [smem:$0x3FD9]  }
0x89: {  	s3 =	sld [smem:$0x3FFE];
	_ =	sdelay $0x1  }
0x8a: {  	s1 =	srdreg.scid  }
0x8b: {  	s0 =	sand.u32 $0x1, s1  }
0x8c: {  	s17 =	sshll.u32 s0, $0xA;
	s2 =	sadd.s32 s3, s2  }
0x8d: {  	s2 =	sadd.s32 s2, s17  }
0x8e: {  	[smem:$0x3FC0] =	sst s2  }
0x8f: {  	_ = 	snop  }
0x90: {  	s2 =	sld [smem:$0x3FD0];
	(tm) =	ssettm $0x1  }
0x91: {  	s18 =	sld [smem:$0x3FFB];
	_ =	sdelay $0x3  }
0x92: {  	_ =	strace s18  }
0x93: {  	s3 =	sld [smem:$0x3FFC];
	_ =	sdelay $0x3  }
0x94: {  	_ =	strace s3  }
0x95: {  	s3 =	sld [smem:$0x3FFD];
	_ =	sdelay $0x3  }
0x96: {  	_ =	strace s3  }
0x97: {  	_ =	strace $0x8FFFFFFF  }
0x98: {  	s19 =	sld [smem:$0x3FDB];
	_ =	sdelay $0x1  }
0x99: {  	s4 =	simm.s32 $_scs_section_size  }
0x9a: {  	s5 =	simm.s32 $_size__tile_overlayer_lowered;
	s6 =	simm.s32 $_tile_overlayer_lowered  }
0x9b: {  	s22 =	simm.s32 $0x1BFF;
	s21 =	sshll.u32 s6, $0x1;
	s3 =	sadd.s32 s4, s19  }
0x9c: {  	s7 =	simm.s32 $0x0;
	s20 =	sshll.u32 s5, $0x1;
	s5 =	sadd.s32 s21, s3  }
0x9d: {  	[timem:s7], [sflag:s22] =	dma.local [hbm:s5], s20  }
0x9e: {  	_ =	swait.ge [sflag:s22], s20  }
0x9f: {  	s4 =	ssub.s32 $0x0, s20;
	[sflag:s22] =	ssyncset.done $0x0  }
0xa0: {  	[sflag:s22] =	ssyncadd.s32 s4;
	_ =	sdelay $0x1  }
0xa1: {  	s23 =	simm.s32 $0x1B8B  }
0xa2: {  	_ =	swait.ge [sflag:s23], $0x1  }
0xa3: {  	[sflag:s23] =	ssyncset.done $0x0  }
0xa4: {  	s25 =	simm.s32 $0x1B8E;
	s24 =	sld [smem:$0x3FFE];
	[sflag:s23] =	ssyncadd.s32 $0xFFFFFFFF  }
0xa5: {  	s26 =	simm.s32 $execute0_lowered;
	[smem:$0x3FD2] =	sst s25  }
0xa6: {  	s5 =	sshll.u32 s26, $0x1;
	_ =	strace $0x80000049;
	[dreg:$0x1] =	wrdreg $0xFFFFFFFF  }
0xa7: {  	s28 =	simm.s32 $_size_execute0_lowered;
	s3 =	sadd.s32 s3, s5;
	[dreg:$0x0] =	wrdreg $0x0  }
0xa8: {  	s5 =	sshll.u32 s28, $0x1;
	[dreg:$0x2] =	wrdreg s3  }
0xa9: {  	[dreg:$0x3] =	wrdreg s5  }
0xaa: {  	[dreg:$0x4] =	wrdreg $0xC0  }
0xab: {  	_ =	task [dreg:s7], $0x5FFFF  }
0xac: {  	[dreg:$0x1] =	wrdreg $0xFFFFFFFF  }
0xad: {  	[dreg:$0x0] =	wrdreg $0x60  }
0xae: {  	[dreg:$0x2] =	wrdreg s2  }
0xaf: {  	[dreg:$0x3] =	wrdreg s24  }
0xb0: {  	[dreg:$0x4] =	wrdreg $0x89000  }
0xb1: {  	[dreg:$0x5] =	wrdreg $0x9  }
0xb2: {  	_ =	task.clear_ibuf [dreg:s7], $0x6FFFF;
	_ =	strace $0x90000049  }
0xb3: {  	s29 =	simm.s32 $0x9;
	_ =	strace $0x8000004B  }
0xb4: {  	_ =	swait.ge [sflag:s29], $0x1  }
0xb5: {  	[sflag:s29] =	ssyncadd.s32 $0xFFFFFFFF  }
0xb6: {  	_ =	strace $0x9000004B  }
0xb7: {  	_ =	sfence  }
0xb8: {  	s30 =	sld [smem:$0x0];
	_ =	sdelay $0x2  }
0xb9: {  	s31 =	sshll.u32 s1, $0xD;
	s1 =	sshrl.u32 s1, $0x2  }
0xba: {  	s3 =	sand.u32 $0x4000, s31;
	s1 =	sadd.s32 s1, s30  }
0xbb: {  	s0 =	sor.u32 s3, s0;
	s1 =	sshll.u32 s1, $0x11  }
0xbc: {  	s0 =	sor.u32 s1, s0  }
0xbd: {  	s0 =	sadd.s32 $0x8F2B, s0  }
0xbe: {  	[sflag:s0] =	ssyncadd.remote.s32 $0x1  }
0xbf: {  	_ =	sfence.sel $0xFFFF  }
0xc0: {  	[dreg:$0x0] =	wrdreg $0xFFFFFFFF;
	(pc) =	sbr.abs _section_cstart, $3  }
0xc1: {  	[dreg:$0x1] =	wrdreg $0xFFFFFFFF  }
0xc2: {  	_ =	task.clear_ibuf [dreg:s7], $0x2FFFF;
	_ =	strace $0x9FFFFFFF  }
0xc3: {  	(tm) =	ssettm $0x7FFFFFFF  }
tec
execute0_lowered:
.L_overlay_start_1:
0x0: {  	(tag) =	ssettag $0x1  }
0x1: {  	s10 =	rddreg [dreg:$0x0]  }
0x2: {  	s5 =	rddreg [dreg:$0x1]  }
0x3: {  	s2 =	rddreg [dreg:$0x2]  }
0x4: {  	s0 =	rddreg [dreg:$0x3]  }
0x5: {  	s3 =	simm.s32 $0x0;
	s1 =	stileid.u32;
	s6 =	srdreg.scid  }
0x6: {  	s17 =	simm.s32 $0x4800;
	s18 =	simm.s32 $0x4880;
	s21 =	simm.s32 $0x0  }
0x7: {  	[smem:$0x7FF] =	sst s3;
	s7 =	smul.u32 $0x50000, s1;
	s4 =	sadd.s32 $0x4800, s5  }
0x8: {  	s12 =	sadd.s32 $0x54800, s5;
	s11 =	sand.u32 $0x1, s6;
	s13 =	sadd.s32 $0x7C800, s5  }
0x9: {  	s16 =	smul.u32 $0x2800, s1;
	s19 =	sshll.u32 s1, $0x6;
	_ =	strace $0x8000004A  }
0xa: {  	s6 =	ssub.s32 $0x2, s11;
	s8 =	sshll.u32 s11, $0x4;
	p0 =	seq.s32 s11, $0x0  }
0xb: {  	s11 =	simm.s32 $0x8C;
	s19 =	sor.u32 $0x1C01, s19;
	s30 =	sshrl.u32 s7, $0x2  }
0xc: {  	s31 =	sshrl.u32 s6, $0x1;
	s9 =	sor.u32 s1, s8;
	s13 =	smov.u32 @p0 s12  }
0xd: {  	s11 =	simm.s32 @!p0 $0x14;
	s5 =	sadd.s32 s30, s2;
	s14 =	ssub.s32 s6, s31  }
0xe: {  	s15 =	smul.u32 $0x900, s9;
	s13 =	sadd.s32 s13, s16;
	s16 =	simm.s32 $0x80  }
0xf: {  	s6 =	sadd.s32 $0x4000, s5;
	s7 =	sadd.s32 $0x8000, s5;
	s8 =	sadd.s32 $0xC000, s5  }
0x10: {  	s9 =	sadd.s32 $0x10000, s5;
	s12 =	smax.u32 s14, $0x1;
	s14 =	simm.s32 $0x4900  }
0x11: {  	v0 =	vimm.f32 $0.0e+00;
	s20 =	sshrl.u32 s5, $0x3;
	s10 =	sadd.s32 s10, s15;
	s15 =	simm.s32 $0x1  }
.LBB2_1:
0x12: {  	s22 =	simm.s32 $0x0;
	s23 =	simm.s32 $0x200  }
.LBB2_2:
0x13: {  	p0 =	sne.s32 s23, $0xFE00;
	[tilespmem:s22+$0x4970] =	vst v0  }
0x14: {  	[tilespmem:s22+$0x4900] =	vst v0  }
0x15: {  	[tilespmem:s22+$0x4910] =	vst v0  }
.Ltmp0:
0x16: {  	[tilespmem:s22+$0x4920] =	vst v0;
	(pc) =	sbr.rel @p0 .LBB2_2-.Ltmp0, $4  }
0x17: {  	[tilespmem:s22+$0x4930] =	vst v0  }
0x18: {  	[tilespmem:s22+$0x4940] =	vst v0  }
0x19: {  	[tilespmem:s22+$0x4950] =	vst v0  }
0x1a: {  	[tilespmem:s22+$0x4960] =	vst v0;
	s22 =	sshra.s32 s23, $0x2;
	s23 =	sadd.s32 $0x200, s23  }
0x1b: {  	[tilespmem:s22+$0x4970] =	vst v0  }
0x1c: {  	[tilespmem:s22+$0x4900] =	vst v0  }
0x1d: {  	[tilespmem:s22+$0x4910] =	vst v0  }
0x1e: {  	[tilespmem:s22+$0x4920] =	vst v0  }
0x1f: {  	[tilespmem:s22+$0x4930] =	vst v0  }
0x20: {  	[tilespmem:s22+$0x4940] =	vst v0  }
0x21: {  	[tilespmem:s22+$0x4950] =	vst v0  }
0x22: {  	[tilespmem:s22+$0x4960] =	vst v0  }
0x23: {  	[spmem:s5] =	stream.linear.scatter [tilespmem:s14], [sflag:$0x1], $0x4000, $0x38;
	[tilespmem:$0x1C900] =	vst v63  }
0x24: {  	_ =	swait.ge [sflag:s15], $0x4000  }
0x25: {  	[sflag:s15] =	ssyncset.done $0x0  }
0x26: {  	[sflag:s15] =	ssyncadd.s32 $0xFFFFC000  }
0x27: {  	[spmem:s6] =	stream.linear.scatter [tilespmem:s14], [sflag:$0x1], $0x4000, $0x38;
	[tilespmem:$0x1C900] =	vst v63  }
0x28: {  	_ =	swait.ge [sflag:s15], $0x4000  }
0x29: {  	[sflag:s15] =	ssyncset.done $0x0  }
0x2a: {  	[sflag:s15] =	ssyncadd.s32 $0xFFFFC000  }
0x2b: {  	[spmem:s7] =	stream.linear.scatter [tilespmem:s14], [sflag:$0x1], $0x4000, $0x38;
	[tilespmem:$0x1C900] =	vst v63  }
0x2c: {  	_ =	swait.ge [sflag:s15], $0x4000  }
0x2d: {  	[sflag:s15] =	ssyncset.done $0x0  }
0x2e: {  	[sflag:s15] =	ssyncadd.s32 $0xFFFFC000  }
0x2f: {  	[spmem:s8] =	stream.linear.scatter [tilespmem:s14], [sflag:$0x1], $0x4000, $0x38;
	[tilespmem:$0x1C900] =	vst v63  }
0x30: {  	_ =	swait.ge [sflag:s15], $0x4000  }
0x31: {  	[sflag:s15] =	ssyncset.done $0x0  }
0x32: {  	[sflag:s15] =	ssyncadd.s32 $0xFFFFC000  }
0x33: {  	[spmem:s9] =	stream.linear.scatter [tilespmem:s14], [sflag:$0x1], $0x4000, $0x38;
	[tilespmem:$0x1C900] =	vst v63  }
0x34: {  	_ =	swait.ge [sflag:s15], $0x4000  }
0x35: {  	[sflag:s15] =	ssyncset.done $0x0  }
0x36: {  	[sflag:s15] =	ssyncadd.s32 $0xFFFFC000  }
0x37: {  	[tilespmem:s3], [sflag:$0x1] =	stream.linear.gather [hbm4b:s10+s3], $0x4600, $0x38;
	[tilespmem:$0x1C900] =	vst v63  }
0x38: {  	_ =	swait.ge [sflag:s15], $0x4600  }
0x39: {  	[sflag:s15] =	ssyncset.done $0x0  }
0x3a: {  	[sflag:s15] =	ssyncadd.s32 $0xFFFFBA00  }
0x3b: {  	s22 =	simm.s32 $0x40;
	[bflag:$0x0] =	sbarrier.arrive $0xFFFF  }
0x3c: {  	v1 =	vld [tilespmem:s22+$0xFFFFFFC0];
	_ =	sdelay $0x4  }
0x3d: {  	v2 =	vand.u32 $0x3FFF, v1  }
0x3e: {  	v1 =	vshra.s32 v1, $0xE;
	[tilespmem:$0x4800] =	vst v2  }
0x3f: {  	[tilespmem:$0x4880] =	vst v1  }
0x40: {  	v1 =	vld [tilespmem:s22+$0xFFFFFFD0];
	_ =	sdelay $0x4  }
0x41: {  	v2 =	vand.u32 $0x3FFF, v1  }
0x42: {  	v1 =	vshra.s32 v1, $0xE;
	[tilespmem:$0x4810] =	vst v2  }
0x43: {  	[tilespmem:$0x4890] =	vst v1  }
0x44: {  	v1 =	vld [tilespmem:s22+$0xFFFFFFE0];
	_ =	sdelay $0x4  }
0x45: {  	v2 =	vand.u32 $0x3FFF, v1  }
0x46: {  	v1 =	vshra.s32 v1, $0xE;
	[tilespmem:$0x4820] =	vst v2  }
0x47: {  	[tilespmem:$0x48A0] =	vst v1  }
0x48: {  	v1 =	vld [tilespmem:s22+$0xFFFFFFF0];
	_ =	sdelay $0x4  }
0x49: {  	v2 =	vand.u32 $0x3FFF, v1  }
0x4a: {  	v1 =	vshra.s32 v1, $0xE;
	[tilespmem:$0x4830] =	vst v2  }
0x4b: {  	[tilespmem:$0x48B0] =	vst v1  }
0x4c: {  	v1 =	vld [tilespmem:s22+$0x0];
	_ =	sdelay $0x4  }
0x4d: {  	v2 =	vand.u32 $0x3FFF, v1  }
0x4e: {  	v1 =	vshra.s32 v1, $0xE;
	[tilespmem:$0x4840] =	vst v2  }
0x4f: {  	[tilespmem:$0x48C0] =	vst v1  }
0x50: {  	v1 =	vld [tilespmem:s22+$0x10];
	_ =	sdelay $0x4  }
0x51: {  	v2 =	vand.u32 $0x3FFF, v1  }
0x52: {  	v1 =	vshra.s32 v1, $0xE;
	[tilespmem:$0x4850] =	vst v2  }
0x53: {  	[tilespmem:$0x48D0] =	vst v1  }
0x54: {  	v1 =	vld [tilespmem:s22+$0x20];
	_ =	sdelay $0x4  }
0x55: {  	v2 =	vand.u32 $0x3FFF, v1  }
0x56: {  	v1 =	vshra.s32 v1, $0xE;
	[tilespmem:$0x4860] =	vst v2  }
0x57: {  	[tilespmem:$0x48E0] =	vst v1  }
0x58: {  	v1 =	vld [tilespmem:s22+$0x30]  }
0x59: {  	p0 =	sne.s32 s11, $0x1  }
.Ltmp1:
0x5a: {  	_ = 	snop;
	(pc) =	sbr.rel @!p0 .LBB2_5-.Ltmp1, $3  }
0x5b: {  	_ =	sdelay $0x1  }
0x5c: {  	v2 =	vand.u32 $0x3FFF, v1  }
0x5d: {  	s23 =	sadd.s32 $0xFFFFFFFF, s11;
	v1 =	vshra.s32 v1, $0xE;
	[tilespmem:$0x4870] =	vst v2  }
.LBB2_4:
0x5e: {  	p0 =	sne.s32 s23, $0x1;
	s23 =	sadd.s32 $0xFFFFFFFF, s23;
	[tilespmem:$0x48F0] =	vst v1;
	s22 =	sadd.s32 $0x80, s22  }
0x5f: {  	[tilespmem:s14], [sflag:$0x1] =	stream.indirect.gather [hbm4b:s4+s16], $0x80, s17, s16, $0xb8;
	[tilespmem:$0x1C900] =	vst v63  }
0x60: {  	_ =	swait.ge [sflag:s15], $0x4000  }
0x61: {  	[sflag:s15] =	ssyncset.done $0x0  }
0x62: {  	[sflag:s15] =	ssyncadd.s32 $0xFFFFC000  }
0x63: {  	[spmem:s2] =	stream.indirect.scatter.add.f32 [tilespmem:s14], [sflag:$0x1], $0x80, s18, s16, $0xb8;
	[tilespmem:$0x1C900] =	vst v63  }
0x64: {  	_ =	swait.ge [sflag:s15], $0x4000  }
0x65: {  	[sflag:s15] =	ssyncset.done $0x0  }
0x66: {  	[sflag:s15] =	ssyncadd.s32 $0xFFFFC000  }
0x67: {  	v1 =	vld [tilespmem:s22+$0xFFFFFFC0];
	_ =	sdelay $0x4  }
0x68: {  	v2 =	vand.u32 $0x3FFF, v1;
	v1 =	vshra.s32 v1, $0xE  }
0x69: {  	[tilespmem:$0x4800] =	vst v2  }
0x6a: {  	[tilespmem:$0x4880] =	vst v1  }
0x6b: {  	v1 =	vld [tilespmem:s22+$0xFFFFFFD0];
	_ =	sdelay $0x4  }
0x6c: {  	v2 =	vand.u32 $0x3FFF, v1;
	v1 =	vshra.s32 v1, $0xE  }
0x6d: {  	[tilespmem:$0x4810] =	vst v2  }
0x6e: {  	[tilespmem:$0x4890] =	vst v1  }
0x6f: {  	v1 =	vld [tilespmem:s22+$0xFFFFFFE0];
	_ =	sdelay $0x4  }
0x70: {  	v2 =	vand.u32 $0x3FFF, v1;
	v1 =	vshra.s32 v1, $0xE  }
0x71: {  	[tilespmem:$0x4820] =	vst v2  }
0x72: {  	[tilespmem:$0x48A0] =	vst v1  }
0x73: {  	v1 =	vld [tilespmem:s22+$0xFFFFFFF0];
	_ =	sdelay $0x4  }
0x74: {  	v2 =	vand.u32 $0x3FFF, v1;
	v1 =	vshra.s32 v1, $0xE  }
0x75: {  	[tilespmem:$0x4830] =	vst v2  }
0x76: {  	[tilespmem:$0x48B0] =	vst v1  }
0x77: {  	v1 =	vld [tilespmem:s22+$0x0];
	_ =	sdelay $0x4  }
0x78: {  	v2 =	vand.u32 $0x3FFF, v1;
	v1 =	vshra.s32 v1, $0xE  }
0x79: {  	[tilespmem:$0x4840] =	vst v2  }
0x7a: {  	[tilespmem:$0x48C0] =	vst v1  }
0x7b: {  	v1 =	vld [tilespmem:s22+$0x10];
	_ =	sdelay $0x4  }
0x7c: {  	v2 =	vand.u32 $0x3FFF, v1;
	v1 =	vshra.s32 v1, $0xE  }
0x7d: {  	[tilespmem:$0x4850] =	vst v2  }
0x7e: {  	[tilespmem:$0x48D0] =	vst v1  }
0x7f: {  	v1 =	vld [tilespmem:s22+$0x20];
	_ =	sdelay $0x4  }
0x80: {  	v2 =	vand.u32 $0x3FFF, v1;
	v1 =	vshra.s32 v1, $0xE  }
0x81: {  	[tilespmem:$0x4860] =	vst v2  }
0x82: {  	[tilespmem:$0x48E0] =	vst v1  }
0x83: {  	v1 =	vld [tilespmem:s22+$0x30];
	_ =	sdelay $0x1  }
.Ltmp2:
0x84: {  	(pc) =	sbr.rel @p0 .LBB2_4-.Ltmp2, $3  }
0x85: {  	_ =	sdelay $0x1  }
0x86: {  	v2 =	vand.u32 $0x3FFF, v1;
	v1 =	vshra.s32 v1, $0xE  }
0x87: {  	[tilespmem:$0x4870] =	vst v2  }
.LBB2_5:
0x88: {  	[tilespmem:$0x48F0] =	vst v1  }
0x89: {  	[tilespmem:s14], [sflag:$0x1] =	stream.indirect.gather [hbm4b:s4+s16], $0x80, s17, s16, $0xb8;
	[tilespmem:$0x1C900] =	vst v63  }
0x8a: {  	_ =	swait.ge [sflag:s15], $0x4000  }
0x8b: {  	[sflag:s15] =	ssyncset.done $0x0  }
0x8c: {  	[sflag:s15] =	ssyncadd.s32 $0xFFFFC000  }
0x8d: {  	[spmem:s2] =	stream.indirect.scatter.add.f32 [tilespmem:s14], [sflag:$0x1], $0x80, s18, s16, $0xb8;
	[tilespmem:$0x1C900] =	vst v63  }
0x8e: {  	_ =	swait.ge [sflag:s15], $0x4000  }
0x8f: {  	s21 =	sadd.s32 $0x1, s21;
	[sflag:s15] =	ssyncset.done $0x0  }
0x90: {  	p0 =	sne.s32 s21, s12;
	[sflag:s15] =	ssyncadd.s32 $0xFFFFC000  }
.Ltmp3:
0x91: {  	[bflag:$0x0] =	sbarrier.arrive $0xFFFF;
	(pc) =	sbr.rel @p0 .LBB2_1-.Ltmp3, $4  }
0x92: {  	[hbm:s13], [sflag:s19] =	dma.local [spmem:s20], $0x2800  }
0x93: {  	_ =	swait.ge [sflag:s15], $0x2800  }
0x94: {  	[sflag:s15] =	ssyncset.done $0x0  }
0x95: {  	[sflag:s15] =	ssyncadd.s32 $0xFFFFD800  }
0x96: {  	_ =	sfence.sel $0x180000  }
0x97: {  	[bflag:$0x0] =	sbarrier.arrive $0xFFFF  }
0x98: {  	p0 =	sne.s32 s1, $0x0;
	_ =	strace $0x9000004A  }
0x99: {  	s0 =	sadd.s32 @!p0 $0x100000, s0;
	[bflag:$0x2] =	sbarrier.arrive $0xFFFF  }
0x9a: {  	[sflag:s0] =	ssyncadd.tile.s32 @!p0 $0x1;
	_ =	shalt  }
.Lfunc_end2:
_tile_overlayer_lowered:
.L_overlay_start_2:
0x9b: {  	(tag) =	ssettag $0x2  }
0x9c: {  	s0 =	rddreg [dreg:$0x0];
	s2 =	stileid.u32  }
0x9d: {  	s1 =	rddreg [dreg:$0x1];
	p0 =	sne.s32 s2, $0x0  }
0x9e: {  	s3 =	rddreg [dreg:$0x2];
	[bflag:$0x3] =	sbarrier.arrive $0xFFFF;
	s2 =	simm.s32 @!p0 $0x1C01  }
0x9f: {  	[timem:s3], [sflag:s2] =	dma.local @!p0 [hbm:s0], s1  }
0xa0: {  	s0 =	simm.s32 @!p0 $0x1  }
0xa1: {  	_ =	swait.ge @!p0 [sflag:s0], s1  }
0xa2: {  	s1 =	ssub.s32 @!p0 $0x0, s1;
	[sflag:s0] =	ssyncset.done @!p0 $0x0  }
0xa3: {  	[sflag:s0] =	ssyncadd.s32 @!p0 s1  }
0xa4: {  	[bflag:$0x3] =	sbarrier.arrive $0xFFFF  }
0xa5: {  	_ =	shalt  }

// kernel: kernel.16.cloned.1.call-start
scs
__scs_entry_jumppad:
0x0: {  	(pc) =	sbr.rel $0x88, $3  }
0x1: {  	(tag) =	ssettag $0x0;
	lr =	simm.s32 $0x1  }
0x2: {  	[smem:$0x3F99] =	sst lr;
	_ =	strace $0xD0000000  }
0x3: {  	_ = 	snop  }
0x4: {  	_ = 	snop  }
0x5: {  	_ = 	snop  }
0x6: {  	_ = 	snop  }
0x7: {  	_ = 	snop  }
__scs_overlays_trampoline_lowered:
0x8: {  	[smem:$0x3FA8] =	sst s0  }
0x9: {  	[smem:$0x3FA9] =	sst s1  }
0xa: {  	[smem:$0x3FAA] =	sst s2  }
0xb: {  	[smem:$0x3FAB] =	sst s3  }
0xc: {  	[smem:$0x3FAC] =	sst s4  }
0xd: {  	[smem:$0x3FAD] =	sst s5  }
0xe: {  	[smem:$0x3FAE] =	sst s6  }
0xf: {  	[smem:$0x3FAF] =	sst s7  }
0x10: {  	[smem:$0x3FB0] =	sst s8  }
0x11: {  	[smem:$0x3FB1] =	sst s9;
	s0 =	simm.s32 @!p0 $0x0  }
0x12: {  	s1 =	sld [smem:$0x3F97];
	s0 =	simm.s32 @p0 $0x1  }
0x13: {  	[smem:$0x3FB2] =	sst s0;
	s0 =	simm.s32 @!p1 $0x0  }
0x14: {  	s2 =	sld [smem:$0x3F96];
	s0 =	simm.s32 @p1 $0x1  }
0x15: {  	[smem:$0x3FB3] =	sst s0;
	s0 =	simm.s32 @!p2 $0x0  }
0x16: {  	s3 =	sld [smem:$0x3FDB];
	s0 =	simm.s32 @p2 $0x1  }
0x17: {  	s4 =	simm.s32 $0x1BF5;
	[smem:$0x3FB5] =	sst s0  }
0x18: {  	s0 =	sld [smem:$0x3F98];
	_ =	swait.ge [sflag:s4], $0x0  }
0x19: {  	s7 =	sld [smem:$0x3F99]  }
0x1a: {  	s8 =	sadd.s32 $0xFFFFE003, lr  }
0x1b: {  	s9 =	sadd.s32 $0xFFFFFEF7, lr;
	s5 =	simm.s32 $0xFFFFFFFF;
	p2 =	slt.u32 s8, $0xFFFFF086  }
0x1c: {  	p1 =	slt.u32 s9, $0xF7A;
	s5 =	simm.s32 @!p2 $0x0  }
0x1d: {  	s5 =	simm.s32 @p1 $0x1;
	p0 =	seq.s32 s7, s2  }
0x1e: {  	s7 =	smul.u32 @!p0 $0xF7A, s2;
	p2 =	seq.s32 @!p0 s5, $0x0  }
0x1f: {  	s9 =	smul.u32 $0xF7A, s1;
	s8 =	simm.s32 @!p0 $0x1BF5;
	p2 =	por !p2, p0  }
0x20: {  	[sflag:s8] =	ssyncset.s32 @!p0 $0xFFFFF086;
	s6 =	sadd.s32 @!p0 s3, s7;
	s7 =	simm.s32 @!p0 $0x108  }
0x21: {  	s3 =	sadd.s32 s3, s9;
	s6 =	sadd.s32 @!p0 $0x88, s6;
	s7 =	simm.s32 @p2 $0x1082  }
0x22: {  	[simem:s7], [sflag:s8] =	dma.local @!p0 [hbm:s6], $0xF7A  }
0x23: {  	s9 =	sor.u32 $0xD0000000, s2;
	s6 =	simm.s32 $0x108;
	_ =	swait.ge @!p0 [sflag:s8], $0x0  }
0x24: {  	s3 =	sadd.s32 $0x88, s3;
	s6 =	simm.s32 @!p1 $0x1082;
	[sflag:s4] =	ssyncset.s32 $0xFFFFF086  }
0x25: {  	[simem:s6], [sflag:s4] =	dma.local [hbm:s3], $0xF7A  }
0x26: {  	[smem:$0x3F99] =	sst s1;
	(tag) =	ssettag s2;
	_ =	strace s9  }
0x27: {  	s1 =	sld [smem:$0x3FA9]  }
0x28: {  	s2 =	sld [smem:$0x3FAA]  }
0x29: {  	s4 =	sld [smem:$0x3FAC]  }
0x2a: {  	p0 =	seq.s32 s5, $0x0;
	s5 =	sld [smem:$0x3FAD]  }
0x2b: {  	s6 =	sld [smem:$0x3FAE]  }
0x2c: {  	s7 =	sld [smem:$0x3FAF]  }
0x2d: {  	s3 =	simm.s32 $0x108;
	s8 =	sld [smem:$0x3FB0]  }
0x2e: {  	s3 =	simm.s32 @!p0 $0x1082;
	s9 =	sld [smem:$0x3FB1]  }
0x2f: {  	lr =	sadd.s32 s0, s3;
	s0 =	sld [smem:$0x3FA8]  }
0x30: {  	s3 =	sld [smem:$0x3FAB]  }
0x31: {  	[smem:$0x3FB4] =	sst s10  }
0x32: {  	s10 =	sld [smem:$0x3FB2];
	_ =	sdelay $0x3  }
0x33: {  	p0 =	seq.s32 s10, $0x1;
	s10 =	sld [smem:$0x3FB4];
	_ =	sdelay $0x3  }
0x34: {  	[smem:$0x3FB4] =	sst s10  }
0x35: {  	s10 =	sld [smem:$0x3FB3];
	_ =	sdelay $0x3  }
0x36: {  	p1 =	seq.s32 s10, $0x1;
	s10 =	sld [smem:$0x3FB4];
	_ =	sdelay $0x3  }
0x37: {  	[smem:$0x3FB4] =	sst s10  }
0x38: {  	s10 =	sld [smem:$0x3FB5]  }
0x39: {  	_ = 	snop;
	(pc) =	sbr.ind lr, $3  }
0x3a: {  	_ = 	snop  }
0x3b: {  	_ = 	snop  }
0x3c: {  	p2 =	seq.s32 s10, $0x1;
	s10 =	sld [smem:$0x3FB4]  }
0x3d: {  	_ =	shalt  }
0x3e: {  	_ =	shalt  }
0x3f: {  	_ =	shalt  }
0x40: {  	_ =	shalt  }
0x41: {  	_ =	shalt  }
0x42: {  	_ =	shalt  }
0x43: {  	_ =	shalt  }
0x44: {  	_ =	shalt  }
0x45: {  	_ =	shalt  }
0x46: {  	_ =	shalt  }
0x47: {  	_ =	shalt  }
0x48: {  	_ =	shalt  }
0x49: {  	_ =	shalt  }
0x4a: {  	_ =	shalt  }
0x4b: {  	_ =	shalt  }
0x4c: {  	_ =	shalt  }
0x4d: {  	_ =	shalt  }
0x4e: {  	_ =	shalt  }
0x4f: {  	_ =	shalt  }
0x50: {  	_ =	shalt  }
0x51: {  	_ =	shalt  }
0x52: {  	_ =	shalt  }
0x53: {  	_ =	shalt  }
0x54: {  	_ =	shalt  }
0x55: {  	_ =	shalt  }
0x56: {  	_ =	shalt  }
0x57: {  	_ =	shalt  }
0x58: {  	_ =	shalt  }
0x59: {  	_ =	shalt  }
0x5a: {  	_ =	shalt  }
0x5b: {  	_ =	shalt  }
0x5c: {  	_ =	shalt  }
0x5d: {  	_ =	shalt  }
0x5e: {  	_ =	shalt  }
0x5f: {  	_ =	shalt  }
0x60: {  	_ =	shalt  }
0x61: {  	_ =	shalt  }
0x62: {  	_ =	shalt  }
0x63: {  	_ =	shalt  }
0x64: {  	_ =	shalt  }
0x65: {  	_ =	shalt  }
0x66: {  	_ =	shalt  }
0x67: {  	_ =	shalt  }
0x68: {  	_ =	shalt  }
0x69: {  	_ =	shalt  }
0x6a: {  	_ =	shalt  }
0x6b: {  	_ =	shalt  }
0x6c: {  	_ =	shalt  }
0x6d: {  	_ =	shalt  }
0x6e: {  	_ =	shalt  }
0x6f: {  	_ =	shalt  }
0x70: {  	_ =	shalt  }
0x71: {  	_ =	shalt  }
0x72: {  	_ =	shalt  }
0x73: {  	_ =	shalt  }
0x74: {  	_ =	shalt  }
0x75: {  	_ =	shalt  }
0x76: {  	_ =	shalt  }
0x77: {  	_ =	shalt  }
0x78: {  	_ =	shalt  }
0x79: {  	_ =	shalt  }
0x7a: {  	_ =	shalt  }
0x7b: {  	_ =	shalt  }
0x7c: {  	_ =	shalt  }
0x7d: {  	_ =	shalt  }
0x7e: {  	_ =	shalt  }
0x7f: {  	_ =	shalt  }
0x80: {  	_ =	shalt  }
0x81: {  	_ =	shalt  }
0x82: {  	_ =	shalt  }
0x83: {  	_ =	shalt  }
0x84: {  	_ =	shalt  }
0x85: {  	_ =	shalt  }
0x86: {  	_ =	shalt  }
0x87: {  	_ =	shalt  }
.Lfunc_end0:
.L_simem_size_0:
called_computation.2_lowered:
.L_overlay_start_0:
0x88: {  	s2 =	sld [smem:$0x3FD9]  }
0x89: {  	s3 =	sld [smem:$0x3FFE];
	_ =	sdelay $0x1  }
0x8a: {  	s1 =	srdreg.scid  }
0x8b: {  	s0 =	sand.u32 $0x1, s1  }
0x8c: {  	s17 =	sshll.u32 s0, $0xA;
	s2 =	sadd.s32 s3, s2  }
0x8d: {  	s2 =	sadd.s32 s2, s17  }
0x8e: {  	[smem:$0x3FC0] =	sst s2  }
0x8f: {  	_ = 	snop  }
0x90: {  	s2 =	sld [smem:$0x3FD0];
	(tm) =	ssettm $0x1  }
0x91: {  	s18 =	sld [smem:$0x3FFB];
	_ =	sdelay $0x3  }
0x92: {  	_ =	strace s18  }
0x93: {  	s3 =	sld [smem:$0x3FFC];
	_ =	sdelay $0x3  }
0x94: {  	_ =	strace s3  }
0x95: {  	s3 =	sld [smem:$0x3FFD];
	_ =	sdelay $0x3  }
0x96: {  	_ =	strace s3  }
0x97: {  	_ =	strace $0x8FFFFFFF  }
0x98: {  	s19 =	sld [smem:$0x3FDB];
	_ =	sdelay $0x1  }
0x99: {  	s4 =	simm.s32 $_scs_section_size  }
0x9a: {  	s5 =	simm.s32 $_size__tile_overlayer_lowered;
	s6 =	simm.s32 $_tile_overlayer_lowered  }
0x9b: {  	s22 =	simm.s32 $0x1BFF;
	s21 =	sshll.u32 s6, $0x1;
	s3 =	sadd.s32 s4, s19  }
0x9c: {  	s7 =	simm.s32 $0x0;
	s20 =	sshll.u32 s5, $0x1;
	s5 =	sadd.s32 s21, s3  }
0x9d: {  	[timem:s7], [sflag:s22] =	dma.local [hbm:s5], s20  }
0x9e: {  	_ =	swait.ge [sflag:s22], s20  }
0x9f: {  	s4 =	ssub.s32 $0x0, s20;
	[sflag:s22] =	ssyncset.done $0x0  }
0xa0: {  	[sflag:s22] =	ssyncadd.s32 s4;
	_ =	sdelay $0x1  }
0xa1: {  	s23 =	simm.s32 $0x1B8B  }
0xa2: {  	_ =	swait.ge [sflag:s23], $0x1  }
0xa3: {  	[sflag:s23] =	ssyncset.done $0x0  }
0xa4: {  	s25 =	simm.s32 $0x1B8E;
	s24 =	sld [smem:$0x3FFE];
	[sflag:s23] =	ssyncadd.s32 $0xFFFFFFFF  }
0xa5: {  	s26 =	simm.s32 $execute0_lowered;
	[smem:$0x3FD2] =	sst s25  }
0xa6: {  	s5 =	sshll.u32 s26, $0x1;
	_ =	strace $0x8000004C;
	[dreg:$0x1] =	wrdreg $0xFFFFFFFF  }
0xa7: {  	s28 =	simm.s32 $_size_execute0_lowered;
	s3 =	sadd.s32 s3, s5;
	[dreg:$0x0] =	wrdreg $0x0  }
0xa8: {  	s5 =	sshll.u32 s28, $0x1;
	[dreg:$0x2] =	wrdreg s3  }
0xa9: {  	[dreg:$0x3] =	wrdreg s5  }
0xaa: {  	[dreg:$0x4] =	wrdreg $0xC0  }
0xab: {  	_ =	task [dreg:s7], $0x5FFFF  }
0xac: {  	[dreg:$0x1] =	wrdreg $0xFFFFFFFF  }
0xad: {  	[dreg:$0x0] =	wrdreg $0x60  }
0xae: {  	[dreg:$0x2] =	wrdreg s2  }
0xaf: {  	[dreg:$0x3] =	wrdreg s24  }
0xb0: {  	[dreg:$0x4] =	wrdreg $0x89000  }
0xb1: {  	[dreg:$0x5] =	wrdreg $0x9  }
0xb2: {  	_ =	task.clear_ibuf [dreg:s7], $0x6FFFF;
	_ =	strace $0x9000004C  }
0xb3: {  	s29 =	simm.s32 $0x9;
	_ =	strace $0x8000004E  }
0xb4: {  	_ =	swait.ge [sflag:s29], $0x1  }
0xb5: {  	[sflag:s29] =	ssyncadd.s32 $0xFFFFFFFF  }
0xb6: {  	_ =	strace $0x9000004E  }
0xb7: {  	_ =	sfence  }
0xb8: {  	s30 =	sld [smem:$0x0];
	_ =	sdelay $0x2  }
0xb9: {  	s31 =	sshll.u32 s1, $0xD;
	s1 =	sshrl.u32 s1, $0x2  }
0xba: {  	s3 =	sand.u32 $0x4000, s31;
	s1 =	sadd.s32 s1, s30  }
0xbb: {  	s0 =	sor.u32 s3, s0;
	s1 =	sshll.u32 s1, $0x11  }
0xbc: {  	s0 =	sor.u32 s1, s0  }
0xbd: {  	s0 =	sadd.s32 $0x8F2B, s0  }
0xbe: {  	[sflag:s0] =	ssyncadd.remote.s32 $0x1  }
0xbf: {  	_ =	sfence.sel $0xFFFF  }
0xc0: {  	[dreg:$0x0] =	wrdreg $0xFFFFFFFF;
	(pc) =	sbr.abs _section_cstart, $3  }
0xc1: {  	[dreg:$0x1] =	wrdreg $0xFFFFFFFF  }
0xc2: {  	_ =	task.clear_ibuf [dreg:s7], $0x2FFFF;
	_ =	strace $0x9FFFFFFF  }
0xc3: {  	(tm) =	ssettm $0x7FFFFFFF  }
tec
execute0_lowered:
.L_overlay_start_1:
0x0: {  	(tag) =	ssettag $0x1  }
0x1: {  	s10 =	rddreg [dreg:$0x0]  }
0x2: {  	s5 =	rddreg [dreg:$0x1]  }
0x3: {  	s2 =	rddreg [dreg:$0x2]  }
0x4: {  	s0 =	rddreg [dreg:$0x3]  }
0x5: {  	s3 =	simm.s32 $0x0;
	s1 =	stileid.u32;
	s6 =	srdreg.scid  }
0x6: {  	s17 =	simm.s32 $0x4800;
	s18 =	simm.s32 $0x4880;
	s21 =	simm.s32 $0x0  }
0x7: {  	[smem:$0x7FF] =	sst s3;
	s7 =	smul.u32 $0x50000, s1;
	s4 =	sadd.s32 $0x4800, s5  }
0x8: {  	s12 =	sadd.s32 $0x54800, s5;
	s11 =	sand.u32 $0x1, s6;
	s13 =	sadd.s32 $0x7C800, s5  }
0x9: {  	s16 =	smul.u32 $0x2800, s1;
	s19 =	sshll.u32 s1, $0x6;
	_ =	strace $0x8000004D  }
0xa: {  	s6 =	ssub.s32 $0x2, s11;
	s8 =	sshll.u32 s11, $0x4;
	p0 =	seq.s32 s11, $0x0  }
0xb: {  	s11 =	simm.s32 $0x8C;
	s19 =	sor.u32 $0x1C01, s19;
	s30 =	sshrl.u32 s7, $0x2  }
0xc: {  	s31 =	sshrl.u32 s6, $0x1;
	s9 =	sor.u32 s1, s8;
	s13 =	smov.u32 @p0 s12  }
0xd: {  	s11 =	simm.s32 @!p0 $0x14;
	s5 =	sadd.s32 s30, s2;
	s14 =	ssub.s32 s6, s31  }
0xe: {  	s15 =	smul.u32 $0x900, s9;
	s13 =	sadd.s32 s13, s16;
	s16 =	simm.s32 $0x80  }
0xf: {  	s6 =	sadd.s32 $0x4000, s5;
	s7 =	sadd.s32 $0x8000, s5;
	s8 =	sadd.s32 $0xC000, s5  }
0x10: {  	s9 =	sadd.s32 $0x10000, s5;
	s12 =	smax.u32 s14, $0x1;
	s14 =	simm.s32 $0x4900  }
0x11: {  	v0 =	vimm.f32 $0.0e+00;
	s20 =	sshrl.u32 s5, $0x3;
	s10 =	sadd.s32 s10, s15;
	s15 =	simm.s32 $0x1  }
.LBB2_1:
0x12: {  	s22 =	simm.s32 $0x0;
	s23 =	simm.s32 $0x200  }
.LBB2_2:
0x13: {  	p0 =	sne.s32 s23, $0xFE00;
	[tilespmem:s22+$0x4970] =	vst v0  }
0x14: {  	[tilespmem:s22+$0x4900] =	vst v0  }
0x15: {  	[tilespmem:s22+$0x4910] =	vst v0  }
.Ltmp0:
0x16: {  	[tilespmem:s22+$0x4920] =	vst v0;
	(pc) =	sbr.rel @p0 .LBB2_2-.Ltmp0, $4  }
0x17: {  	[tilespmem:s22+$0x4930] =	vst v0  }
0x18: {  	[tilespmem:s22+$0x4940] =	vst v0  }
0x19: {  	[tilespmem:s22+$0x4950] =	vst v0  }
0x1a: {  	[tilespmem:s22+$0x4960] =	vst v0;
	s22 =	sshra.s32 s23, $0x2;
	s23 =	sadd.s32 $0x200, s23  }
0x1b: {  	[tilespmem:s22+$0x4970] =	vst v0  }
0x1c: {  	[tilespmem:s22+$0x4900] =	vst v0  }
0x1d: {  	[tilespmem:s22+$0x4910] =	vst v0  }
0x1e: {  	[tilespmem:s22+$0x4920] =	vst v0  }
0x1f: {  	[tilespmem:s22+$0x4930] =	vst v0  }
0x20: {  	[tilespmem:s22+$0x4940] =	vst v0  }
0x21: {  	[tilespmem:s22+$0x4950] =	vst v0  }
0x22: {  	[tilespmem:s22+$0x4960] =	vst v0  }
0x23: {  	[spmem:s5] =	stream.linear.scatter [tilespmem:s14], [sflag:$0x1], $0x4000, $0x38;
	[tilespmem:$0x1C900] =	vst v63  }
0x24: {  	_ =	swait.ge [sflag:s15], $0x4000  }
0x25: {  	[sflag:s15] =	ssyncset.done $0x0  }
0x26: {  	[sflag:s15] =	ssyncadd.s32 $0xFFFFC000  }
0x27: {  	[spmem:s6] =	stream.linear.scatter [tilespmem:s14], [sflag:$0x1], $0x4000, $0x38;
	[tilespmem:$0x1C900] =	vst v63  }
0x28: {  	_ =	swait.ge [sflag:s15], $0x4000  }
0x29: {  	[sflag:s15] =	ssyncset.done $0x0  }
0x2a: {  	[sflag:s15] =	ssyncadd.s32 $0xFFFFC000  }
0x2b: {  	[spmem:s7] =	stream.linear.scatter [tilespmem:s14], [sflag:$0x1], $0x4000, $0x38;
	[tilespmem:$0x1C900] =	vst v63  }
0x2c: {  	_ =	swait.ge [sflag:s15], $0x4000  }
0x2d: {  	[sflag:s15] =	ssyncset.done $0x0  }
0x2e: {  	[sflag:s15] =	ssyncadd.s32 $0xFFFFC000  }
0x2f: {  	[spmem:s8] =	stream.linear.scatter [tilespmem:s14], [sflag:$0x1], $0x4000, $0x38;
	[tilespmem:$0x1C900] =	vst v63  }
0x30: {  	_ =	swait.ge [sflag:s15], $0x4000  }
0x31: {  	[sflag:s15] =	ssyncset.done $0x0  }
0x32: {  	[sflag:s15] =	ssyncadd.s32 $0xFFFFC000  }
0x33: {  	[spmem:s9] =	stream.linear.scatter [tilespmem:s14], [sflag:$0x1], $0x4000, $0x38;
	[tilespmem:$0x1C900] =	vst v63  }
0x34: {  	_ =	swait.ge [sflag:s15], $0x4000  }
0x35: {  	[sflag:s15] =	ssyncset.done $0x0  }
0x36: {  	[sflag:s15] =	ssyncadd.s32 $0xFFFFC000  }
0x37: {  	[tilespmem:s3], [sflag:$0x1] =	stream.linear.gather [hbm4b:s10+s3], $0x4600, $0x38;
	[tilespmem:$0x1C900] =	vst v63  }
0x38: {  	_ =	swait.ge [sflag:s15], $0x4600  }
0x39: {  	[sflag:s15] =	ssyncset.done $0x0  }
0x3a: {  	[sflag:s15] =	ssyncadd.s32 $0xFFFFBA00  }
0x3b: {  	s22 =	simm.s32 $0x40;
	[bflag:$0x0] =	sbarrier.arrive $0xFFFF  }
0x3c: {  	v1 =	vld [tilespmem:s22+$0xFFFFFFC0];
	_ =	sdelay $0x4  }
0x3d: {  	v2 =	vand.u32 $0x3FFF, v1  }
0x3e: {  	v1 =	vshra.s32 v1, $0xE;
	[tilespmem:$0x4800] =	vst v2  }
0x3f: {  	[tilespmem:$0x4880] =	vst v1  }
0x40: {  	v1 =	vld [tilespmem:s22+$0xFFFFFFD0];
	_ =	sdelay $0x4  }
0x41: {  	v2 =	vand.u32 $0x3FFF, v1  }
0x42: {  	v1 =	vshra.s32 v1, $0xE;
	[tilespmem:$0x4810] =	vst v2  }
0x43: {  	[tilespmem:$0x4890] =	vst v1  }
0x44: {  	v1 =	vld [tilespmem:s22+$0xFFFFFFE0];
	_ =	sdelay $0x4  }
0x45: {  	v2 =	vand.u32 $0x3FFF, v1  }
0x46: {  	v1 =	vshra.s32 v1, $0xE;
	[tilespmem:$0x4820] =	vst v2  }
0x47: {  	[tilespmem:$0x48A0] =	vst v1  }
0x48: {  	v1 =	vld [tilespmem:s22+$0xFFFFFFF0];
	_ =	sdelay $0x4  }
0x49: {  	v2 =	vand.u32 $0x3FFF, v1  }
0x4a: {  	v1 =	vshra.s32 v1, $0xE;
	[tilespmem:$0x4830] =	vst v2  }
0x4b: {  	[tilespmem:$0x48B0] =	vst v1  }
0x4c: {  	v1 =	vld [tilespmem:s22+$0x0];
	_ =	sdelay $0x4  }
0x4d: {  	v2 =	vand.u32 $0x3FFF, v1  }
0x4e: {  	v1 =	vshra.s32 v1, $0xE;
	[tilespmem:$0x4840] =	vst v2  }
0x4f: {  	[tilespmem:$0x48C0] =	vst v1  }
0x50: {  	v1 =	vld [tilespmem:s22+$0x10];
	_ =	sdelay $0x4  }
0x51: {  	v2 =	vand.u32 $0x3FFF, v1  }
0x52: {  	v1 =	vshra.s32 v1, $0xE;
	[tilespmem:$0x4850] =	vst v2  }
0x53: {  	[tilespmem:$0x48D0] =	vst v1  }
0x54: {  	v1 =	vld [tilespmem:s22+$0x20];
	_ =	sdelay $0x4  }
0x55: {  	v2 =	vand.u32 $0x3FFF, v1  }
0x56: {  	v1 =	vshra.s32 v1, $0xE;
	[tilespmem:$0x4860] =	vst v2  }
0x57: {  	[tilespmem:$0x48E0] =	vst v1  }
0x58: {  	v1 =	vld [tilespmem:s22+$0x30]  }
0x59: {  	p0 =	sne.s32 s11, $0x1  }
.Ltmp1:
0x5a: {  	_ = 	snop;
	(pc) =	sbr.rel @!p0 .LBB2_5-.Ltmp1, $3  }
0x5b: {  	_ =	sdelay $0x1  }
0x5c: {  	v2 =	vand.u32 $0x3FFF, v1  }
0x5d: {  	s23 =	sadd.s32 $0xFFFFFFFF, s11;
	v1 =	vshra.s32 v1, $0xE;
	[tilespmem:$0x4870] =	vst v2  }
.LBB2_4:
0x5e: {  	p0 =	sne.s32 s23, $0x1;
	s23 =	sadd.s32 $0xFFFFFFFF, s23;
	[tilespmem:$0x48F0] =	vst v1;
	s22 =	sadd.s32 $0x80, s22  }
0x5f: {  	[tilespmem:s14], [sflag:$0x1] =	stream.indirect.gather [hbm4b:s4+s16], $0x80, s17, s16, $0xb8;
	[tilespmem:$0x1C900] =	vst v63  }
0x60: {  	_ =	swait.ge [sflag:s15], $0x4000  }
0x61: {  	[sflag:s15] =	ssyncset.done $0x0  }
0x62: {  	[sflag:s15] =	ssyncadd.s32 $0xFFFFC000  }
0x63: {  	[spmem:s2] =	stream.indirect.scatter.add.f32 [tilespmem:s14], [sflag:$0x1], $0x80, s18, s16, $0xb8;
	[tilespmem:$0x1C900] =	vst v63  }
0x64: {  	_ =	swait.ge [sflag:s15], $0x4000  }
0x65: {  	[sflag:s15] =	ssyncset.done $0x0  }
0x66: {  	[sflag:s15] =	ssyncadd.s32 $0xFFFFC000  }
0x67: {  	v1 =	vld [tilespmem:s22+$0xFFFFFFC0];
	_ =	sdelay $0x4  }
0x68: {  	v2 =	vand.u32 $0x3FFF, v1;
	v1 =	vshra.s32 v1, $0xE  }
0x69: {  	[tilespmem:$0x4800] =	vst v2  }
0x6a: {  	[tilespmem:$0x4880] =	vst v1  }
0x6b: {  	v1 =	vld [tilespmem:s22+$0xFFFFFFD0];
	_ =	sdelay $0x4  }
0x6c: {  	v2 =	vand.u32 $0x3FFF, v1;
	v1 =	vshra.s32 v1, $0xE  }
0x6d: {  	[tilespmem:$0x4810] =	vst v2  }
0x6e: {  	[tilespmem:$0x4890] =	vst v1  }
0x6f: {  	v1 =	vld [tilespmem:s22+$0xFFFFFFE0];
	_ =	sdelay $0x4  }
0x70: {  	v2 =	vand.u32 $0x3FFF, v1;
	v1 =	vshra.s32 v1, $0xE  }
0x71: {  	[tilespmem:$0x4820] =	vst v2  }
0x72: {  	[tilespmem:$0x48A0] =	vst v1  }
0x73: {  	v1 =	vld [tilespmem:s22+$0xFFFFFFF0];
	_ =	sdelay $0x4  }
0x74: {  	v2 =	vand.u32 $0x3FFF, v1;
	v1 =	vshra.s32 v1, $0xE  }
0x75: {  	[tilespmem:$0x4830] =	vst v2  }
0x76: {  	[tilespmem:$0x48B0] =	vst v1  }
0x77: {  	v1 =	vld [tilespmem:s22+$0x0];
	_ =	sdelay $0x4  }
0x78: {  	v2 =	vand.u32 $0x3FFF, v1;
	v1 =	vshra.s32 v1, $0xE  }
0x79: {  	[tilespmem:$0x4840] =	vst v2  }
0x7a: {  	[tilespmem:$0x48C0] =	vst v1  }
0x7b: {  	v1 =	vld [tilespmem:s22+$0x10];
	_ =	sdelay $0x4  }
0x7c: {  	v2 =	vand.u32 $0x3FFF, v1;
	v1 =	vshra.s32 v1, $0xE  }
0x7d: {  	[tilespmem:$0x4850] =	vst v2  }
0x7e: {  	[tilespmem:$0x48D0] =	vst v1  }
0x7f: {  	v1 =	vld [tilespmem:s22+$0x20];
	_ =	sdelay $0x4  }
0x80: {  	v2 =	vand.u32 $0x3FFF, v1;
	v1 =	vshra.s32 v1, $0xE  }
0x81: {  	[tilespmem:$0x4860] =	vst v2  }
0x82: {  	[tilespmem:$0x48E0] =	vst v1  }
0x83: {  	v1 =	vld [tilespmem:s22+$0x30];
	_ =	sdelay $0x1  }
.Ltmp2:
0x84: {  	(pc) =	sbr.rel @p0 .LBB2_4-.Ltmp2, $3  }
0x85: {  	_ =	sdelay $0x1  }
0x86: {  	v2 =	vand.u32 $0x3FFF, v1;
	v1 =	vshra.s32 v1, $0xE  }
0x87: {  	[tilespmem:$0x4870] =	vst v2  }
.LBB2_5:
0x88: {  	[tilespmem:$0x48F0] =	vst v1  }
0x89: {  	[tilespmem:s14], [sflag:$0x1] =	stream.indirect.gather [hbm4b:s4+s16], $0x80, s17, s16, $0xb8;
	[tilespmem:$0x1C900] =	vst v63  }
0x8a: {  	_ =	swait.ge [sflag:s15], $0x4000  }
0x8b: {  	[sflag:s15] =	ssyncset.done $0x0  }
0x8c: {  	[sflag:s15] =	ssyncadd.s32 $0xFFFFC000  }
0x8d: {  	[spmem:s2] =	stream.indirect.scatter.add.f32 [tilespmem:s14], [sflag:$0x1], $0x80, s18, s16, $0xb8;
	[tilespmem:$0x1C900] =	vst v63  }
0x8e: {  	_ =	swait.ge [sflag:s15], $0x4000  }
0x8f: {  	s21 =	sadd.s32 $0x1, s21;
	[sflag:s15] =	ssyncset.done $0x0  }
0x90: {  	p0 =	sne.s32 s21, s12;
	[sflag:s15] =	ssyncadd.s32 $0xFFFFC000  }
.Ltmp3:
0x91: {  	[bflag:$0x0] =	sbarrier.arrive $0xFFFF;
	(pc) =	sbr.rel @p0 .LBB2_1-.Ltmp3, $4  }
0x92: {  	[hbm:s13], [sflag:s19] =	dma.local [spmem:s20], $0x2800  }
0x93: {  	_ =	swait.ge [sflag:s15], $0x2800  }
0x94: {  	[sflag:s15] =	ssyncset.done $0x0  }
0x95: {  	[sflag:s15] =	ssyncadd.s32 $0xFFFFD800  }
0x96: {  	_ =	sfence.sel $0x180000  }
0x97: {  	[bflag:$0x0] =	sbarrier.arrive $0xFFFF  }
0x98: {  	p0 =	sne.s32 s1, $0x0;
	_ =	strace $0x9000004D  }
0x99: {  	s0 =	sadd.s32 @!p0 $0x100000, s0;
	[bflag:$0x2] =	sbarrier.arrive $0xFFFF  }
0x9a: {  	[sflag:s0] =	ssyncadd.tile.s32 @!p0 $0x1;
	_ =	shalt  }
.Lfunc_end2:
_tile_overlayer_lowered:
.L_overlay_start_2:
0x9b: {  	(tag) =	ssettag $0x2  }
0x9c: {  	s0 =	rddreg [dreg:$0x0];
	s2 =	stileid.u32  }
0x9d: {  	s1 =	rddreg [dreg:$0x1];
	p0 =	sne.s32 s2, $0x0  }
0x9e: {  	s3 =	rddreg [dreg:$0x2];
	[bflag:$0x3] =	sbarrier.arrive $0xFFFF;
	s2 =	simm.s32 @!p0 $0x1C01  }
0x9f: {  	[timem:s3], [sflag:s2] =	dma.local @!p0 [hbm:s0], s1  }
0xa0: {  	s0 =	simm.s32 @!p0 $0x1  }
0xa1: {  	_ =	swait.ge @!p0 [sflag:s0], s1  }
0xa2: {  	s1 =	ssub.s32 @!p0 $0x0, s1;
	[sflag:s0] =	ssyncset.done @!p0 $0x0  }
0xa3: {  	[sflag:s0] =	ssyncadd.s32 @!p0 s1  }
0xa4: {  	[bflag:$0x3] =	sbarrier.arrive $0xFFFF  }
0xa5: {  	_ =	shalt  }

// kernel: kernel.19.cloned.1.call-start
scs
__scs_entry_jumppad:
0x0: {  	(pc) =	sbr.rel $0x88, $3  }
0x1: {  	(tag) =	ssettag $0x0;
	lr =	simm.s32 $0x1  }
0x2: {  	[smem:$0x3F99] =	sst lr;
	_ =	strace $0xD0000000  }
0x3: {  	_ = 	snop  }
0x4: {  	_ = 	snop  }
0x5: {  	_ = 	snop  }
0x6: {  	_ = 	snop  }
0x7: {  	_ = 	snop  }
__scs_overlays_trampoline_lowered:
0x8: {  	[smem:$0x3FA8] =	sst s0  }
0x9: {  	[smem:$0x3FA9] =	sst s1  }
0xa: {  	[smem:$0x3FAA] =	sst s2  }
0xb: {  	[smem:$0x3FAB] =	sst s3  }
0xc: {  	[smem:$0x3FAC] =	sst s4  }
0xd: {  	[smem:$0x3FAD] =	sst s5  }
0xe: {  	[smem:$0x3FAE] =	sst s6  }
0xf: {  	[smem:$0x3FAF] =	sst s7  }
0x10: {  	[smem:$0x3FB0] =	sst s8  }
0x11: {  	[smem:$0x3FB1] =	sst s9;
	s0 =	simm.s32 @!p0 $0x0  }
0x12: {  	s1 =	sld [smem:$0x3F97];
	s0 =	simm.s32 @p0 $0x1  }
0x13: {  	[smem:$0x3FB2] =	sst s0;
	s0 =	simm.s32 @!p1 $0x0  }
0x14: {  	s2 =	sld [smem:$0x3F96];
	s0 =	simm.s32 @p1 $0x1  }
0x15: {  	[smem:$0x3FB3] =	sst s0;
	s0 =	simm.s32 @!p2 $0x0  }
0x16: {  	s3 =	sld [smem:$0x3FDB];
	s0 =	simm.s32 @p2 $0x1  }
0x17: {  	s4 =	simm.s32 $0x1BF5;
	[smem:$0x3FB5] =	sst s0  }
0x18: {  	s0 =	sld [smem:$0x3F98];
	_ =	swait.ge [sflag:s4], $0x0  }
0x19: {  	s7 =	sld [smem:$0x3F99]  }
0x1a: {  	s8 =	sadd.s32 $0xFFFFE003, lr  }
0x1b: {  	s9 =	sadd.s32 $0xFFFFFEF7, lr;
	s5 =	simm.s32 $0xFFFFFFFF;
	p2 =	slt.u32 s8, $0xFFFFF086  }
0x1c: {  	p1 =	slt.u32 s9, $0xF7A;
	s5 =	simm.s32 @!p2 $0x0  }
0x1d: {  	s5 =	simm.s32 @p1 $0x1;
	p0 =	seq.s32 s7, s2  }
0x1e: {  	s7 =	smul.u32 @!p0 $0xF7A, s2;
	p2 =	seq.s32 @!p0 s5, $0x0  }
0x1f: {  	s9 =	smul.u32 $0xF7A, s1;
	s8 =	simm.s32 @!p0 $0x1BF5;
	p2 =	por !p2, p0  }
0x20: {  	[sflag:s8] =	ssyncset.s32 @!p0 $0xFFFFF086;
	s6 =	sadd.s32 @!p0 s3, s7;
	s7 =	simm.s32 @!p0 $0x108  }
0x21: {  	s3 =	sadd.s32 s3, s9;
	s6 =	sadd.s32 @!p0 $0x88, s6;
	s7 =	simm.s32 @p2 $0x1082  }
0x22: {  	[simem:s7], [sflag:s8] =	dma.local @!p0 [hbm:s6], $0xF7A  }
0x23: {  	s9 =	sor.u32 $0xD0000000, s2;
	s6 =	simm.s32 $0x108;
	_ =	swait.ge @!p0 [sflag:s8], $0x0  }
0x24: {  	s3 =	sadd.s32 $0x88, s3;
	s6 =	simm.s32 @!p1 $0x1082;
	[sflag:s4] =	ssyncset.s32 $0xFFFFF086  }
0x25: {  	[simem:s6], [sflag:s4] =	dma.local [hbm:s3], $0xF7A  }
0x26: {  	[smem:$0x3F99] =	sst s1;
	(tag) =	ssettag s2;
	_ =	strace s9  }
0x27: {  	s1 =	sld [smem:$0x3FA9]  }
0x28: {  	s2 =	sld [smem:$0x3FAA]  }
0x29: {  	s4 =	sld [smem:$0x3FAC]  }
0x2a: {  	p0 =	seq.s32 s5, $0x0;
	s5 =	sld [smem:$0x3FAD]  }
0x2b: {  	s6 =	sld [smem:$0x3FAE]  }
0x2c: {  	s7 =	sld [smem:$0x3FAF]  }
0x2d: {  	s3 =	simm.s32 $0x108;
	s8 =	sld [smem:$0x3FB0]  }
0x2e: {  	s3 =	simm.s32 @!p0 $0x1082;
	s9 =	sld [smem:$0x3FB1]  }
0x2f: {  	lr =	sadd.s32 s0, s3;
	s0 =	sld [smem:$0x3FA8]  }
0x30: {  	s3 =	sld [smem:$0x3FAB]  }
0x31: {  	[smem:$0x3FB4] =	sst s10  }
0x32: {  	s10 =	sld [smem:$0x3FB2];
	_ =	sdelay $0x3  }
0x33: {  	p0 =	seq.s32 s10, $0x1;
	s10 =	sld [smem:$0x3FB4];
	_ =	sdelay $0x3  }
0x34: {  	[smem:$0x3FB4] =	sst s10  }
0x35: {  	s10 =	sld [smem:$0x3FB3];
	_ =	sdelay $0x3  }
0x36: {  	p1 =	seq.s32 s10, $0x1;
	s10 =	sld [smem:$0x3FB4];
	_ =	sdelay $0x3  }
0x37: {  	[smem:$0x3FB4] =	sst s10  }
0x38: {  	s10 =	sld [smem:$0x3FB5]  }
0x39: {  	_ = 	snop;
	(pc) =	sbr.ind lr, $3  }
0x3a: {  	_ = 	snop  }
0x3b: {  	_ = 	snop  }
0x3c: {  	p2 =	seq.s32 s10, $0x1;
	s10 =	sld [smem:$0x3FB4]  }
0x3d: {  	_ =	shalt  }
0x3e: {  	_ =	shalt  }
0x3f: {  	_ =	shalt  }
0x40: {  	_ =	shalt  }
0x41: {  	_ =	shalt  }
0x42: {  	_ =	shalt  }
0x43: {  	_ =	shalt  }
0x44: {  	_ =	shalt  }
0x45: {  	_ =	shalt  }
0x46: {  	_ =	shalt  }
0x47: {  	_ =	shalt  }
0x48: {  	_ =	shalt  }
0x49: {  	_ =	shalt  }
0x4a: {  	_ =	shalt  }
0x4b: {  	_ =	shalt  }
0x4c: {  	_ =	shalt  }
0x4d: {  	_ =	shalt  }
0x4e: {  	_ =	shalt  }
0x4f: {  	_ =	shalt  }
0x50: {  	_ =	shalt  }
0x51: {  	_ =	shalt  }
0x52: {  	_ =	shalt  }
0x53: {  	_ =	shalt  }
0x54: {  	_ =	shalt  }
0x55: {  	_ =	shalt  }
0x56: {  	_ =	shalt  }
0x57: {  	_ =	shalt  }
0x58: {  	_ =	shalt  }
0x59: {  	_ =	shalt  }
0x5a: {  	_ =	shalt  }
0x5b: {  	_ =	shalt  }
0x5c: {  	_ =	shalt  }
0x5d: {  	_ =	shalt  }
0x5e: {  	_ =	shalt  }
0x5f: {  	_ =	shalt  }
0x60: {  	_ =	shalt  }
0x61: {  	_ =	shalt  }
0x62: {  	_ =	shalt  }
0x63: {  	_ =	shalt  }
0x64: {  	_ =	shalt  }
0x65: {  	_ =	shalt  }
0x66: {  	_ =	shalt  }
0x67: {  	_ =	shalt  }
0x68: {  	_ =	shalt  }
0x69: {  	_ =	shalt  }
0x6a: {  	_ =	shalt  }
0x6b: {  	_ =	shalt  }
0x6c: {  	_ =	shalt  }
0x6d: {  	_ =	shalt  }
0x6e: {  	_ =	shalt  }
0x6f: {  	_ =	shalt  }
0x70: {  	_ =	shalt  }
0x71: {  	_ =	shalt  }
0x72: {  	_ =	shalt  }
0x73: {  	_ =	shalt  }
0x74: {  	_ =	shalt  }
0x75: {  	_ =	shalt  }
0x76: {  	_ =	shalt  }
0x77: {  	_ =	shalt  }
0x78: {  	_ =	shalt  }
0x79: {  	_ =	shalt  }
0x7a: {  	_ =	shalt  }
0x7b: {  	_ =	shalt  }
0x7c: {  	_ =	shalt  }
0x7d: {  	_ =	shalt  }
0x7e: {  	_ =	shalt  }
0x7f: {  	_ =	shalt  }
0x80: {  	_ =	shalt  }
0x81: {  	_ =	shalt  }
0x82: {  	_ =	shalt  }
0x83: {  	_ =	shalt  }
0x84: {  	_ =	shalt  }
0x85: {  	_ =	shalt  }
0x86: {  	_ =	shalt  }
0x87: {  	_ =	shalt  }
.Lfunc_end0:
.L_simem_size_0:
called_computation.3_lowered:
.L_overlay_start_0:
0x88: {  	s2 =	sld [smem:$0x3FD9]  }
0x89: {  	s3 =	sld [smem:$0x3FFE];
	_ =	sdelay $0x1  }
0x8a: {  	s1 =	srdreg.scid  }
0x8b: {  	s0 =	sand.u32 $0x1, s1  }
0x8c: {  	s16 =	sshll.u32 s0, $0xA;
	s2 =	sadd.s32 s3, s2  }
0x8d: {  	s2 =	sadd.s32 s2, s16  }
0x8e: {  	[smem:$0x3FC0] =	sst s2  }
0x8f: {  	_ = 	snop  }
0x90: {  	(tm) =	ssettm $0x1  }
0x91: {  	s17 =	sld [smem:$0x3FFB];
	_ =	sdelay $0x3  }
0x92: {  	_ =	strace s17  }
0x93: {  	s2 =	sld [smem:$0x3FFC];
	_ =	sdelay $0x3  }
0x94: {  	_ =	strace s2  }
0x95: {  	s2 =	sld [smem:$0x3FFD];
	_ =	sdelay $0x3  }
0x96: {  	_ =	strace s2  }
0x97: {  	_ =	strace $0x8FFFFFFF  }
0x98: {  	s18 =	sld [smem:$0x3FDB];
	_ =	sdelay $0x1  }
0x99: {  	s19 =	simm.s32 $_scs_section_size  }
0x9a: {  	s4 =	simm.s32 $_size__tile_overlayer_lowered;
	s5 =	simm.s32 $_tile_overlayer_lowered  }
0x9b: {  	s22 =	simm.s32 $0x1BFF;
	s21 =	sshll.u32 s5, $0x1;
	s2 =	sadd.s32 s19, s18  }
0x9c: {  	s6 =	simm.s32 $0x0;
	s20 =	sshll.u32 s4, $0x1;
	s4 =	sadd.s32 s21, s2  }
0x9d: {  	[timem:s6], [sflag:s22] =	dma.local [hbm:s4], s20  }
0x9e: {  	_ =	swait.ge [sflag:s22], s20  }
0x9f: {  	s3 =	ssub.s32 $0x0, s20;
	[sflag:s22] =	ssyncset.done $0x0  }
0xa0: {  	[sflag:s22] =	ssyncadd.s32 s3;
	_ =	sdelay $0x1  }
0xa1: {  	s23 =	simm.s32 $0x1B8B  }
0xa2: {  	_ =	swait.ge [sflag:s23], $0x1  }
0xa3: {  	[sflag:s23] =	ssyncset.done $0x0  }
0xa4: {  	s25 =	simm.s32 $0x1B8E;
	s24 =	sld [smem:$0x3FFE];
	[sflag:s23] =	ssyncadd.s32 $0xFFFFFFFF  }
0xa5: {  	s26 =	simm.s32 $execute0_lowered;
	[smem:$0x3FD2] =	sst s25  }
0xa6: {  	s4 =	sshll.u32 s26, $0x1;
	_ =	strace $0x8000004F;
	[dreg:$0x1] =	wrdreg $0xFFFFFFFF  }
0xa7: {  	s28 =	simm.s32 $_size_execute0_lowered;
	s2 =	sadd.s32 s2, s4;
	[dreg:$0x0] =	wrdreg $0x0  }
0xa8: {  	s4 =	sshll.u32 s28, $0x1;
	[dreg:$0x2] =	wrdreg s2  }
0xa9: {  	[dreg:$0x3] =	wrdreg s4  }
0xaa: {  	[dreg:$0x4] =	wrdreg $0xC0  }
0xab: {  	_ =	task [dreg:s6], $0x5FFFF  }
0xac: {  	[dreg:$0x1] =	wrdreg $0xFFFFFFFF  }
0xad: {  	[dreg:$0x0] =	wrdreg $0x60  }
0xae: {  	[dreg:$0x2] =	wrdreg s24  }
0xaf: {  	[dreg:$0x3] =	wrdreg $0x67000  }
0xb0: {  	[dreg:$0x4] =	wrdreg $0x9  }
0xb1: {  	_ =	task.clear_ibuf [dreg:s6], $0x5FFFF;
	_ =	strace $0x9000004F  }
0xb2: {  	s29 =	simm.s32 $0x9;
	_ =	strace $0x80000051  }
0xb3: {  	_ =	swait.ge [sflag:s29], $0x1  }
0xb4: {  	[sflag:s29] =	ssyncadd.s32 $0xFFFFFFFF  }
0xb5: {  	_ =	strace $0x90000051  }
0xb6: {  	_ =	sfence  }
0xb7: {  	s30 =	sld [smem:$0x0];
	_ =	sdelay $0x2  }
0xb8: {  	s31 =	sshll.u32 s1, $0xD;
	s1 =	sshrl.u32 s1, $0x2  }
0xb9: {  	s3 =	sand.u32 $0x4000, s31;
	s1 =	sadd.s32 s1, s30  }
0xba: {  	s0 =	sor.u32 s3, s0;
	s1 =	sshll.u32 s1, $0x11  }
0xbb: {  	s0 =	sor.u32 s1, s0  }
0xbc: {  	s0 =	sadd.s32 $0x8F2B, s0  }
0xbd: {  	[sflag:s0] =	ssyncadd.remote.s32 $0x1  }
0xbe: {  	_ =	sfence.sel $0xFFFF  }
0xbf: {  	[dreg:$0x0] =	wrdreg $0xFFFFFFFF;
	(pc) =	sbr.abs _section_cstart, $3  }
0xc0: {  	[dreg:$0x1] =	wrdreg $0xFFFFFFFF  }
0xc1: {  	_ =	task.clear_ibuf [dreg:s6], $0x2FFFF;
	_ =	strace $0x9FFFFFFF  }
0xc2: {  	(tm) =	ssettm $0x7FFFFFFF  }
0xc3: {  	_ =	shalt  }
tec
execute0_lowered:
.L_overlay_start_1:
0x0: {  	(tag) =	ssettag $0x1  }
0x1: {  	s5 =	rddreg [dreg:$0x0]  }
0x2: {  	s0 =	srdreg.scid;
	s2 =	rddreg [dreg:$0x1]  }
0x3: {  	s1 =	stileid.u32;
	s3 =	simm.s32 $0x0;
	s16 =	simm.s32 $0x80  }
0x4: {  	s17 =	simm.s32 $0x4600;
	s18 =	simm.s32 $0x4680;
	s21 =	simm.s32 $0x0  }
0x5: {  	s11 =	sand.u32 $0x1, s0;
	s0 =	rddreg [dreg:$0x2];
	s6 =	smul.u32 $0x28000, s1  }
0x6: {  	[smem:$0x7FF] =	sst s3;
	s12 =	sadd.s32 $0x54800, s5;
	s13 =	smul.u32 $0xA000, s1  }
0x7: {  	s14 =	sadd.s32 $0x18800, s5;
	s19 =	sshll.u32 s1, $0x6;
	s4 =	sshll.u32 s11, $0x4  }
0x8: {  	_ =	strace $0x80000050;
	s7 =	ssub.s32 $0x2, s11;
	p0 =	seq.s32 s11, $0x0  }
0x9: {  	s11 =	simm.s32 $0x8C;
	s19 =	sor.u32 $0x1C01, s19;
	s4 =	sor.u32 s1, s4  }
0xa: {  	s31 =	sshrl.u32 s7, $0x1;
	s6 =	sshrl.u32 s6, $0x2;
	s14 =	smov.u32 @p0 s12  }
0xb: {  	s11 =	simm.s32 @!p0 $0x14;
	s4 =	smul.u32 $0x8C0, s4;
	s9 =	sadd.s32 s6, s2  }
0xc: {  	s15 =	ssub.s32 s7, s31;
	s6 =	sadd.s32 $0x2000, s9;
	s7 =	sadd.s32 $0x4000, s9  }
0xd: {  	s8 =	sadd.s32 $0x6000, s9;
	s9 =	sadd.s32 $0x8000, s9;
	s12 =	smax.u32 s15, $0x1  }
0xe: {  	s15 =	simm.s32 $0x1;
	s10 =	sadd.s32 s4, s5;
	s4 =	sadd.s32 $0x4800, s5  }
0xf: {  	s5 =	sadd.s32 s13, s2;
	s13 =	sshrl.u32 s13, $0x3;
	s10 =	sadd.s32 $0xA4800, s10  }
0x10: {  	v0 =	vimm.f32 $0.0e+00;
	s13 =	sadd.s32 s14, s13;
	s14 =	simm.s32 $0x4700;
	s20 =	sshrl.u32 s5, $0x3  }
.LBB2_1:
0x11: {  	s23 =	simm.s32 $0x100;
	s22 =	simm.s32 $0x0  }
.LBB2_2:
0x12: {  	p0 =	sne.s32 s23, $0x7F00;
	[tilespmem:s22+$0x4730] =	vst v0;
	s24 =	smov.u32 s23;
	s23 =	sadd.s32 $0x100, s23  }
.Ltmp0:
0x13: {  	[tilespmem:s22+$0x4720] =	vst v0;
	(pc) =	sbr.rel @p0 .LBB2_2-.Ltmp0, $3  }
0x14: {  	[tilespmem:s22+$0x4700] =	vst v0  }
0x15: {  	[tilespmem:s22+$0x4710] =	vst v0;
	_ =	sdelay $0x1  }
0x16: {  	s22 =	sshra.s32 s24, $0x2  }
0x17: {  	[tilespmem:s22+$0x4730] =	vst v0  }
0x18: {  	[tilespmem:s22+$0x4720] =	vst v0  }
0x19: {  	[tilespmem:s22+$0x4700] =	vst v0  }
0x1a: {  	[tilespmem:s22+$0x4710] =	vst v0  }
0x1b: {  	[spmem:s5] =	stream.linear.scatter [tilespmem:s14], [sflag:$0x1], $0x2000, $0x38;
	[tilespmem:$0x10700] =	vst v63  }
0x1c: {  	_ =	swait.ge [sflag:s15], $0x2000  }
0x1d: {  	[sflag:s15] =	ssyncset.done $0x0  }
0x1e: {  	[sflag:s15] =	ssyncadd.s32 $0xFFFFE000  }
0x1f: {  	[spmem:s6] =	stream.linear.scatter [tilespmem:s14], [sflag:$0x1], $0x2000, $0x38;
	[tilespmem:$0x10700] =	vst v63  }
0x20: {  	_ =	swait.ge [sflag:s15], $0x2000  }
0x21: {  	[sflag:s15] =	ssyncset.done $0x0  }
0x22: {  	[sflag:s15] =	ssyncadd.s32 $0xFFFFE000  }
0x23: {  	[spmem:s7] =	stream.linear.scatter [tilespmem:s14], [sflag:$0x1], $0x2000, $0x38;
	[tilespmem:$0x10700] =	vst v63  }
0x24: {  	_ =	swait.ge [sflag:s15], $0x2000  }
0x25: {  	[sflag:s15] =	ssyncset.done $0x0  }
0x26: {  	[sflag:s15] =	ssyncadd.s32 $0xFFFFE000  }
0x27: {  	[spmem:s8] =	stream.linear.scatter [tilespmem:s14], [sflag:$0x1], $0x2000, $0x38;
	[tilespmem:$0x10700] =	vst v63  }
0x28: {  	_ =	swait.ge [sflag:s15], $0x2000  }
0x29: {  	[sflag:s15] =	ssyncset.done $0x0  }
0x2a: {  	[sflag:s15] =	ssyncadd.s32 $0xFFFFE000  }
0x2b: {  	[spmem:s9] =	stream.linear.scatter [tilespmem:s14], [sflag:$0x1], $0x2000, $0x38;
	[tilespmem:$0x10700] =	vst v63  }
0x2c: {  	_ =	swait.ge [sflag:s15], $0x2000  }
0x2d: {  	[sflag:s15] =	ssyncset.done $0x0  }
0x2e: {  	[sflag:s15] =	ssyncadd.s32 $0xFFFFE000  }
0x2f: {  	[tilespmem:s3], [sflag:$0x1] =	stream.linear.gather [hbm4b:s10+s3], $0x4600, $0x38;
	[tilespmem:$0x10700] =	vst v63  }
0x30: {  	_ =	swait.ge [sflag:s15], $0x4600  }
0x31: {  	[sflag:s15] =	ssyncset.done $0x0  }
0x32: {  	[sflag:s15] =	ssyncadd.s32 $0xFFFFBA00  }
0x33: {  	s22 =	simm.s32 $0x40;
	[bflag:$0x0] =	sbarrier.arrive $0xFFFF  }
0x34: {  	v1 =	vld [tilespmem:s22+$0xFFFFFFC0];
	_ =	sdelay $0x4  }
0x35: {  	v2 =	vand.u32 $0x3FFF, v1  }
0x36: {  	v1 =	vshra.s32 v1, $0xE;
	[tilespmem:$0x4600] =	vst v2  }
0x37: {  	[tilespmem:$0x4680] =	vst v1  }
0x38: {  	v1 =	vld [tilespmem:s22+$0xFFFFFFD0];
	_ =	sdelay $0x4  }
0x39: {  	v2 =	vand.u32 $0x3FFF, v1  }
0x3a: {  	v1 =	vshra.s32 v1, $0xE;
	[tilespmem:$0x4610] =	vst v2  }
0x3b: {  	[tilespmem:$0x4690] =	vst v1  }
0x3c: {  	v1 =	vld [tilespmem:s22+$0xFFFFFFE0];
	_ =	sdelay $0x4  }
0x3d: {  	v2 =	vand.u32 $0x3FFF, v1  }
0x3e: {  	v1 =	vshra.s32 v1, $0xE;
	[tilespmem:$0x4620] =	vst v2  }
0x3f: {  	[tilespmem:$0x46A0] =	vst v1  }
0x40: {  	v1 =	vld [tilespmem:s22+$0xFFFFFFF0];
	_ =	sdelay $0x4  }
0x41: {  	v2 =	vand.u32 $0x3FFF, v1  }
0x42: {  	v1 =	vshra.s32 v1, $0xE;
	[tilespmem:$0x4630] =	vst v2  }
0x43: {  	[tilespmem:$0x46B0] =	vst v1  }
0x44: {  	v1 =	vld [tilespmem:s22+$0x0];
	_ =	sdelay $0x4  }
0x45: {  	v2 =	vand.u32 $0x3FFF, v1  }
0x46: {  	v1 =	vshra.s32 v1, $0xE;
	[tilespmem:$0x4640] =	vst v2  }
0x47: {  	[tilespmem:$0x46C0] =	vst v1  }
0x48: {  	v1 =	vld [tilespmem:s22+$0x10];
	_ =	sdelay $0x4  }
0x49: {  	v2 =	vand.u32 $0x3FFF, v1  }
0x4a: {  	v1 =	vshra.s32 v1, $0xE;
	[tilespmem:$0x4650] =	vst v2  }
0x4b: {  	[tilespmem:$0x46D0] =	vst v1  }
0x4c: {  	v1 =	vld [tilespmem:s22+$0x20];
	_ =	sdelay $0x4  }
0x4d: {  	v2 =	vand.u32 $0x3FFF, v1  }
0x4e: {  	v1 =	vshra.s32 v1, $0xE;
	[tilespmem:$0x4660] =	vst v2  }
0x4f: {  	[tilespmem:$0x46E0] =	vst v1  }
0x50: {  	v1 =	vld [tilespmem:s22+$0x30]  }
0x51: {  	p0 =	sne.s32 s11, $0x1  }
.Ltmp1:
0x52: {  	_ = 	snop;
	(pc) =	sbr.rel @!p0 .LBB2_5-.Ltmp1, $3  }
0x53: {  	_ =	sdelay $0x1  }
0x54: {  	v2 =	vand.u32 $0x3FFF, v1  }
0x55: {  	s23 =	sadd.s32 $0xFFFFFFFF, s11;
	v1 =	vshra.s32 v1, $0xE;
	[tilespmem:$0x4670] =	vst v2  }
.LBB2_4:
0x56: {  	p0 =	sne.s32 s23, $0x1;
	s23 =	sadd.s32 $0xFFFFFFFF, s23;
	[tilespmem:$0x46F0] =	vst v1;
	s22 =	sadd.s32 $0x80, s22  }
0x57: {  	[tilespmem:s14], [sflag:$0x1] =	stream.indirect.gather [hbm4b:s4+s16], $0x40, s17, s16, $0xb8;
	[tilespmem:$0x10700] =	vst v63  }
0x58: {  	_ =	swait.ge [sflag:s15], $0x2000  }
0x59: {  	[sflag:s15] =	ssyncset.done $0x0  }
0x5a: {  	[sflag:s15] =	ssyncadd.s32 $0xFFFFE000  }
0x5b: {  	[spmem:s2] =	stream.indirect.scatter.add.f32 [tilespmem:s14], [sflag:$0x1], $0x40, s18, s16, $0xb8;
	[tilespmem:$0x10700] =	vst v63  }
0x5c: {  	_ =	swait.ge [sflag:s15], $0x2000  }
0x5d: {  	[sflag:s15] =	ssyncset.done $0x0  }
0x5e: {  	[sflag:s15] =	ssyncadd.s32 $0xFFFFE000  }
0x5f: {  	v1 =	vld [tilespmem:s22+$0xFFFFFFC0];
	_ =	sdelay $0x4  }
0x60: {  	v2 =	vand.u32 $0x3FFF, v1;
	v1 =	vshra.s32 v1, $0xE  }
0x61: {  	[tilespmem:$0x4600] =	vst v2  }
0x62: {  	[tilespmem:$0x4680] =	vst v1  }
0x63: {  	v1 =	vld [tilespmem:s22+$0xFFFFFFD0];
	_ =	sdelay $0x4  }
0x64: {  	v2 =	vand.u32 $0x3FFF, v1;
	v1 =	vshra.s32 v1, $0xE  }
0x65: {  	[tilespmem:$0x4610] =	vst v2  }
0x66: {  	[tilespmem:$0x4690] =	vst v1  }
0x67: {  	v1 =	vld [tilespmem:s22+$0xFFFFFFE0];
	_ =	sdelay $0x4  }
0x68: {  	v2 =	vand.u32 $0x3FFF, v1;
	v1 =	vshra.s32 v1, $0xE  }
0x69: {  	[tilespmem:$0x4620] =	vst v2  }
0x6a: {  	[tilespmem:$0x46A0] =	vst v1  }
0x6b: {  	v1 =	vld [tilespmem:s22+$0xFFFFFFF0];
	_ =	sdelay $0x4  }
0x6c: {  	v2 =	vand.u32 $0x3FFF, v1;
	v1 =	vshra.s32 v1, $0xE  }
0x6d: {  	[tilespmem:$0x4630] =	vst v2  }
0x6e: {  	[tilespmem:$0x46B0] =	vst v1  }
0x6f: {  	v1 =	vld [tilespmem:s22+$0x0];
	_ =	sdelay $0x4  }
0x70: {  	v2 =	vand.u32 $0x3FFF, v1;
	v1 =	vshra.s32 v1, $0xE  }
0x71: {  	[tilespmem:$0x4640] =	vst v2  }
0x72: {  	[tilespmem:$0x46C0] =	vst v1  }
0x73: {  	v1 =	vld [tilespmem:s22+$0x10];
	_ =	sdelay $0x4  }
0x74: {  	v2 =	vand.u32 $0x3FFF, v1;
	v1 =	vshra.s32 v1, $0xE  }
0x75: {  	[tilespmem:$0x4650] =	vst v2  }
0x76: {  	[tilespmem:$0x46D0] =	vst v1  }
0x77: {  	v1 =	vld [tilespmem:s22+$0x20];
	_ =	sdelay $0x4  }
0x78: {  	v2 =	vand.u32 $0x3FFF, v1;
	v1 =	vshra.s32 v1, $0xE  }
0x79: {  	[tilespmem:$0x4660] =	vst v2  }
0x7a: {  	[tilespmem:$0x46E0] =	vst v1  }
0x7b: {  	v1 =	vld [tilespmem:s22+$0x30];
	_ =	sdelay $0x1  }
.Ltmp2:
0x7c: {  	(pc) =	sbr.rel @p0 .LBB2_4-.Ltmp2, $3  }
0x7d: {  	_ =	sdelay $0x1  }
0x7e: {  	v2 =	vand.u32 $0x3FFF, v1;
	v1 =	vshra.s32 v1, $0xE  }
0x7f: {  	[tilespmem:$0x4670] =	vst v2  }
.LBB2_5:
0x80: {  	[tilespmem:$0x46F0] =	vst v1  }
0x81: {  	[tilespmem:s14], [sflag:$0x1] =	stream.indirect.gather [hbm4b:s4+s16], $0x40, s17, s16, $0xb8;
	[tilespmem:$0x10700] =	vst v63  }
0x82: {  	_ =	swait.ge [sflag:s15], $0x2000  }
0x83: {  	[sflag:s15] =	ssyncset.done $0x0  }
0x84: {  	[sflag:s15] =	ssyncadd.s32 $0xFFFFE000  }
0x85: {  	[spmem:s2] =	stream.indirect.scatter.add.f32 [tilespmem:s14], [sflag:$0x1], $0x40, s18, s16, $0xb8;
	[tilespmem:$0x10700] =	vst v63  }
0x86: {  	_ =	swait.ge [sflag:s15], $0x2000  }
0x87: {  	s21 =	sadd.s32 $0x1, s21;
	[sflag:s15] =	ssyncset.done $0x0  }
0x88: {  	p0 =	sne.s32 s21, s12;
	[sflag:s15] =	ssyncadd.s32 $0xFFFFE000  }
.Ltmp3:
0x89: {  	[bflag:$0x0] =	sbarrier.arrive $0xFFFF;
	(pc) =	sbr.rel @p0 .LBB2_1-.Ltmp3, $4  }
0x8a: {  	[hbm:s13], [sflag:s19] =	dma.local [spmem:s20], $0x1400  }
0x8b: {  	_ =	swait.ge [sflag:s15], $0x1400  }
0x8c: {  	[sflag:s15] =	ssyncset.done $0x0  }
0x8d: {  	[sflag:s15] =	ssyncadd.s32 $0xFFFFEC00  }
0x8e: {  	_ =	sfence.sel $0x180000  }
0x8f: {  	[bflag:$0x0] =	sbarrier.arrive $0xFFFF  }
0x90: {  	p0 =	sne.s32 s1, $0x0;
	_ =	strace $0x90000050  }
0x91: {  	s0 =	sadd.s32 @!p0 $0x100000, s0;
	[bflag:$0x2] =	sbarrier.arrive $0xFFFF  }
0x92: {  	[sflag:s0] =	ssyncadd.tile.s32 @!p0 $0x1;
	_ =	shalt  }
.Lfunc_end2:
_tile_overlayer_lowered:
.L_overlay_start_2:
0x93: {  	(tag) =	ssettag $0x2  }
0x94: {  	s0 =	rddreg [dreg:$0x0];
	s2 =	stileid.u32  }
0x95: {  	s1 =	rddreg [dreg:$0x1];
	p0 =	sne.s32 s2, $0x0  }
0x96: {  	s3 =	rddreg [dreg:$0x2];
	[bflag:$0x3] =	sbarrier.arrive $0xFFFF;
	s2 =	simm.s32 @!p0 $0x1C01  }
0x97: {  	[timem:s3], [sflag:s2] =	dma.local @!p0 [hbm:s0], s1  }
0x98: {  	s0 =	simm.s32 @!p0 $0x1  }
0x99: {  	_ =	swait.ge @!p0 [sflag:s0], s1  }
0x9a: {  	s1 =	ssub.s32 @!p0 $0x0, s1;
	[sflag:s0] =	ssyncset.done @!p0 $0x0  }
0x9b: {  	[sflag:s0] =	ssyncadd.s32 @!p0 s1  }
0x9c: {  	[bflag:$0x3] =	sbarrier.arrive $0xFFFF  }
0x9d: {  	_ =	shalt  }

</sc_bundles>
